<compile_context>
chip_gen: v7x
topology: tpu7x:2x2x1
jax: 0.10.2.dev20260603
libtpu: 0.0.44.dev20260713+nightly
codegen_flags: <defaults>
</compile_context>

<pallas_src>
import functools

import jax
import jax.numpy as jnp
from jax import lax
from jax.experimental import pallas as pl
from jax.experimental.pallas import tpu as pltpu
from jax.experimental.pallas import tpu_sc as plsc

V = 100000
P = 256
C = 3
B = 16384
NC = 2
NS = 16
NW = NC * NS
B_PER_W = B // NW
CHUNK = 64
NCHUNK = B_PER_W // CHUNK
NBUF = 4


@functools.partial(
    pl.kernel,
    out_type=jax.ShapeDtypeStruct((C, B, P), jnp.float32),
    mesh=plsc.VectorSubcoreMesh(core_axis_name="c", subcore_axis_name="s"),
    scratch_types=[
        pltpu.VMEM((B_PER_W,), jnp.int32),
        [pltpu.VMEM((CHUNK, P), jnp.float32) for _ in range(NBUF)],
        [pltpu.SemaphoreType.DMA for _ in range(NBUF)],
        [pltpu.SemaphoreType.DMA for _ in range(NBUF)],
    ],
)
def _gather_rows(idx_hbm, table_hbm, out_hbm, idx_v, bufs, gsems, ssems):
    wid = lax.axis_index("s") * NC + lax.axis_index("c")
    base = wid * B_PER_W
    pltpu.sync_copy(idx_hbm.at[pl.ds(base, B_PER_W)], idx_v)
    steps = [(p, c) for p in range(C) for c in range(NCHUNK)]
    n = len(steps)
    la = NBUF - 1

    def start_gather(i):
        p, c = steps[i]
        return pltpu.async_copy(
            table_hbm.at[p].at[idx_v.at[pl.ds(c * CHUNK, CHUNK)]],
            bufs[i % NBUF],
            gsems[i % NBUF],
        )

    def start_store(i):
        p, c = steps[i]
        return pltpu.async_copy(
            bufs[i % NBUF],
            out_hbm.at[p].at[pl.ds(base + c * CHUNK, CHUNK)],
            ssems[i % NBUF],
        )

    gathers = [None] * n
    stores = [None] * n
    for j in range(min(la, n)):
        gathers[j] = start_gather(j)
    for i in range(n):
        nxt = i + la
        if nxt < n:
            if nxt - NBUF >= 0:
                stores[nxt - NBUF].wait()
            gathers[nxt] = start_gather(nxt)
        gathers[i].wait()
        stores[i] = start_store(i)
    for i in range(max(0, n - NBUF), n):
        stores[i].wait()


def kernel(class_number, embedding):
    table = jnp.transpose(embedding, (2, 0, 1))
    out = _gather_rows(class_number, table)
    return jnp.transpose(out, (1, 2, 0))

# --- scband reference (transcript-rebuilt; emitter-appended) ---
"""Pipeline reference for scband-multi-vector-embedding-62766652063764 (READ-ONLY COPY).

The authoritative reference and input builder live on the scoring server;
editing this copy changes nothing except your own understanding.
"""

import jax, jax.numpy as jnp
import numpy as np

NUM_CLASSES = 100000
NUM_LATENT_POINTS = 256
BATCH = 16384


def setup_inputs(seed: int = 0) -> dict:
    key = jax.random.key(seed)
    k_idx, k_emb = jax.random.split(key)
    class_number = jax.random.randint(k_idx, (BATCH,), 0, NUM_CLASSES, dtype=jnp.int64 if jax.config.jax_enable_x64 else jnp.int32)
    embedding = jax.random.normal(k_emb, (NUM_CLASSES, NUM_LATENT_POINTS, 3), dtype=jnp.float32)
    return {"class_number": class_number, "embedding": embedding}


def reference(class_number, embedding):
    # Faithful translation of MultiVectorEmbedding.forward:
    # return self.embedding[class_number]
    return jnp.take(embedding, class_number, axis=0)

if __name__ == "__main__":
    import jax
    _d = setup_inputs()
    print(jax.jit(kernel)(*tuple(_d.values())))

</pallas_src>

<mosaic_0001>
#map = affine_map<(d0, d1) -> (0)>
#map1 = affine_map<(d0, d1) -> (0, 0, 0)>
module attributes {stable_mosaic.version = 14 : i64} {
  func.func @_gather_rows(%arg0: i32, %arg1: i32, %arg2: memref<16384xi32, #tpu.memory_space<hbm>>, %arg3: memref<3x100000x256xf32, #tpu.memory_space<hbm>>, %arg4: memref<3x16384x256xf32, #tpu.memory_space<hbm>>, %arg5: memref<512xi32, #tpu.memory_space<vmem>>, %arg6: memref<64x256xf32, #tpu.memory_space<vmem>>, %arg7: memref<64x256xf32, #tpu.memory_space<vmem>>, %arg8: memref<64x256xf32, #tpu.memory_space<vmem>>, %arg9: memref<64x256xf32, #tpu.memory_space<vmem>>, %arg10: memref<!tpu.dma_semaphore, #tpu.memory_space<semaphore_mem>>, %arg11: memref<!tpu.dma_semaphore, #tpu.memory_space<semaphore_mem>>, %arg12: memref<!tpu.dma_semaphore, #tpu.memory_space<semaphore_mem>>, %arg13: memref<!tpu.dma_semaphore, #tpu.memory_space<semaphore_mem>>, %arg14: memref<!tpu.dma_semaphore, #tpu.memory_space<semaphore_mem>>, %arg15: memref<!tpu.dma_semaphore, #tpu.memory_space<semaphore_mem>>, %arg16: memref<!tpu.dma_semaphore, #tpu.memory_space<semaphore_mem>>, %arg17: memref<!tpu.dma_semaphore, #tpu.memory_space<semaphore_mem>>) attributes {dimension_semantics = [#tpu.dimension_semantics<core_parallel>, #tpu.dimension_semantics<subcore_parallel>], iteration_bounds = array<i64: 2, 16>, scalar_prefetch = 0 : i64, scratch_operands = 13 : i64, tpu.core_type = #tpu.core_type<sc_vector_subcore>, window_params = [{transform_indices = #map}, {transform_indices = #map1}, {transform_indices = #map1}]} {
    %mul3A = arith.constant 2 : i32
    %mul3A_0 = arith.muli %arg1, %mul3A : i32
    %add3A = arith.addi %mul3A_0, %arg0 : i32
    %mul3A_1 = arith.constant 512 : i32
    %mul3A_2 = arith.muli %add3A, %mul3A_1 : i32
    "tpu.region"() ({
      %run_scoped3A = tpu.sem_alloc : memref<!tpu.dma_semaphore, #tpu.memory_space<semaphore_mem>>
      %dma_start3A_1153 = tpu.memref_slice %arg2[%mul3A_2] : memref<16384xi32, #tpu.memory_space<hbm>> -> memref<512xi32, #tpu.memory_space<hbm>>
      %dma_start3A_1154 = tpu.memref_slice %arg2[%mul3A_2] : memref<16384xi32, #tpu.memory_space<hbm>> -> memref<512xi32, #tpu.memory_space<hbm>>
      tpu.enqueue_dma source(%dma_start3A_1154 : memref<512xi32, #tpu.memory_space<hbm>>) target(%arg5 : memref<512xi32, #tpu.memory_space<vmem>>) target_semaphore(%run_scoped3A : memref<!tpu.dma_semaphore, #tpu.memory_space<semaphore_mem>>)
      %dma_wait3A_1155 = tpu.memref_slice %arg2[%mul3A_2] : memref<16384xi32, #tpu.memory_space<hbm>> -> memref<512xi32, #tpu.memory_space<hbm>>
      %dma_wait3A_1156 = tpu.memref_slice %arg2[%mul3A_2] : memref<16384xi32, #tpu.memory_space<hbm>> -> memref<512xi32, #tpu.memory_space<hbm>>
      tpu.wait_dma2 semaphore(%run_scoped3A : memref<!tpu.dma_semaphore, #tpu.memory_space<semaphore_mem>>) src(%dma_wait3A_1156 : memref<512xi32, #tpu.memory_space<hbm>>) dst(%arg5 : memref<512xi32, #tpu.memory_space<vmem>>)
      tpu.yield
    }) : () -> ()
    %dma_start3A = arith.constant 0 : i32
    %dma_start3A_3 = arith.constant 0 : i32
    %dma_start3A_4 = tpu.memref_slice %arg5[%dma_start3A_3] : memref<512xi32, #tpu.memory_space<vmem>> -> memref<64xi32, #tpu.memory_space<vmem>>
    %dma_start3A_5 = arith.constant 0 : i32
    %dma_start3A_6 = arith.constant 0 : i32
    %dma_start3A_7 = tpu.memref_slice %arg3[%dma_start3A, %dma_start3A_5, %dma_start3A_6] : memref<3x100000x256xf32, #tpu.memory_space<hbm>> -> memref<1x100000x256xf32, #tpu.memory_space<hbm>>
    %dma_start3A_8 = tpu.memref_squeeze %dma_start3A_7 : memref<1x100000x256xf32, #tpu.memory_space<hbm>> -> memref<100000x256xf32, #tpu.memory_space<hbm>>
    %dma_start3A_9 = arith.constant 0 : i32
    %dma_start3A_10 = arith.constant 0 : i32
    %dma_start3A_11 = tpu.memref_slice %dma_start3A_8[%dma_start3A_9, %dma_start3A_10] : memref<100000x256xf32, #tpu.memory_space<hbm>> -> memref<100000x256xf32, #tpu.memory_space<hbm>>
    tpu.enqueue_indirect_dma source(%dma_start3A_11 : memref<100000x256xf32, #tpu.memory_space<hbm>>) target(%arg6 : memref<64x256xf32, #tpu.memory_space<vmem>>) offsets(%dma_start3A_4 : memref<64xi32, #tpu.memory_space<vmem>>) semaphore(%arg10 : memref<!tpu.dma_semaphore, #tpu.memory_space<semaphore_mem>>)
    %dma_start3A_12 = arith.constant 0 : i32
    %dma_start3A_13 = arith.constant 64 : i32
    %dma_start3A_14 = tpu.memref_slice %arg5[%dma_start3A_13] : memref<512xi32, #tpu.memory_space<vmem>> -> memref<64xi32, #tpu.memory_space<vmem>>
    %dma_start3A_15 = arith.constant 0 : i32
    %dma_start3A_16 = arith.constant 0 : i32
    %dma_start3A_17 = tpu.memref_slice %arg3[%dma_start3A_12, %dma_start3A_15, %dma_start3A_16] : memref<3x100000x256xf32, #tpu.memory_space<hbm>> -> memref<1x100000x256xf32, #tpu.memory_space<hbm>>
    %dma_start3A_18 = tpu.memref_squeeze %dma_start3A_17 : memref<1x100000x256xf32, #tpu.memory_space<hbm>> -> memref<100000x256xf32, #tpu.memory_space<hbm>>
    %dma_start3A_19 = arith.constant 0 : i32
    %dma_start3A_20 = arith.constant 0 : i32
    %dma_start3A_21 = tpu.memref_slice %dma_start3A_18[%dma_start3A_19, %dma_start3A_20] : memref<100000x256xf32, #tpu.memory_space<hbm>> -> memref<100000x256xf32, #tpu.memory_space<hbm>>
    tpu.enqueue_indirect_dma source(%dma_start3A_21 : memref<100000x256xf32, #tpu.memory_space<hbm>>) target(%arg7 : memref<64x256xf32, #tpu.memory_space<vmem>>) offsets(%dma_start3A_14 : memref<64xi32, #tpu.memory_space<vmem>>) semaphore(%arg11 : memref<!tpu.dma_semaphore, #tpu.memory_space<semaphore_mem>>)
    %dma_start3A_22 = arith.constant 0 : i32
    %dma_start3A_23 = arith.constant 128 : i32
    %dma_start3A_24 = tpu.memref_slice %arg5[%dma_start3A_23] : memref<512xi32, #tpu.memory_space<vmem>> -> memref<64xi32, #tpu.memory_space<vmem>>
    %dma_start3A_25 = arith.constant 0 : i32
    %dma_start3A_26 = arith.constant 0 : i32
    %dma_start3A_27 = tpu.memref_slice %arg3[%dma_start3A_22, %dma_start3A_25, %dma_start3A_26] : memref<3x100000x256xf32, #tpu.memory_space<hbm>> -> memref<1x100000x256xf32, #tpu.memory_space<hbm>>
    %dma_start3A_28 = tpu.memref_squeeze %dma_start3A_27 : memref<1x100000x256xf32, #tpu.memory_space<hbm>> -> memref<100000x256xf32, #tpu.memory_space<hbm>>
    %dma_start3A_29 = arith.constant 0 : i32
    %dma_start3A_30 = arith.constant 0 : i32
    %dma_start3A_31 = tpu.memref_slice %dma_start3A_28[%dma_start3A_29, %dma_start3A_30] : memref<100000x256xf32, #tpu.memory_space<hbm>> -> memref<100000x256xf32, #tpu.memory_space<hbm>>
    tpu.enqueue_indirect_dma source(%dma_start3A_31 : memref<100000x256xf32, #tpu.memory_space<hbm>>) target(%arg8 : memref<64x256xf32, #tpu.memory_space<vmem>>) offsets(%dma_start3A_24 : memref<64xi32, #tpu.memory_space<vmem>>) semaphore(%arg12 : memref<!tpu.dma_semaphore, #tpu.memory_space<semaphore_mem>>)
    %dma_start3A_32 = arith.constant 0 : i32
    %dma_start3A_33 = arith.constant 192 : i32
    %dma_start3A_34 = tpu.memref_slice %arg5[%dma_start3A_33] : memref<512xi32, #tpu.memory_space<vmem>> -> memref<64xi32, #tpu.memory_space<vmem>>
    %dma_start3A_35 = arith.constant 0 : i32
    %dma_start3A_36 = arith.constant 0 : i32
    %dma_start3A_37 = tpu.memref_slice %arg3[%dma_start3A_32, %dma_start3A_35, %dma_start3A_36] : memref<3x100000x256xf32, #tpu.memory_space<hbm>> -> memref<1x100000x256xf32, #tpu.memory_space<hbm>>
    %dma_start3A_38 = tpu.memref_squeeze %dma_start3A_37 : memref<1x100000x256xf32, #tpu.memory_space<hbm>> -> memref<100000x256xf32, #tpu.memory_space<hbm>>
    %dma_start3A_39 = arith.constant 0 : i32
    %dma_start3A_40 = arith.constant 0 : i32
    %dma_start3A_41 = tpu.memref_slice %dma_start3A_38[%dma_start3A_39, %dma_start3A_40] : memref<100000x256xf32, #tpu.memory_space<hbm>> -> memref<100000x256xf32, #tpu.memory_space<hbm>>
    tpu.enqueue_indirect_dma source(%dma_start3A_41 : memref<100000x256xf32, #tpu.memory_space<hbm>>) target(%arg9 : memref<64x256xf32, #tpu.memory_space<vmem>>) offsets(%dma_start3A_34 : memref<64xi32, #tpu.memory_space<vmem>>) semaphore(%arg13 : memref<!tpu.dma_semaphore, #tpu.memory_space<semaphore_mem>>)
    %dma_wait3A = arith.constant 0 : i32
    %dma_wait3A_42 = arith.constant 0 : i32
    %dma_wait3A_43 = tpu.memref_slice %arg5[%dma_wait3A_42] : memref<512xi32, #tpu.memory_space<vmem>> -> memref<64xi32, #tpu.memory_space<vmem>>
    %dma_wait3A_44 = arith.constant 0 : i32
    %dma_wait3A_45 = arith.constant 0 : i32
    %dma_wait3A_46 = tpu.memref_slice %arg3[%dma_wait3A, %dma_wait3A_44, %dma_wait3A_45] : memref<3x100000x256xf32, #tpu.memory_space<hbm>> -> memref<1x100000x256xf32, #tpu.memory_space<hbm>>
    %dma_wait3A_47 = tpu.memref_squeeze %dma_wait3A_46 : memref<1x100000x256xf32, #tpu.memory_space<hbm>> -> memref<100000x256xf32, #tpu.memory_space<hbm>>
    %dma_wait3A_48 = arith.constant 0 : i32
    %dma_wait3A_49 = arith.constant 0 : i32
    %dma_wait3A_50 = tpu.memref_slice %dma_wait3A_47[%dma_wait3A_48, %dma_wait3A_49] : memref<100000x256xf32, #tpu.memory_space<hbm>> -> memref<100000x256xf32, #tpu.memory_space<hbm>>
    tpu.wait_indirect_dma semaphore(%arg10 : memref<!tpu.dma_semaphore, #tpu.memory_space<semaphore_mem>>) src(%dma_wait3A_50 : memref<100000x256xf32, #tpu.memory_space<hbm>>) dst(%arg6 : memref<64x256xf32, #tpu.memory_space<vmem>>)
    %add3A_51 = arith.constant 0 : i32
    %add3A_52 = arith.addi %mul3A_2, %add3A_51 : i32
    %dma_start3A_53 = arith.constant 0 : i32
    %dma_start3A_54 = arith.constant 0 : i32
    %dma_start3A_55 = arith.constant 0 : i32
    %dma_start3A_56 = tpu.memref_slice %arg4[%dma_start3A_53, %dma_start3A_54, %dma_start3A_55] : memref<3x16384x256xf32, #tpu.memory_space<hbm>> -> memref<1x16384x256xf32, #tpu.memory_space<hbm>>
    %dma_start3A_57 = tpu.memref_squeeze %dma_start3A_56 : memref<1x16384x256xf32, #tpu.memory_space<hbm>> -> memref<16384x256xf32, #tpu.memory_space<hbm>>
    %dma_start3A_58 = arith.constant 0 : i32
    %dma_start3A_59 = tpu.memref_slice %dma_start3A_57[%add3A_52, %dma_start3A_58] : memref<16384x256xf32, #tpu.memory_space<hbm>> -> memref<64x256xf32, #tpu.memory_space<hbm>>
    %dma_start3A_60 = arith.constant 0 : i32
    %dma_start3A_61 = arith.constant 0 : i32
    %dma_start3A_62 = tpu.memref_slice %arg4[%dma_start3A_53, %dma_start3A_60, %dma_start3A_61] : memref<3x16384x256xf32, #tpu.memory_space<hbm>> -> memref<1x16384x256xf32, #tpu.memory_space<hbm>>
    %dma_start3A_63 = tpu.memref_squeeze %dma_start3A_62 : memref<1x16384x256xf32, #tpu.memory_space<hbm>> -> memref<16384x256xf32, #tpu.memory_space<hbm>>
    %dma_start3A_64 = arith.constant 0 : i32
    %dma_start3A_65 = tpu.memref_slice %dma_start3A_63[%add3A_52, %dma_start3A_64] : memref<16384x256xf32, #tpu.memory_space<hbm>> -> memref<64x256xf32, #tpu.memory_space<hbm>>
    tpu.enqueue_dma source(%arg6 : memref<64x256xf32, #tpu.memory_space<vmem>>) target(%dma_start3A_65 : memref<64x256xf32, #tpu.memory_space<hbm>>) target_semaphore(%arg14 : memref<!tpu.dma_semaphore, #tpu.memory_space<semaphore_mem>>)
    %dma_wait3A_66 = arith.constant 0 : i32
    %dma_wait3A_67 = arith.constant 0 : i32
    %dma_wait3A_68 = arith.constant 0 : i32
    %dma_wait3A_69 = tpu.memref_slice %arg4[%dma_wait3A_66, %dma_wait3A_67, %dma_wait3A_68] : memref<3x16384x256xf32, #tpu.memory_space<hbm>> -> memref<1x16384x256xf32, #tpu.memory_space<hbm>>
    %dma_wait3A_70 = tpu.memref_squeeze %dma_wait3A_69 : memref<1x16384x256xf32, #tpu.memory_space<hbm>> -> memref<16384x256xf32, #tpu.memory_space<hbm>>
    %dma_wait3A_71 = arith.constant 0 : i32
    %dma_wait3A_72 = tpu.memref_slice %dma_wait3A_70[%add3A_52, %dma_wait3A_71] : memref<16384x256xf32, #tpu.memory_space<hbm>> -> memref<64x256xf32, #tpu.memory_space<hbm>>
    %dma_wait3A_73 = arith.constant 0 : i32
    %dma_wait3A_74 = arith.constant 0 : i32
    %dma_wait3A_75 = tpu.memref_slice %arg4[%dma_wait3A_66, %dma_wait3A_73, %dma_wait3A_74] : memref<3x16384x256xf32, #tpu.memory_space<hbm>> -> memref<1x16384x256xf32, #tpu.memory_space<hbm>>
    %dma_wait3A_76 = tpu.memref_squeeze %dma_wait3A_75 : memref<1x16384x256xf32, #tpu.memory_space<hbm>> -> memref<16384x256xf32, #tpu.memory_space<hbm>>
    %dma_wait3A_77 = arith.constant 0 : i32
    %dma_wait3A_78 = tpu.memref_slice %dma_wait3A_76[%add3A_52, %dma_wait3A_77] : memref<16384x256xf32, #tpu.memory_space<hbm>> -> memref<64x256xf32, #tpu.memory_space<hbm>>
    tpu.wait_dma2 semaphore(%arg14 : memref<!tpu.dma_semaphore, #tpu.memory_space<semaphore_mem>>) src(%arg6 : memref<64x256xf32, #tpu.memory_space<vmem>>) dst(%dma_wait3A_78 : memref<64x256xf32, #tpu.memory_space<hbm>>)
    %dma_start3A_79 = arith.constant 0 : i32
    %dma_start3A_80 = arith.constant 256 : i32
    %dma_start3A_81 = tpu.memref_slice %arg5[%dma_start3A_80] : memref<512xi32, #tpu.memory_space<vmem>> -> memref<64xi32, #tpu.memory_space<vmem>>
    %dma_start3A_82 = arith.constant 0 : i32
    %dma_start3A_83 = arith.constant 0 : i32
    %dma_start3A_84 = tpu.memref_slice %arg3[%dma_start3A_79, %dma_start3A_82, %dma_start3A_83] : memref<3x100000x256xf32, #tpu.memory_space<hbm>> -> memref<1x100000x256xf32, #tpu.memory_space<hbm>>
    %dma_start3A_85 = tpu.memref_squeeze %dma_start3A_84 : memref<1x100000x256xf32, #tpu.memory_space<hbm>> -> memref<100000x256xf32, #tpu.memory_space<hbm>>
    %dma_start3A_86 = arith.constant 0 : i32
    %dma_start3A_87 = arith.constant 0 : i32
    %dma_start3A_88 = tpu.memref_slice %dma_start3A_85[%dma_start3A_86, %dma_start3A_87] : memref<100000x256xf32, #tpu.memory_space<hbm>> -> memref<100000x256xf32, #tpu.memory_space<hbm>>
    tpu.enqueue_indirect_dma source(%dma_start3A_88 : memref<100000x256xf32, #tpu.memory_space<hbm>>) target(%arg6 : memref<64x256xf32, #tpu.memory_space<vmem>>) offsets(%dma_start3A_81 : memref<64xi32, #tpu.memory_space<vmem>>) semaphore(%arg10 : memref<!tpu.dma_semaphore, #tpu.memory_space<semaphore_mem>>)
    %dma_wait3A_89 = arith.constant 0 : i32
    %dma_wait3A_90 = arith.constant 64 : i32
    %dma_wait3A_91 = tpu.memref_slice %arg5[%dma_wait3A_90] : memref<512xi32, #tpu.memory_space<vmem>> -> memref<64xi32, #tpu.memory_space<vmem>>
    %dma_wait3A_92 = arith.constant 0 : i32
    %dma_wait3A_93 = arith.constant 0 : i32
    %dma_wait3A_94 = tpu.memref_slice %arg3[%dma_wait3A_89, %dma_wait3A_92, %dma_wait3A_93] : memref<3x100000x256xf32, #tpu.memory_space<hbm>> -> memref<1x100000x256xf32, #tpu.memory_space<hbm>>
    %dma_wait3A_95 = tpu.memref_squeeze %dma_wait3A_94 : memref<1x100000x256xf32, #tpu.memory_space<hbm>> -> memref<100000x256xf32, #tpu.memory_space<hbm>>
    %dma_wait3A_96 = arith.constant 0 : i32
    %dma_wait3A_97 = arith.constant 0 : i32
    %dma_wait3A_98 = tpu.memref_slice %dma_wait3A_95[%dma_wait3A_96, %dma_wait3A_97] : memref<100000x256xf32, #tpu.memory_space<hbm>> -> memref<100000x256xf32, #tpu.memory_space<hbm>>
    tpu.wait_indirect_dma semaphore(%arg11 : memref<!tpu.dma_semaphore, #tpu.memory_space<semaphore_mem>>) src(%dma_wait3A_98 : memref<100000x256xf32, #tpu.memory_space<hbm>>) dst(%arg7 : memref<64x256xf32, #tpu.memory_space<vmem>>)
    %add3A_99 = arith.constant 64 : i32
    %add3A_100 = arith.addi %mul3A_2, %add3A_99 : i32
    %dma_start3A_101 = arith.constant 0 : i32
    %dma_start3A_102 = arith.constant 0 : i32
    %dma_start3A_103 = arith.constant 0 : i32
    %dma_start3A_104 = tpu.memref_slice %arg4[%dma_start3A_101, %dma_start3A_102, %dma_start3A_103] : memref<3x16384x256xf32, #tpu.memory_space<hbm>> -> memref<1x16384x256xf32, #tpu.memory_space<hbm>>
    %dma_start3A_105 = tpu.memref_squeeze %dma_start3A_104 : memref<1x16384x256xf32, #tpu.memory_space<hbm>> -> memref<16384x256xf32, #tpu.memory_space<hbm>>
    %dma_start3A_106 = arith.constant 0 : i32
    %dma_start3A_107 = tpu.memref_slice %dma_start3A_105[%add3A_100, %dma_start3A_106] : memref<16384x256xf32, #tpu.memory_space<hbm>> -> memref<64x256xf32, #tpu.memory_space<hbm>>
    %dma_start3A_108 = arith.constant 0 : i32
    %dma_start3A_109 = arith.constant 0 : i32
    %dma_start3A_110 = tpu.memref_slice %arg4[%dma_start3A_101, %dma_start3A_108, %dma_start3A_109] : memref<3x16384x256xf32, #tpu.memory_space<hbm>> -> memref<1x16384x256xf32, #tpu.memory_space<hbm>>
    %dma_start3A_111 = tpu.memref_squeeze %dma_start3A_110 : memref<1x16384x256xf32, #tpu.memory_space<hbm>> -> memref<16384x256xf32, #tpu.memory_space<hbm>>
    %dma_start3A_112 = arith.constant 0 : i32
    %dma_start3A_113 = tpu.memref_slice %dma_start3A_111[%add3A_100, %dma_start3A_112] : memref<16384x256xf32, #tpu.memory_space<hbm>> -> memref<64x256xf32, #tpu.memory_space<hbm>>
    tpu.enqueue_dma source(%arg7 : memref<64x256xf32, #tpu.memory_space<vmem>>) target(%dma_start3A_113 : memref<64x256xf32, #tpu.memory_space<hbm>>) target_semaphore(%arg15 : memref<!tpu.dma_semaphore, #tpu.memory_space<semaphore_mem>>)
    %dma_wait3A_114 = arith.constant 0 : i32
    %dma_wait3A_115 = arith.constant 0 : i32
    %dma_wait3A_116 = arith.constant 0 : i32
    %dma_wait3A_117 = tpu.memref_slice %arg4[%dma_wait3A_114, %dma_wait3A_115, %dma_wait3A_116] : memref<3x16384x256xf32, #tpu.memory_space<hbm>> -> memref<1x16384x256xf32, #tpu.memory_space<hbm>>
    %dma_wait3A_118 = tpu.memref_squeeze %dma_wait3A_117 : memref<1x16384x256xf32, #tpu.memory_space<hbm>> -> memref<16384x256xf32, #tpu.memory_space<hbm>>
    %dma_wait3A_119 = arith.constant 0 : i32
    %dma_wait3A_120 = tpu.memref_slice %dma_wait3A_118[%add3A_100, %dma_wait3A_119] : memref<16384x256xf32, #tpu.memory_space<hbm>> -> memref<64x256xf32, #tpu.memory_space<hbm>>
    %dma_wait3A_121 = arith.constant 0 : i32
    %dma_wait3A_122 = arith.constant 0 : i32
    %dma_wait3A_123 = tpu.memref_slice %arg4[%dma_wait3A_114, %dma_wait3A_121, %dma_wait3A_122] : memref<3x16384x256xf32, #tpu.memory_space<hbm>> -> memref<1x16384x256xf32, #tpu.memory_space<hbm>>
    %dma_wait3A_124 = tpu.memref_squeeze %dma_wait3A_123 : memref<1x16384x256xf32, #tpu.memory_space<hbm>> -> memref<16384x256xf32, #tpu.memory_space<hbm>>
    %dma_wait3A_125 = arith.constant 0 : i32
    %dma_wait3A_126 = tpu.memref_slice %dma_wait3A_124[%add3A_100, %dma_wait3A_125] : memref<16384x256xf32, #tpu.memory_space<hbm>> -> memref<64x256xf32, #tpu.memory_space<hbm>>
    tpu.wait_dma2 semaphore(%arg15 : memref<!tpu.dma_semaphore, #tpu.memory_space<semaphore_mem>>) src(%arg7 : memref<64x256xf32, #tpu.memory_space<vmem>>) dst(%dma_wait3A_126 : memref<64x256xf32, #tpu.memory_space<hbm>>)
    %dma_start3A_127 = arith.constant 0 : i32
    %dma_start3A_128 = arith.constant 320 : i32
    %dma_start3A_129 = tpu.memref_slice %arg5[%dma_start3A_128] : memref<512xi32, #tpu.memory_space<vmem>> -> memref<64xi32, #tpu.memory_space<vmem>>
    %dma_start3A_130 = arith.constant 0 : i32
    %dma_start3A_131 = arith.constant 0 : i32
    %dma_start3A_132 = tpu.memref_slice %arg3[%dma_start3A_127, %dma_start3A_130, %dma_start3A_131] : memref<3x100000x256xf32, #tpu.memory_space<hbm>> -> memref<1x100000x256xf32, #tpu.memory_space<hbm>>
    %dma_start3A_133 = tpu.memref_squeeze %dma_start3A_132 : memref<1x100000x256xf32, #tpu.memory_space<hbm>> -> memref<100000x256xf32, #tpu.memory_space<hbm>>
    %dma_start3A_134 = arith.constant 0 : i32
    %dma_start3A_135 = arith.constant 0 : i32
    %dma_start3A_136 = tpu.memref_slice %dma_start3A_133[%dma_start3A_134, %dma_start3A_135] : memref<100000x256xf32, #tpu.memory_space<hbm>> -> memref<100000x256xf32, #tpu.memory_space<hbm>>
    tpu.enqueue_indirect_dma source(%dma_start3A_136 : memref<100000x256xf32, #tpu.memory_space<hbm>>) target(%arg7 : memref<64x256xf32, #tpu.memory_space<vmem>>) offsets(%dma_start3A_129 : memref<64xi32, #tpu.memory_space<vmem>>) semaphore(%arg11 : memref<!tpu.dma_semaphore, #tpu.memory_space<semaphore_mem>>)
    %dma_wait3A_137 = arith.constant 0 : i32
    %dma_wait3A_138 = arith.constant 128 : i32
    %dma_wait3A_139 = tpu.memref_slice %arg5[%dma_wait3A_138] : memref<512xi32, #tpu.memory_space<vmem>> -> memref<64xi32, #tpu.memory_space<vmem>>
    %dma_wait3A_140 = arith.constant 0 : i32
    %dma_wait3A_141 = arith.constant 0 : i32
    %dma_wait3A_142 = tpu.memref_slice %arg3[%dma_wait3A_137, %dma_wait3A_140, %dma_wait3A_141] : memref<3x100000x256xf32, #tpu.memory_space<hbm>> -> memref<1x100000x256xf32, #tpu.memory_space<hbm>>
    %dma_wait3A_143 = tpu.memref_squeeze %dma_wait3A_142 : memref<1x100000x256xf32, #tpu.memory_space<hbm>> -> memref<100000x256xf32, #tpu.memory_space<hbm>>
    %dma_wait3A_144 = arith.constant 0 : i32
    %dma_wait3A_145 = arith.constant 0 : i32
    %dma_wait3A_146 = tpu.memref_slice %dma_wait3A_143[%dma_wait3A_144, %dma_wait3A_145] : memref<100000x256xf32, #tpu.memory_space<hbm>> -> memref<100000x256xf32, #tpu.memory_space<hbm>>
    tpu.wait_indirect_dma semaphore(%arg12 : memref<!tpu.dma_semaphore, #tpu.memory_space<semaphore_mem>>) src(%dma_wait3A_146 : memref<100000x256xf32, #tpu.memory_space<hbm>>) dst(%arg8 : memref<64x256xf32, #tpu.memory_space<vmem>>)
    %add3A_147 = arith.constant 128 : i32
    %add3A_148 = arith.addi %mul3A_2, %add3A_147 : i32
    %dma_start3A_149 = arith.constant 0 : i32
    %dma_start3A_150 = arith.constant 0 : i32
    %dma_start3A_151 = arith.constant 0 : i32
    %dma_start3A_152 = tpu.memref_slice %arg4[%dma_start3A_149, %dma_start3A_150, %dma_start3A_151] : memref<3x16384x256xf32, #tpu.memory_space<hbm>> -> memref<1x16384x256xf32, #tpu.memory_space<hbm>>
    %dma_start3A_153 = tpu.memref_squeeze %dma_start3A_152 : memref<1x16384x256xf32, #tpu.memory_space<hbm>> -> memref<16384x256xf32, #tpu.memory_space<hbm>>
    %dma_start3A_154 = arith.constant 0 : i32
    %dma_start3A_155 = tpu.memref_slice %dma_start3A_153[%add3A_148, %dma_start3A_154] : memref<16384x256xf32, #tpu.memory_space<hbm>> -> memref<64x256xf32, #tpu.memory_space<hbm>>
    %dma_start3A_156 = arith.constant 0 : i32
    %dma_start3A_157 = arith.constant 0 : i32
    %dma_start3A_158 = tpu.memref_slice %arg4[%dma_start3A_149, %dma_start3A_156, %dma_start3A_157] : memref<3x16384x256xf32, #tpu.memory_space<hbm>> -> memref<1x16384x256xf32, #tpu.memory_space<hbm>>
    %dma_start3A_159 = tpu.memref_squeeze %dma_start3A_158 : memref<1x16384x256xf32, #tpu.memory_space<hbm>> -> memref<16384x256xf32, #tpu.memory_space<hbm>>
    %dma_start3A_160 = arith.constant 0 : i32
    %dma_start3A_161 = tpu.memref_slice %dma_start3A_159[%add3A_148, %dma_start3A_160] : memref<16384x256xf32, #tpu.memory_space<hbm>> -> memref<64x256xf32, #tpu.memory_space<hbm>>
    tpu.enqueue_dma source(%arg8 : memref<64x256xf32, #tpu.memory_space<vmem>>) target(%dma_start3A_161 : memref<64x256xf32, #tpu.memory_space<hbm>>) target_semaphore(%arg16 : memref<!tpu.dma_semaphore, #tpu.memory_space<semaphore_mem>>)
    %dma_wait3A_162 = arith.constant 0 : i32
    %dma_wait3A_163 = arith.constant 0 : i32
    %dma_wait3A_164 = arith.constant 0 : i32
    %dma_wait3A_165 = tpu.memref_slice %arg4[%dma_wait3A_162, %dma_wait3A_163, %dma_wait3A_164] : memref<3x16384x256xf32, #tpu.memory_space<hbm>> -> memref<1x16384x256xf32, #tpu.memory_space<hbm>>
    %dma_wait3A_166 = tpu.memref_squeeze %dma_wait3A_165 : memref<1x16384x256xf32, #tpu.memory_space<hbm>> -> memref<16384x256xf32, #tpu.memory_space<hbm>>
    %dma_wait3A_167 = arith.constant 0 : i32
    %dma_wait3A_168 = tpu.memref_slice %dma_wait3A_166[%add3A_148, %dma_wait3A_167] : memref<16384x256xf32, #tpu.memory_space<hbm>> -> memref<64x256xf32, #tpu.memory_space<hbm>>
    %dma_wait3A_169 = arith.constant 0 : i32
    %dma_wait3A_170 = arith.constant 0 : i32
    %dma_wait3A_171 = tpu.memref_slice %arg4[%dma_wait3A_162, %dma_wait3A_169, %dma_wait3A_170] : memref<3x16384x256xf32, #tpu.memory_space<hbm>> -> memref<1x16384x256xf32, #tpu.memory_space<hbm>>
    %dma_wait3A_172 = tpu.memref_squeeze %dma_wait3A_171 : memref<1x16384x256xf32, #tpu.memory_space<hbm>> -> memref<16384x256xf32, #tpu.memory_space<hbm>>
    %dma_wait3A_173 = arith.constant 0 : i32
    %dma_wait3A_174 = tpu.memref_slice %dma_wait3A_172[%add3A_148, %dma_wait3A_173] : memref<16384x256xf32, #tpu.memory_space<hbm>> -> memref<64x256xf32, #tpu.memory_space<hbm>>
    tpu.wait_dma2 semaphore(%arg16 : memref<!tpu.dma_semaphore, #tpu.memory_space<semaphore_mem>>) src(%arg8 : memref<64x256xf32, #tpu.memory_space<vmem>>) dst(%dma_wait3A_174 : memref<64x256xf32, #tpu.memory_space<hbm>>)
    %dma_start3A_175 = arith.constant 0 : i32
    %dma_start3A_176 = arith.constant 384 : i32
    %dma_start3A_177 = tpu.memref_slice %arg5[%dma_start3A_176] : memref<512xi32, #tpu.memory_space<vmem>> -> memref<64xi32, #tpu.memory_space<vmem>>
    %dma_start3A_178 = arith.constant 0 : i32
    %dma_start3A_179 = arith.constant 0 : i32
    %dma_start3A_180 = tpu.memref_slice %arg3[%dma_start3A_175, %dma_start3A_178, %dma_start3A_179] : memref<3x100000x256xf32, #tpu.memory_space<hbm>> -> memref<1x100000x256xf32, #tpu.memory_space<hbm>>
    %dma_start3A_181 = tpu.memref_squeeze %dma_start3A_180 : memref<1x100000x256xf32, #tpu.memory_space<hbm>> -> memref<100000x256xf32, #tpu.memory_space<hbm>>
    %dma_start3A_182 = arith.constant 0 : i32
    %dma_start3A_183 = arith.constant 0 : i32
    %dma_start3A_184 = tpu.memref_slice %dma_start3A_181[%dma_start3A_182, %dma_start3A_183] : memref<100000x256xf32, #tpu.memory_space<hbm>> -> memref<100000x256xf32, #tpu.memory_space<hbm>>
    tpu.enqueue_indirect_dma source(%dma_start3A_184 : memref<100000x256xf32, #tpu.memory_space<hbm>>) target(%arg8 : memref<64x256xf32, #tpu.memory_space<vmem>>) offsets(%dma_start3A_177 : memref<64xi32, #tpu.memory_space<vmem>>) semaphore(%arg12 : memref<!tpu.dma_semaphore, #tpu.memory_space<semaphore_mem>>)
    %dma_wait3A_185 = arith.constant 0 : i32
    %dma_wait3A_186 = arith.constant 192 : i32
    %dma_wait3A_187 = tpu.memref_slice %arg5[%dma_wait3A_186] : memref<512xi32, #tpu.memory_space<vmem>> -> memref<64xi32, #tpu.memory_space<vmem>>
    %dma_wait3A_188 = arith.constant 0 : i32
    %dma_wait3A_189 = arith.constant 0 : i32
    %dma_wait3A_190 = tpu.memref_slice %arg3[%dma_wait3A_185, %dma_wait3A_188, %dma_wait3A_189] : memref<3x100000x256xf32, #tpu.memory_space<hbm>> -> memref<1x100000x256xf32, #tpu.memory_space<hbm>>
    %dma_wait3A_191 = tpu.memref_squeeze %dma_wait3A_190 : memref<1x100000x256xf32, #tpu.memory_space<hbm>> -> memref<100000x256xf32, #tpu.memory_space<hbm>>
    %dma_wait3A_192 = arith.constant 0 : i32
    %dma_wait3A_193 = arith.constant 0 : i32
    %dma_wait3A_194 = tpu.memref_slice %dma_wait3A_191[%dma_wait3A_192, %dma_wait3A_193] : memref<100000x256xf32, #tpu.memory_space<hbm>> -> memref<100000x256xf32, #tpu.memory_space<hbm>>
    tpu.wait_indirect_dma semaphore(%arg13 : memref<!tpu.dma_semaphore, #tpu.memory_space<semaphore_mem>>) src(%dma_wait3A_194 : memref<100000x256xf32, #tpu.memory_space<hbm>>) dst(%arg9 : memref<64x256xf32, #tpu.memory_space<vmem>>)
    %add3A_195 = arith.constant 192 : i32
    %add3A_196 = arith.addi %mul3A_2, %add3A_195 : i32
    %dma_start3A_197 = arith.constant 0 : i32
    %dma_start3A_198 = arith.constant 0 : i32
    %dma_start3A_199 = arith.constant 0 : i32
    %dma_start3A_200 = tpu.memref_slice %arg4[%dma_start3A_197, %dma_start3A_198, %dma_start3A_199] : memref<3x16384x256xf32, #tpu.memory_space<hbm>> -> memref<1x16384x256xf32, #tpu.memory_space<hbm>>
    %dma_start3A_201 = tpu.memref_squeeze %dma_start3A_200 : memref<1x16384x256xf32, #tpu.memory_space<hbm>> -> memref<16384x256xf32, #tpu.memory_space<hbm>>
    %dma_start3A_202 = arith.constant 0 : i32
    %dma_start3A_203 = tpu.memref_slice %dma_start3A_201[%add3A_196, %dma_start3A_202] : memref<16384x256xf32, #tpu.memory_space<hbm>> -> memref<64x256xf32, #tpu.memory_space<hbm>>
    %dma_start3A_204 = arith.constant 0 : i32
    %dma_start3A_205 = arith.constant 0 : i32
    %dma_start3A_206 = tpu.memref_slice %arg4[%dma_start3A_197, %dma_start3A_204, %dma_start3A_205] : memref<3x16384x256xf32, #tpu.memory_space<hbm>> -> memref<1x16384x256xf32, #tpu.memory_space<hbm>>
    %dma_start3A_207 = tpu.memref_squeeze %dma_start3A_206 : memref<1x16384x256xf32, #tpu.memory_space<hbm>> -> memref<16384x256xf32, #tpu.memory_space<hbm>>
    %dma_start3A_208 = arith.constant 0 : i32
    %dma_start3A_209 = tpu.memref_slice %dma_start3A_207[%add3A_196, %dma_start3A_208] : memref<16384x256xf32, #tpu.memory_space<hbm>> -> memref<64x256xf32, #tpu.memory_space<hbm>>
    tpu.enqueue_dma source(%arg9 : memref<64x256xf32, #tpu.memory_space<vmem>>) target(%dma_start3A_209 : memref<64x256xf32, #tpu.memory_space<hbm>>) target_semaphore(%arg17 : memref<!tpu.dma_semaphore, #tpu.memory_space<semaphore_mem>>)
    %dma_wait3A_210 = arith.constant 0 : i32
    %dma_wait3A_211 = arith.constant 0 : i32
    %dma_wait3A_212 = arith.constant 0 : i32
    %dma_wait3A_213 = tpu.memref_slice %arg4[%dma_wait3A_210, %dma_wait3A_211, %dma_wait3A_212] : memref<3x16384x256xf32, #tpu.memory_space<hbm>> -> memref<1x16384x256xf32, #tpu.memory_space<hbm>>
    %dma_wait3A_214 = tpu.memref_squeeze %dma_wait3A_213 : memref<1x16384x256xf32, #tpu.memory_space<hbm>> -> memref<16384x256xf32, #tpu.memory_space<hbm>>
    %dma_wait3A_215 = arith.constant 0 : i32
    %dma_wait3A_216 = tpu.memref_slice %dma_wait3A_214[%add3A_196, %dma_wait3A_215] : memref<16384x256xf32, #tpu.memory_space<hbm>> -> memref<64x256xf32, #tpu.memory_space<hbm>>
    %dma_wait3A_217 = arith.constant 0 : i32
    %dma_wait3A_218 = arith.constant 0 : i32
    %dma_wait3A_219 = tpu.memref_slice %arg4[%dma_wait3A_210, %dma_wait3A_217, %dma_wait3A_218] : memref<3x16384x256xf32, #tpu.memory_space<hbm>> -> memref<1x16384x256xf32, #tpu.memory_space<hbm>>
    %dma_wait3A_220 = tpu.memref_squeeze %dma_wait3A_219 : memref<1x16384x256xf32, #tpu.memory_space<hbm>> -> memref<16384x256xf32, #tpu.memory_space<hbm>>
    %dma_wait3A_221 = arith.constant 0 : i32
    %dma_wait3A_222 = tpu.memref_slice %dma_wait3A_220[%add3A_196, %dma_wait3A_221] : memref<16384x256xf32, #tpu.memory_space<hbm>> -> memref<64x256xf32, #tpu.memory_space<hbm>>
    tpu.wait_dma2 semaphore(%arg17 : memref<!tpu.dma_semaphore, #tpu.memory_space<semaphore_mem>>) src(%arg9 : memref<64x256xf32, #tpu.memory_space<vmem>>) dst(%dma_wait3A_222 : memref<64x256xf32, #tpu.memory_space<hbm>>)
    %dma_start3A_223 = arith.constant 0 : i32
    %dma_start3A_224 = arith.constant 448 : i32
    %dma_start3A_225 = tpu.memref_slice %arg5[%dma_start3A_224] : memref<512xi32, #tpu.memory_space<vmem>> -> memref<64xi32, #tpu.memory_space<vmem>>
    %dma_start3A_226 = arith.constant 0 : i32
    %dma_start3A_227 = arith.constant 0 : i32
    %dma_start3A_228 = tpu.memref_slice %arg3[%dma_start3A_223, %dma_start3A_226, %dma_start3A_227] : memref<3x100000x256xf32, #tpu.memory_space<hbm>> -> memref<1x100000x256xf32, #tpu.memory_space<hbm>>
    %dma_start3A_229 = tpu.memref_squeeze %dma_start3A_228 : memref<1x100000x256xf32, #tpu.memory_space<hbm>> -> memref<100000x256xf32, #tpu.memory_space<hbm>>
    %dma_start3A_230 = arith.constant 0 : i32
    %dma_start3A_231 = arith.constant 0 : i32
    %dma_start3A_232 = tpu.memref_slice %dma_start3A_229[%dma_start3A_230, %dma_start3A_231] : memref<100000x256xf32, #tpu.memory_space<hbm>> -> memref<100000x256xf32, #tpu.memory_space<hbm>>
    tpu.enqueue_indirect_dma source(%dma_start3A_232 : memref<100000x256xf32, #tpu.memory_space<hbm>>) target(%arg9 : memref<64x256xf32, #tpu.memory_space<vmem>>) offsets(%dma_start3A_225 : memref<64xi32, #tpu.memory_space<vmem>>) semaphore(%arg13 : memref<!tpu.dma_semaphore, #tpu.memory_space<semaphore_mem>>)
    %dma_wait3A_233 = arith.constant 0 : i32
    %dma_wait3A_234 = arith.constant 256 : i32
    %dma_wait3A_235 = tpu.memref_slice %arg5[%dma_wait3A_234] : memref<512xi32, #tpu.memory_space<vmem>> -> memref<64xi32, #tpu.memory_space<vmem>>
    %dma_wait3A_236 = arith.constant 0 : i32
    %dma_wait3A_237 = arith.constant 0 : i32
    %dma_wait3A_238 = tpu.memref_slice %arg3[%dma_wait3A_233, %dma_wait3A_236, %dma_wait3A_237] : memref<3x100000x256xf32, #tpu.memory_space<hbm>> -> memref<1x100000x256xf32, #tpu.memory_space<hbm>>
    %dma_wait3A_239 = tpu.memref_squeeze %dma_wait3A_238 : memref<1x100000x256xf32, #tpu.memory_space<hbm>> -> memref<100000x256xf32, #tpu.memory_space<hbm>>
    %dma_wait3A_240 = arith.constant 0 : i32
    %dma_wait3A_241 = arith.constant 0 : i32
    %dma_wait3A_242 = tpu.memref_slice %dma_wait3A_239[%dma_wait3A_240, %dma_wait3A_241] : memref<100000x256xf32, #tpu.memory_space<hbm>> -> memref<100000x256xf32, #tpu.memory_space<hbm>>
    tpu.wait_indirect_dma semaphore(%arg10 : memref<!tpu.dma_semaphore, #tpu.memory_space<semaphore_mem>>) src(%dma_wait3A_242 : memref<100000x256xf32, #tpu.memory_space<hbm>>) dst(%arg6 : memref<64x256xf32, #tpu.memory_space<vmem>>)
    %add3A_243 = arith.constant 256 : i32
    %add3A_244 = arith.addi %mul3A_2, %add3A_243 : i32
    %dma_start3A_245 = arith.constant 0 : i32
    %dma_start3A_246 = arith.constant 0 : i32
    %dma_start3A_247 = arith.constant 0 : i32
    %dma_start3A_248 = tpu.memref_slice %arg4[%dma_start3A_245, %dma_start3A_246, %dma_start3A_247] : memref<3x16384x256xf32, #tpu.memory_space<hbm>> -> memref<1x16384x256xf32, #tpu.memory_space<hbm>>
    %dma_start3A_249 = tpu.memref_squeeze %dma_start3A_248 : memref<1x16384x256xf32, #tpu.memory_space<hbm>> -> memref<16384x256xf32, #tpu.memory_space<hbm>>
    %dma_start3A_250 = arith.constant 0 : i32
    %dma_start3A_251 = tpu.memref_slice %dma_start3A_249[%add3A_244, %dma_start3A_250] : memref<16384x256xf32, #tpu.memory_space<hbm>> -> memref<64x256xf32, #tpu.memory_space<hbm>>
    %dma_start3A_252 = arith.constant 0 : i32
    %dma_start3A_253 = arith.constant 0 : i32
    %dma_start3A_254 = tpu.memref_slice %arg4[%dma_start3A_245, %dma_start3A_252, %dma_start3A_253] : memref<3x16384x256xf32, #tpu.memory_space<hbm>> -> memref<1x16384x256xf32, #tpu.memory_space<hbm>>
    %dma_start3A_255 = tpu.memref_squeeze %dma_start3A_254 : memref<1x16384x256xf32, #tpu.memory_space<hbm>> -> memref<16384x256xf32, #tpu.memory_space<hbm>>
    %dma_start3A_256 = arith.constant 0 : i32
    %dma_start3A_257 = tpu.memref_slice %dma_start3A_255[%add3A_244, %dma_start3A_256] : memref<16384x256xf32, #tpu.memory_space<hbm>> -> memref<64x256xf32, #tpu.memory_space<hbm>>
    tpu.enqueue_dma source(%arg6 : memref<64x256xf32, #tpu.memory_space<vmem>>) target(%dma_start3A_257 : memref<64x256xf32, #tpu.memory_space<hbm>>) target_semaphore(%arg14 : memref<!tpu.dma_semaphore, #tpu.memory_space<semaphore_mem>>)
    %dma_wait3A_258 = arith.constant 0 : i32
    %dma_wait3A_259 = arith.constant 0 : i32
    %dma_wait3A_260 = arith.constant 0 : i32
    %dma_wait3A_261 = tpu.memref_slice %arg4[%dma_wait3A_258, %dma_wait3A_259, %dma_wait3A_260] : memref<3x16384x256xf32, #tpu.memory_space<hbm>> -> memref<1x16384x256xf32, #tpu.memory_space<hbm>>
    %dma_wait3A_262 = tpu.memref_squeeze %dma_wait3A_261 : memref<1x16384x256xf32, #tpu.memory_space<hbm>> -> memref<16384x256xf32, #tpu.memory_space<hbm>>
    %dma_wait3A_263 = arith.constant 0 : i32
    %dma_wait3A_264 = tpu.memref_slice %dma_wait3A_262[%add3A_244, %dma_wait3A_263] : memref<16384x256xf32, #tpu.memory_space<hbm>> -> memref<64x256xf32, #tpu.memory_space<hbm>>
    %dma_wait3A_265 = arith.constant 0 : i32
    %dma_wait3A_266 = arith.constant 0 : i32
    %dma_wait3A_267 = tpu.memref_slice %arg4[%dma_wait3A_258, %dma_wait3A_265, %dma_wait3A_266] : memref<3x16384x256xf32, #tpu.memory_space<hbm>> -> memref<1x16384x256xf32, #tpu.memory_space<hbm>>
    %dma_wait3A_268 = tpu.memref_squeeze %dma_wait3A_267 : memref<1x16384x256xf32, #tpu.memory_space<hbm>> -> memref<16384x256xf32, #tpu.memory_space<hbm>>
    %dma_wait3A_269 = arith.constant 0 : i32
    %dma_wait3A_270 = tpu.memref_slice %dma_wait3A_268[%add3A_244, %dma_wait3A_269] : memref<16384x256xf32, #tpu.memory_space<hbm>> -> memref<64x256xf32, #tpu.memory_space<hbm>>
    tpu.wait_dma2 semaphore(%arg14 : memref<!tpu.dma_semaphore, #tpu.memory_space<semaphore_mem>>) src(%arg6 : memref<64x256xf32, #tpu.memory_space<vmem>>) dst(%dma_wait3A_270 : memref<64x256xf32, #tpu.memory_space<hbm>>)
    %dma_start3A_271 = arith.constant 1 : i32
    %dma_start3A_272 = arith.constant 0 : i32
    %dma_start3A_273 = tpu.memref_slice %arg5[%dma_start3A_272] : memref<512xi32, #tpu.memory_space<vmem>> -> memref<64xi32, #tpu.memory_space<vmem>>
    %dma_start3A_274 = arith.constant 0 : i32
    %dma_start3A_275 = arith.constant 0 : i32
    %dma_start3A_276 = tpu.memref_slice %arg3[%dma_start3A_271, %dma_start3A_274, %dma_start3A_275] : memref<3x100000x256xf32, #tpu.memory_space<hbm>> -> memref<1x100000x256xf32, #tpu.memory_space<hbm>>
    %dma_start3A_277 = tpu.memref_squeeze %dma_start3A_276 : memref<1x100000x256xf32, #tpu.memory_space<hbm>> -> memref<100000x256xf32, #tpu.memory_space<hbm>>
    %dma_start3A_278 = arith.constant 0 : i32
    %dma_start3A_279 = arith.constant 0 : i32
    %dma_start3A_280 = tpu.memref_slice %dma_start3A_277[%dma_start3A_278, %dma_start3A_279] : memref<100000x256xf32, #tpu.memory_space<hbm>> -> memref<100000x256xf32, #tpu.memory_space<hbm>>
    tpu.enqueue_indirect_dma source(%dma_start3A_280 : memref<100000x256xf32, #tpu.memory_space<hbm>>) target(%arg6 : memref<64x256xf32, #tpu.memory_space<vmem>>) offsets(%dma_start3A_273 : memref<64xi32, #tpu.memory_space<vmem>>) semaphore(%arg10 : memref<!tpu.dma_semaphore, #tpu.memory_space<semaphore_mem>>)
    %dma_wait3A_281 = arith.constant 0 : i32
    %dma_wait3A_282 = arith.constant 320 : i32
    %dma_wait3A_283 = tpu.memref_slice %arg5[%dma_wait3A_282] : memref<512xi32, #tpu.memory_space<vmem>> -> memref<64xi32, #tpu.memory_space<vmem>>
    %dma_wait3A_284 = arith.constant 0 : i32
    %dma_wait3A_285 = arith.constant 0 : i32
    %dma_wait3A_286 = tpu.memref_slice %arg3[%dma_wait3A_281, %dma_wait3A_284, %dma_wait3A_285] : memref<3x100000x256xf32, #tpu.memory_space<hbm>> -> memref<1x100000x256xf32, #tpu.memory_space<hbm>>
    %dma_wait3A_287 = tpu.memref_squeeze %dma_wait3A_286 : memref<1x100000x256xf32, #tpu.memory_space<hbm>> -> memref<100000x256xf32, #tpu.memory_space<hbm>>
    %dma_wait3A_288 = arith.constant 0 : i32
    %dma_wait3A_289 = arith.constant 0 : i32
    %dma_wait3A_290 = tpu.memref_slice %dma_wait3A_287[%dma_wait3A_288, %dma_wait3A_289] : memref<100000x256xf32, #tpu.memory_space<hbm>> -> memref<100000x256xf32, #tpu.memory_space<hbm>>
    tpu.wait_indirect_dma semaphore(%arg11 : memref<!tpu.dma_semaphore, #tpu.memory_space<semaphore_mem>>) src(%dma_wait3A_290 : memref<100000x256xf32, #tpu.memory_space<hbm>>) dst(%arg7 : memref<64x256xf32, #tpu.memory_space<vmem>>)
    %add3A_291 = arith.constant 320 : i32
    %add3A_292 = arith.addi %mul3A_2, %add3A_291 : i32
    %dma_start3A_293 = arith.constant 0 : i32
    %dma_start3A_294 = arith.constant 0 : i32
    %dma_start3A_295 = arith.constant 0 : i32
    %dma_start3A_296 = tpu.memref_slice %arg4[%dma_start3A_293, %dma_start3A_294, %dma_start3A_295] : memref<3x16384x256xf32, #tpu.memory_space<hbm>> -> memref<1x16384x256xf32, #tpu.memory_space<hbm>>
    %dma_start3A_297 = tpu.memref_squeeze %dma_start3A_296 : memref<1x16384x256xf32, #tpu.memory_space<hbm>> -> memref<16384x256xf32, #tpu.memory_space<hbm>>
    %dma_start3A_298 = arith.constant 0 : i32
    %dma_start3A_299 = tpu.memref_slice %dma_start3A_297[%add3A_292, %dma_start3A_298] : memref<16384x256xf32, #tpu.memory_space<hbm>> -> memref<64x256xf32, #tpu.memory_space<hbm>>
    %dma_start3A_300 = arith.constant 0 : i32
    %dma_start3A_301 = arith.constant 0 : i32
    %dma_start3A_302 = tpu.memref_slice %arg4[%dma_start3A_293, %dma_start3A_300, %dma_start3A_301] : memref<3x16384x256xf32, #tpu.memory_space<hbm>> -> memref<1x16384x256xf32, #tpu.memory_space<hbm>>
    %dma_start3A_303 = tpu.memref_squeeze %dma_start3A_302 : memref<1x16384x256xf32, #tpu.memory_space<hbm>> -> memref<16384x256xf32, #tpu.memory_space<hbm>>
    %dma_start3A_304 = arith.constant 0 : i32
    %dma_start3A_305 = tpu.memref_slice %dma_start3A_303[%add3A_292, %dma_start3A_304] : memref<16384x256xf32, #tpu.memory_space<hbm>> -> memref<64x256xf32, #tpu.memory_space<hbm>>
    tpu.enqueue_dma source(%arg7 : memref<64x256xf32, #tpu.memory_space<vmem>>) target(%dma_start3A_305 : memref<64x256xf32, #tpu.memory_space<hbm>>) target_semaphore(%arg15 : memref<!tpu.dma_semaphore, #tpu.memory_space<semaphore_mem>>)
    %dma_wait3A_306 = arith.constant 0 : i32
    %dma_wait3A_307 = arith.constant 0 : i32
    %dma_wait3A_308 = arith.constant 0 : i32
    %dma_wait3A_309 = tpu.memref_slice %arg4[%dma_wait3A_306, %dma_wait3A_307, %dma_wait3A_308] : memref<3x16384x256xf32, #tpu.memory_space<hbm>> -> memref<1x16384x256xf32, #tpu.memory_space<hbm>>
    %dma_wait3A_310 = tpu.memref_squeeze %dma_wait3A_309 : memref<1x16384x256xf32, #tpu.memory_space<hbm>> -> memref<16384x256xf32, #tpu.memory_space<hbm>>
    %dma_wait3A_311 = arith.constant 0 : i32
    %dma_wait3A_312 = tpu.memref_slice %dma_wait3A_310[%add3A_292, %dma_wait3A_311] : memref<16384x256xf32, #tpu.memory_space<hbm>> -> memref<64x256xf32, #tpu.memory_space<hbm>>
    %dma_wait3A_313 = arith.constant 0 : i32
    %dma_wait3A_314 = arith.constant 0 : i32
    %dma_wait3A_315 = tpu.memref_slice %arg4[%dma_wait3A_306, %dma_wait3A_313, %dma_wait3A_314] : memref<3x16384x256xf32, #tpu.memory_space<hbm>> -> memref<1x16384x256xf32, #tpu.memory_space<hbm>>
    %dma_wait3A_316 = tpu.memref_squeeze %dma_wait3A_315 : memref<1x16384x256xf32, #tpu.memory_space<hbm>> -> memref<16384x256xf32, #tpu.memory_space<hbm>>
    %dma_wait3A_317 = arith.constant 0 : i32
    %dma_wait3A_318 = tpu.memref_slice %dma_wait3A_316[%add3A_292, %dma_wait3A_317] : memref<16384x256xf32, #tpu.memory_space<hbm>> -> memref<64x256xf32, #tpu.memory_space<hbm>>
    tpu.wait_dma2 semaphore(%arg15 : memref<!tpu.dma_semaphore, #tpu.memory_space<semaphore_mem>>) src(%arg7 : memref<64x256xf32, #tpu.memory_space<vmem>>) dst(%dma_wait3A_318 : memref<64x256xf32, #tpu.memory_space<hbm>>)
    %dma_start3A_319 = arith.constant 1 : i32
    %dma_start3A_320 = arith.constant 64 : i32
    %dma_start3A_321 = tpu.memref_slice %arg5[%dma_start3A_320] : memref<512xi32, #tpu.memory_space<vmem>> -> memref<64xi32, #tpu.memory_space<vmem>>
    %dma_start3A_322 = arith.constant 0 : i32
    %dma_start3A_323 = arith.constant 0 : i32
    %dma_start3A_324 = tpu.memref_slice %arg3[%dma_start3A_319, %dma_start3A_322, %dma_start3A_323] : memref<3x100000x256xf32, #tpu.memory_space<hbm>> -> memref<1x100000x256xf32, #tpu.memory_space<hbm>>
    %dma_start3A_325 = tpu.memref_squeeze %dma_start3A_324 : memref<1x100000x256xf32, #tpu.memory_space<hbm>> -> memref<100000x256xf32, #tpu.memory_space<hbm>>
    %dma_start3A_326 = arith.constant 0 : i32
    %dma_start3A_327 = arith.constant 0 : i32
    %dma_start3A_328 = tpu.memref_slice %dma_start3A_325[%dma_start3A_326, %dma_start3A_327] : memref<100000x256xf32, #tpu.memory_space<hbm>> -> memref<100000x256xf32, #tpu.memory_space<hbm>>
    tpu.enqueue_indirect_dma source(%dma_start3A_328 : memref<100000x256xf32, #tpu.memory_space<hbm>>) target(%arg7 : memref<64x256xf32, #tpu.memory_space<vmem>>) offsets(%dma_start3A_321 : memref<64xi32, #tpu.memory_space<vmem>>) semaphore(%arg11 : memref<!tpu.dma_semaphore, #tpu.memory_space<semaphore_mem>>)
    %dma_wait3A_329 = arith.constant 0 : i32
    %dma_wait3A_330 = arith.constant 384 : i32
    %dma_wait3A_331 = tpu.memref_slice %arg5[%dma_wait3A_330] : memref<512xi32, #tpu.memory_space<vmem>> -> memref<64xi32, #tpu.memory_space<vmem>>
    %dma_wait3A_332 = arith.constant 0 : i32
    %dma_wait3A_333 = arith.constant 0 : i32
    %dma_wait3A_334 = tpu.memref_slice %arg3[%dma_wait3A_329, %dma_wait3A_332, %dma_wait3A_333] : memref<3x100000x256xf32, #tpu.memory_space<hbm>> -> memref<1x100000x256xf32, #tpu.memory_space<hbm>>
    %dma_wait3A_335 = tpu.memref_squeeze %dma_wait3A_334 : memref<1x100000x256xf32, #tpu.memory_space<hbm>> -> memref<100000x256xf32, #tpu.memory_space<hbm>>
    %dma_wait3A_336 = arith.constant 0 : i32
    %dma_wait3A_337 = arith.constant 0 : i32
    %dma_wait3A_338 = tpu.memref_slice %dma_wait3A_335[%dma_wait3A_336, %dma_wait3A_337] : memref<100000x256xf32, #tpu.memory_space<hbm>> -> memref<100000x256xf32, #tpu.memory_space<hbm>>
    tpu.wait_indirect_dma semaphore(%arg12 : memref<!tpu.dma_semaphore, #tpu.memory_space<semaphore_mem>>) src(%dma_wait3A_338 : memref<100000x256xf32, #tpu.memory_space<hbm>>) dst(%arg8 : memref<64x256xf32, #tpu.memory_space<vmem>>)
    %add3A_339 = arith.constant 384 : i32
    %add3A_340 = arith.addi %mul3A_2, %add3A_339 : i32
    %dma_start3A_341 = arith.constant 0 : i32
    %dma_start3A_342 = arith.constant 0 : i32
    %dma_start3A_343 = arith.constant 0 : i32
    %dma_start3A_344 = tpu.memref_slice %arg4[%dma_start3A_341, %dma_start3A_342, %dma_start3A_343] : memref<3x16384x256xf32, #tpu.memory_space<hbm>> -> memref<1x16384x256xf32, #tpu.memory_space<hbm>>
    %dma_start3A_345 = tpu.memref_squeeze %dma_start3A_344 : memref<1x16384x256xf32, #tpu.memory_space<hbm>> -> memref<16384x256xf32, #tpu.memory_space<hbm>>
    %dma_start3A_346 = arith.constant 0 : i32
    %dma_start3A_347 = tpu.memref_slice %dma_start3A_345[%add3A_340, %dma_start3A_346] : memref<16384x256xf32, #tpu.memory_space<hbm>> -> memref<64x256xf32, #tpu.memory_space<hbm>>
    %dma_start3A_348 = arith.constant 0 : i32
    %dma_start3A_349 = arith.constant 0 : i32
    %dma_start3A_350 = tpu.memref_slice %arg4[%dma_start3A_341, %dma_start3A_348, %dma_start3A_349] : memref<3x16384x256xf32, #tpu.memory_space<hbm>> -> memref<1x16384x256xf32, #tpu.memory_space<hbm>>
    %dma_start3A_351 = tpu.memref_squeeze %dma_start3A_350 : memref<1x16384x256xf32, #tpu.memory_space<hbm>> -> memref<16384x256xf32, #tpu.memory_space<hbm>>
    %dma_start3A_352 = arith.constant 0 : i32
    %dma_start3A_353 = tpu.memref_slice %dma_start3A_351[%add3A_340, %dma_start3A_352] : memref<16384x256xf32, #tpu.memory_space<hbm>> -> memref<64x256xf32, #tpu.memory_space<hbm>>
    tpu.enqueue_dma source(%arg8 : memref<64x256xf32, #tpu.memory_space<vmem>>) target(%dma_start3A_353 : memref<64x256xf32, #tpu.memory_space<hbm>>) target_semaphore(%arg16 : memref<!tpu.dma_semaphore, #tpu.memory_space<semaphore_mem>>)
    %dma_wait3A_354 = arith.constant 0 : i32
    %dma_wait3A_355 = arith.constant 0 : i32
    %dma_wait3A_356 = arith.constant 0 : i32
    %dma_wait3A_357 = tpu.memref_slice %arg4[%dma_wait3A_354, %dma_wait3A_355, %dma_wait3A_356] : memref<3x16384x256xf32, #tpu.memory_space<hbm>> -> memref<1x16384x256xf32, #tpu.memory_space<hbm>>
    %dma_wait3A_358 = tpu.memref_squeeze %dma_wait3A_357 : memref<1x16384x256xf32, #tpu.memory_space<hbm>> -> memref<16384x256xf32, #tpu.memory_space<hbm>>
    %dma_wait3A_359 = arith.constant 0 : i32
    %dma_wait3A_360 = tpu.memref_slice %dma_wait3A_358[%add3A_340, %dma_wait3A_359] : memref<16384x256xf32, #tpu.memory_space<hbm>> -> memref<64x256xf32, #tpu.memory_space<hbm>>
    %dma_wait3A_361 = arith.constant 0 : i32
    %dma_wait3A_362 = arith.constant 0 : i32
    %dma_wait3A_363 = tpu.memref_slice %arg4[%dma_wait3A_354, %dma_wait3A_361, %dma_wait3A_362] : memref<3x16384x256xf32, #tpu.memory_space<hbm>> -> memref<1x16384x256xf32, #tpu.memory_space<hbm>>
    %dma_wait3A_364 = tpu.memref_squeeze %dma_wait3A_363 : memref<1x16384x256xf32, #tpu.memory_space<hbm>> -> memref<16384x256xf32, #tpu.memory_space<hbm>>
    %dma_wait3A_365 = arith.constant 0 : i32
    %dma_wait3A_366 = tpu.memref_slice %dma_wait3A_364[%add3A_340, %dma_wait3A_365] : memref<16384x256xf32, #tpu.memory_space<hbm>> -> memref<64x256xf32, #tpu.memory_space<hbm>>
    tpu.wait_dma2 semaphore(%arg16 : memref<!tpu.dma_semaphore, #tpu.memory_space<semaphore_mem>>) src(%arg8 : memref<64x256xf32, #tpu.memory_space<vmem>>) dst(%dma_wait3A_366 : memref<64x256xf32, #tpu.memory_space<hbm>>)
    %dma_start3A_367 = arith.constant 1 : i32
    %dma_start3A_368 = arith.constant 128 : i32
    %dma_start3A_369 = tpu.memref_slice %arg5[%dma_start3A_368] : memref<512xi32, #tpu.memory_space<vmem>> -> memref<64xi32, #tpu.memory_space<vmem>>
    %dma_start3A_370 = arith.constant 0 : i32
    %dma_start3A_371 = arith.constant 0 : i32
    %dma_start3A_372 = tpu.memref_slice %arg3[%dma_start3A_367, %dma_start3A_370, %dma_start3A_371] : memref<3x100000x256xf32, #tpu.memory_space<hbm>> -> memref<1x100000x256xf32, #tpu.memory_space<hbm>>
    %dma_start3A_373 = tpu.memref_squeeze %dma_start3A_372 : memref<1x100000x256xf32, #tpu.memory_space<hbm>> -> memref<100000x256xf32, #tpu.memory_space<hbm>>
    %dma_start3A_374 = arith.constant 0 : i32
    %dma_start3A_375 = arith.constant 0 : i32
    %dma_start3A_376 = tpu.memref_slice %dma_start3A_373[%dma_start3A_374, %dma_start3A_375] : memref<100000x256xf32, #tpu.memory_space<hbm>> -> memref<100000x256xf32, #tpu.memory_space<hbm>>
    tpu.enqueue_indirect_dma source(%dma_start3A_376 : memref<100000x256xf32, #tpu.memory_space<hbm>>) target(%arg8 : memref<64x256xf32, #tpu.memory_space<vmem>>) offsets(%dma_start3A_369 : memref<64xi32, #tpu.memory_space<vmem>>) semaphore(%arg12 : memref<!tpu.dma_semaphore, #tpu.memory_space<semaphore_mem>>)
    %dma_wait3A_377 = arith.constant 0 : i32
    %dma_wait3A_378 = arith.constant 448 : i32
    %dma_wait3A_379 = tpu.memref_slice %arg5[%dma_wait3A_378] : memref<512xi32, #tpu.memory_space<vmem>> -> memref<64xi32, #tpu.memory_space<vmem>>
    %dma_wait3A_380 = arith.constant 0 : i32
    %dma_wait3A_381 = arith.constant 0 : i32
    %dma_wait3A_382 = tpu.memref_slice %arg3[%dma_wait3A_377, %dma_wait3A_380, %dma_wait3A_381] : memref<3x100000x256xf32, #tpu.memory_space<hbm>> -> memref<1x100000x256xf32, #tpu.memory_space<hbm>>
    %dma_wait3A_383 = tpu.memref_squeeze %dma_wait3A_382 : memref<1x100000x256xf32, #tpu.memory_space<hbm>> -> memref<100000x256xf32, #tpu.memory_space<hbm>>
    %dma_wait3A_384 = arith.constant 0 : i32
    %dma_wait3A_385 = arith.constant 0 : i32
    %dma_wait3A_386 = tpu.memref_slice %dma_wait3A_383[%dma_wait3A_384, %dma_wait3A_385] : memref<100000x256xf32, #tpu.memory_space<hbm>> -> memref<100000x256xf32, #tpu.memory_space<hbm>>
    tpu.wait_indirect_dma semaphore(%arg13 : memref<!tpu.dma_semaphore, #tpu.memory_space<semaphore_mem>>) src(%dma_wait3A_386 : memref<100000x256xf32, #tpu.memory_space<hbm>>) dst(%arg9 : memref<64x256xf32, #tpu.memory_space<vmem>>)
    %add3A_387 = arith.constant 448 : i32
    %add3A_388 = arith.addi %mul3A_2, %add3A_387 : i32
    %dma_start3A_389 = arith.constant 0 : i32
    %dma_start3A_390 = arith.constant 0 : i32
    %dma_start3A_391 = arith.constant 0 : i32
    %dma_start3A_392 = tpu.memref_slice %arg4[%dma_start3A_389, %dma_start3A_390, %dma_start3A_391] : memref<3x16384x256xf32, #tpu.memory_space<hbm>> -> memref<1x16384x256xf32, #tpu.memory_space<hbm>>
    %dma_start3A_393 = tpu.memref_squeeze %dma_start3A_392 : memref<1x16384x256xf32, #tpu.memory_space<hbm>> -> memref<16384x256xf32, #tpu.memory_space<hbm>>
    %dma_start3A_394 = arith.constant 0 : i32
    %dma_start3A_395 = tpu.memref_slice %dma_start3A_393[%add3A_388, %dma_start3A_394] : memref<16384x256xf32, #tpu.memory_space<hbm>> -> memref<64x256xf32, #tpu.memory_space<hbm>>
    %dma_start3A_396 = arith.constant 0 : i32
    %dma_start3A_397 = arith.constant 0 : i32
    %dma_start3A_398 = tpu.memref_slice %arg4[%dma_start3A_389, %dma_start3A_396, %dma_start3A_397] : memref<3x16384x256xf32, #tpu.memory_space<hbm>> -> memref<1x16384x256xf32, #tpu.memory_space<hbm>>
    %dma_start3A_399 = tpu.memref_squeeze %dma_start3A_398 : memref<1x16384x256xf32, #tpu.memory_space<hbm>> -> memref<16384x256xf32, #tpu.memory_space<hbm>>
    %dma_start3A_400 = arith.constant 0 : i32
    %dma_start3A_401 = tpu.memref_slice %dma_start3A_399[%add3A_388, %dma_start3A_400] : memref<16384x256xf32, #tpu.memory_space<hbm>> -> memref<64x256xf32, #tpu.memory_space<hbm>>
    tpu.enqueue_dma source(%arg9 : memref<64x256xf32, #tpu.memory_space<vmem>>) target(%dma_start3A_401 : memref<64x256xf32, #tpu.memory_space<hbm>>) target_semaphore(%arg17 : memref<!tpu.dma_semaphore, #tpu.memory_space<semaphore_mem>>)
    %dma_wait3A_402 = arith.constant 0 : i32
    %dma_wait3A_403 = arith.constant 0 : i32
    %dma_wait3A_404 = arith.constant 0 : i32
    %dma_wait3A_405 = tpu.memref_slice %arg4[%dma_wait3A_402, %dma_wait3A_403, %dma_wait3A_404] : memref<3x16384x256xf32, #tpu.memory_space<hbm>> -> memref<1x16384x256xf32, #tpu.memory_space<hbm>>
    %dma_wait3A_406 = tpu.memref_squeeze %dma_wait3A_405 : memref<1x16384x256xf32, #tpu.memory_space<hbm>> -> memref<16384x256xf32, #tpu.memory_space<hbm>>
    %dma_wait3A_407 = arith.constant 0 : i32
    %dma_wait3A_408 = tpu.memref_slice %dma_wait3A_406[%add3A_388, %dma_wait3A_407] : memref<16384x256xf32, #tpu.memory_space<hbm>> -> memref<64x256xf32, #tpu.memory_space<hbm>>
    %dma_wait3A_409 = arith.constant 0 : i32
    %dma_wait3A_410 = arith.constant 0 : i32
    %dma_wait3A_411 = tpu.memref_slice %arg4[%dma_wait3A_402, %dma_wait3A_409, %dma_wait3A_410] : memref<3x16384x256xf32, #tpu.memory_space<hbm>> -> memref<1x16384x256xf32, #tpu.memory_space<hbm>>
    %dma_wait3A_412 = tpu.memref_squeeze %dma_wait3A_411 : memref<1x16384x256xf32, #tpu.memory_space<hbm>> -> memref<16384x256xf32, #tpu.memory_space<hbm>>
    %dma_wait3A_413 = arith.constant 0 : i32
    %dma_wait3A_414 = tpu.memref_slice %dma_wait3A_412[%add3A_388, %dma_wait3A_413] : memref<16384x256xf32, #tpu.memory_space<hbm>> -> memref<64x256xf32, #tpu.memory_space<hbm>>
    tpu.wait_dma2 semaphore(%arg17 : memref<!tpu.dma_semaphore, #tpu.memory_space<semaphore_mem>>) src(%arg9 : memref<64x256xf32, #tpu.memory_space<vmem>>) dst(%dma_wait3A_414 : memref<64x256xf32, #tpu.memory_space<hbm>>)
    %dma_start3A_415 = arith.constant 1 : i32
    %dma_start3A_416 = arith.constant 192 : i32
    %dma_start3A_417 = tpu.memref_slice %arg5[%dma_start3A_416] : memref<512xi32, #tpu.memory_space<vmem>> -> memref<64xi32, #tpu.memory_space<vmem>>
    %dma_start3A_418 = arith.constant 0 : i32
    %dma_start3A_419 = arith.constant 0 : i32
    %dma_start3A_420 = tpu.memref_slice %arg3[%dma_start3A_415, %dma_start3A_418, %dma_start3A_419] : memref<3x100000x256xf32, #tpu.memory_space<hbm>> -> memref<1x100000x256xf32, #tpu.memory_space<hbm>>
    %dma_start3A_421 = tpu.memref_squeeze %dma_start3A_420 : memref<1x100000x256xf32, #tpu.memory_space<hbm>> -> memref<100000x256xf32, #tpu.memory_space<hbm>>
    %dma_start3A_422 = arith.constant 0 : i32
    %dma_start3A_423 = arith.constant 0 : i32
    %dma_start3A_424 = tpu.memref_slice %dma_start3A_421[%dma_start3A_422, %dma_start3A_423] : memref<100000x256xf32, #tpu.memory_space<hbm>> -> memref<100000x256xf32, #tpu.memory_space<hbm>>
    tpu.enqueue_indirect_dma source(%dma_start3A_424 : memref<100000x256xf32, #tpu.memory_space<hbm>>) target(%arg9 : memref<64x256xf32, #tpu.memory_space<vmem>>) offsets(%dma_start3A_417 : memref<64xi32, #tpu.memory_space<vmem>>) semaphore(%arg13 : memref<!tpu.dma_semaphore, #tpu.memory_space<semaphore_mem>>)
    %dma_wait3A_425 = arith.constant 1 : i32
    %dma_wait3A_426 = arith.constant 0 : i32
    %dma_wait3A_427 = tpu.memref_slice %arg5[%dma_wait3A_426] : memref<512xi32, #tpu.memory_space<vmem>> -> memref<64xi32, #tpu.memory_space<vmem>>
    %dma_wait3A_428 = arith.constant 0 : i32
    %dma_wait3A_429 = arith.constant 0 : i32
    %dma_wait3A_430 = tpu.memref_slice %arg3[%dma_wait3A_425, %dma_wait3A_428, %dma_wait3A_429] : memref<3x100000x256xf32, #tpu.memory_space<hbm>> -> memref<1x100000x256xf32, #tpu.memory_space<hbm>>
    %dma_wait3A_431 = tpu.memref_squeeze %dma_wait3A_430 : memref<1x100000x256xf32, #tpu.memory_space<hbm>> -> memref<100000x256xf32, #tpu.memory_space<hbm>>
    %dma_wait3A_432 = arith.constant 0 : i32
    %dma_wait3A_433 = arith.constant 0 : i32
    %dma_wait3A_434 = tpu.memref_slice %dma_wait3A_431[%dma_wait3A_432, %dma_wait3A_433] : memref<100000x256xf32, #tpu.memory_space<hbm>> -> memref<100000x256xf32, #tpu.memory_space<hbm>>
    tpu.wait_indirect_dma semaphore(%arg10 : memref<!tpu.dma_semaphore, #tpu.memory_space<semaphore_mem>>) src(%dma_wait3A_434 : memref<100000x256xf32, #tpu.memory_space<hbm>>) dst(%arg6 : memref<64x256xf32, #tpu.memory_space<vmem>>)
    %add3A_435 = arith.constant 0 : i32
    %add3A_436 = arith.addi %mul3A_2, %add3A_435 : i32
    %dma_start3A_437 = arith.constant 1 : i32
    %dma_start3A_438 = arith.constant 0 : i32
    %dma_start3A_439 = arith.constant 0 : i32
    %dma_start3A_440 = tpu.memref_slice %arg4[%dma_start3A_437, %dma_start3A_438, %dma_start3A_439] : memref<3x16384x256xf32, #tpu.memory_space<hbm>> -> memref<1x16384x256xf32, #tpu.memory_space<hbm>>
    %dma_start3A_441 = tpu.memref_squeeze %dma_start3A_440 : memref<1x16384x256xf32, #tpu.memory_space<hbm>> -> memref<16384x256xf32, #tpu.memory_space<hbm>>
    %dma_start3A_442 = arith.constant 0 : i32
    %dma_start3A_443 = tpu.memref_slice %dma_start3A_441[%add3A_436, %dma_start3A_442] : memref<16384x256xf32, #tpu.memory_space<hbm>> -> memref<64x256xf32, #tpu.memory_space<hbm>>
    %dma_start3A_444 = arith.constant 0 : i32
    %dma_start3A_445 = arith.constant 0 : i32
    %dma_start3A_446 = tpu.memref_slice %arg4[%dma_start3A_437, %dma_start3A_444, %dma_start3A_445] : memref<3x16384x256xf32, #tpu.memory_space<hbm>> -> memref<1x16384x256xf32, #tpu.memory_space<hbm>>
    %dma_start3A_447 = tpu.memref_squeeze %dma_start3A_446 : memref<1x16384x256xf32, #tpu.memory_space<hbm>> -> memref<16384x256xf32, #tpu.memory_space<hbm>>
    %dma_start3A_448 = arith.constant 0 : i32
    %dma_start3A_449 = tpu.memref_slice %dma_start3A_447[%add3A_436, %dma_start3A_448] : memref<16384x256xf32, #tpu.memory_space<hbm>> -> memref<64x256xf32, #tpu.memory_space<hbm>>
    tpu.enqueue_dma source(%arg6 : memref<64x256xf32, #tpu.memory_space<vmem>>) target(%dma_start3A_449 : memref<64x256xf32, #tpu.memory_space<hbm>>) target_semaphore(%arg14 : memref<!tpu.dma_semaphore, #tpu.memory_space<semaphore_mem>>)
    %dma_wait3A_450 = arith.constant 1 : i32
    %dma_wait3A_451 = arith.constant 0 : i32
    %dma_wait3A_452 = arith.constant 0 : i32
    %dma_wait3A_453 = tpu.memref_slice %arg4[%dma_wait3A_450, %dma_wait3A_451, %dma_wait3A_452] : memref<3x16384x256xf32, #tpu.memory_space<hbm>> -> memref<1x16384x256xf32, #tpu.memory_space<hbm>>
    %dma_wait3A_454 = tpu.memref_squeeze %dma_wait3A_453 : memref<1x16384x256xf32, #tpu.memory_space<hbm>> -> memref<16384x256xf32, #tpu.memory_space<hbm>>
    %dma_wait3A_455 = arith.constant 0 : i32
    %dma_wait3A_456 = tpu.memref_slice %dma_wait3A_454[%add3A_436, %dma_wait3A_455] : memref<16384x256xf32, #tpu.memory_space<hbm>> -> memref<64x256xf32, #tpu.memory_space<hbm>>
    %dma_wait3A_457 = arith.constant 0 : i32
    %dma_wait3A_458 = arith.constant 0 : i32
    %dma_wait3A_459 = tpu.memref_slice %arg4[%dma_wait3A_450, %dma_wait3A_457, %dma_wait3A_458] : memref<3x16384x256xf32, #tpu.memory_space<hbm>> -> memref<1x16384x256xf32, #tpu.memory_space<hbm>>
    %dma_wait3A_460 = tpu.memref_squeeze %dma_wait3A_459 : memref<1x16384x256xf32, #tpu.memory_space<hbm>> -> memref<16384x256xf32, #tpu.memory_space<hbm>>
    %dma_wait3A_461 = arith.constant 0 : i32
    %dma_wait3A_462 = tpu.memref_slice %dma_wait3A_460[%add3A_436, %dma_wait3A_461] : memref<16384x256xf32, #tpu.memory_space<hbm>> -> memref<64x256xf32, #tpu.memory_space<hbm>>
    tpu.wait_dma2 semaphore(%arg14 : memref<!tpu.dma_semaphore, #tpu.memory_space<semaphore_mem>>) src(%arg6 : memref<64x256xf32, #tpu.memory_space<vmem>>) dst(%dma_wait3A_462 : memref<64x256xf32, #tpu.memory_space<hbm>>)
    %dma_start3A_463 = arith.constant 1 : i32
    %dma_start3A_464 = arith.constant 256 : i32
    %dma_start3A_465 = tpu.memref_slice %arg5[%dma_start3A_464] : memref<512xi32, #tpu.memory_space<vmem>> -> memref<64xi32, #tpu.memory_space<vmem>>
    %dma_start3A_466 = arith.constant 0 : i32
    %dma_start3A_467 = arith.constant 0 : i32
    %dma_start3A_468 = tpu.memref_slice %arg3[%dma_start3A_463, %dma_start3A_466, %dma_start3A_467] : memref<3x100000x256xf32, #tpu.memory_space<hbm>> -> memref<1x100000x256xf32, #tpu.memory_space<hbm>>
    %dma_start3A_469 = tpu.memref_squeeze %dma_start3A_468 : memref<1x100000x256xf32, #tpu.memory_space<hbm>> -> memref<100000x256xf32, #tpu.memory_space<hbm>>
    %dma_start3A_470 = arith.constant 0 : i32
    %dma_start3A_471 = arith.constant 0 : i32
    %dma_start3A_472 = tpu.memref_slice %dma_start3A_469[%dma_start3A_470, %dma_start3A_471] : memref<100000x256xf32, #tpu.memory_space<hbm>> -> memref<100000x256xf32, #tpu.memory_space<hbm>>
    tpu.enqueue_indirect_dma source(%dma_start3A_472 : memref<100000x256xf32, #tpu.memory_space<hbm>>) target(%arg6 : memref<64x256xf32, #tpu.memory_space<vmem>>) offsets(%dma_start3A_465 : memref<64xi32, #tpu.memory_space<vmem>>) semaphore(%arg10 : memref<!tpu.dma_semaphore, #tpu.memory_space<semaphore_mem>>)
    %dma_wait3A_473 = arith.constant 1 : i32
    %dma_wait3A_474 = arith.constant 64 : i32
    %dma_wait3A_475 = tpu.memref_slice %arg5[%dma_wait3A_474] : memref<512xi32, #tpu.memory_space<vmem>> -> memref<64xi32, #tpu.memory_space<vmem>>
    %dma_wait3A_476 = arith.constant 0 : i32
    %dma_wait3A_477 = arith.constant 0 : i32
    %dma_wait3A_478 = tpu.memref_slice %arg3[%dma_wait3A_473, %dma_wait3A_476, %dma_wait3A_477] : memref<3x100000x256xf32, #tpu.memory_space<hbm>> -> memref<1x100000x256xf32, #tpu.memory_space<hbm>>
    %dma_wait3A_479 = tpu.memref_squeeze %dma_wait3A_478 : memref<1x100000x256xf32, #tpu.memory_space<hbm>> -> memref<100000x256xf32, #tpu.memory_space<hbm>>
    %dma_wait3A_480 = arith.constant 0 : i32
    %dma_wait3A_481 = arith.constant 0 : i32
    %dma_wait3A_482 = tpu.memref_slice %dma_wait3A_479[%dma_wait3A_480, %dma_wait3A_481] : memref<100000x256xf32, #tpu.memory_space<hbm>> -> memref<100000x256xf32, #tpu.memory_space<hbm>>
    tpu.wait_indirect_dma semaphore(%arg11 : memref<!tpu.dma_semaphore, #tpu.memory_space<semaphore_mem>>) src(%dma_wait3A_482 : memref<100000x256xf32, #tpu.memory_space<hbm>>) dst(%arg7 : memref<64x256xf32, #tpu.memory_space<vmem>>)
    %add3A_483 = arith.constant 64 : i32
    %add3A_484 = arith.addi %mul3A_2, %add3A_483 : i32
    %dma_start3A_485 = arith.constant 1 : i32
    %dma_start3A_486 = arith.constant 0 : i32
    %dma_start3A_487 = arith.constant 0 : i32
    %dma_start3A_488 = tpu.memref_slice %arg4[%dma_start3A_485, %dma_start3A_486, %dma_start3A_487] : memref<3x16384x256xf32, #tpu.memory_space<hbm>> -> memref<1x16384x256xf32, #tpu.memory_space<hbm>>
    %dma_start3A_489 = tpu.memref_squeeze %dma_start3A_488 : memref<1x16384x256xf32, #tpu.memory_space<hbm>> -> memref<16384x256xf32, #tpu.memory_space<hbm>>
    %dma_start3A_490 = arith.constant 0 : i32
    %dma_start3A_491 = tpu.memref_slice %dma_start3A_489[%add3A_484, %dma_start3A_490] : memref<16384x256xf32, #tpu.memory_space<hbm>> -> memref<64x256xf32, #tpu.memory_space<hbm>>
    %dma_start3A_492 = arith.constant 0 : i32
    %dma_start3A_493 = arith.constant 0 : i32
    %dma_start3A_494 = tpu.memref_slice %arg4[%dma_start3A_485, %dma_start3A_492, %dma_start3A_493] : memref<3x16384x256xf32, #tpu.memory_space<hbm>> -> memref<1x16384x256xf32, #tpu.memory_space<hbm>>
    %dma_start3A_495 = tpu.memref_squeeze %dma_start3A_494 : memref<1x16384x256xf32, #tpu.memory_space<hbm>> -> memref<16384x256xf32, #tpu.memory_space<hbm>>
    %dma_start3A_496 = arith.constant 0 : i32
    %dma_start3A_497 = tpu.memref_slice %dma_start3A_495[%add3A_484, %dma_start3A_496] : memref<16384x256xf32, #tpu.memory_space<hbm>> -> memref<64x256xf32, #tpu.memory_space<hbm>>
    tpu.enqueue_dma source(%arg7 : memref<64x256xf32, #tpu.memory_space<vmem>>) target(%dma_start3A_497 : memref<64x256xf32, #tpu.memory_space<hbm>>) target_semaphore(%arg15 : memref<!tpu.dma_semaphore, #tpu.memory_space<semaphore_mem>>)
    %dma_wait3A_498 = arith.constant 1 : i32
    %dma_wait3A_499 = arith.constant 0 : i32
    %dma_wait3A_500 = arith.constant 0 : i32
    %dma_wait3A_501 = tpu.memref_slice %arg4[%dma_wait3A_498, %dma_wait3A_499, %dma_wait3A_500] : memref<3x16384x256xf32, #tpu.memory_space<hbm>> -> memref<1x16384x256xf32, #tpu.memory_space<hbm>>
    %dma_wait3A_502 = tpu.memref_squeeze %dma_wait3A_501 : memref<1x16384x256xf32, #tpu.memory_space<hbm>> -> memref<16384x256xf32, #tpu.memory_space<hbm>>
    %dma_wait3A_503 = arith.constant 0 : i32
    %dma_wait3A_504 = tpu.memref_slice %dma_wait3A_502[%add3A_484, %dma_wait3A_503] : memref<16384x256xf32, #tpu.memory_space<hbm>> -> memref<64x256xf32, #tpu.memory_space<hbm>>
    %dma_wait3A_505 = arith.constant 0 : i32
    %dma_wait3A_506 = arith.constant 0 : i32
    %dma_wait3A_507 = tpu.memref_slice %arg4[%dma_wait3A_498, %dma_wait3A_505, %dma_wait3A_506] : memref<3x16384x256xf32, #tpu.memory_space<hbm>> -> memref<1x16384x256xf32, #tpu.memory_space<hbm>>
    %dma_wait3A_508 = tpu.memref_squeeze %dma_wait3A_507 : memref<1x16384x256xf32, #tpu.memory_space<hbm>> -> memref<16384x256xf32, #tpu.memory_space<hbm>>
    %dma_wait3A_509 = arith.constant 0 : i32
    %dma_wait3A_510 = tpu.memref_slice %dma_wait3A_508[%add3A_484, %dma_wait3A_509] : memref<16384x256xf32, #tpu.memory_space<hbm>> -> memref<64x256xf32, #tpu.memory_space<hbm>>
    tpu.wait_dma2 semaphore(%arg15 : memref<!tpu.dma_semaphore, #tpu.memory_space<semaphore_mem>>) src(%arg7 : memref<64x256xf32, #tpu.memory_space<vmem>>) dst(%dma_wait3A_510 : memref<64x256xf32, #tpu.memory_space<hbm>>)
    %dma_start3A_511 = arith.constant 1 : i32
    %dma_start3A_512 = arith.constant 320 : i32
    %dma_start3A_513 = tpu.memref_slice %arg5[%dma_start3A_512] : memref<512xi32, #tpu.memory_space<vmem>> -> memref<64xi32, #tpu.memory_space<vmem>>
    %dma_start3A_514 = arith.constant 0 : i32
    %dma_start3A_515 = arith.constant 0 : i32
    %dma_start3A_516 = tpu.memref_slice %arg3[%dma_start3A_511, %dma_start3A_514, %dma_start3A_515] : memref<3x100000x256xf32, #tpu.memory_space<hbm>> -> memref<1x100000x256xf32, #tpu.memory_space<hbm>>
    %dma_start3A_517 = tpu.memref_squeeze %dma_start3A_516 : memref<1x100000x256xf32, #tpu.memory_space<hbm>> -> memref<100000x256xf32, #tpu.memory_space<hbm>>
    %dma_start3A_518 = arith.constant 0 : i32
    %dma_start3A_519 = arith.constant 0 : i32
    %dma_start3A_520 = tpu.memref_slice %dma_start3A_517[%dma_start3A_518, %dma_start3A_519] : memref<100000x256xf32, #tpu.memory_space<hbm>> -> memref<100000x256xf32, #tpu.memory_space<hbm>>
    tpu.enqueue_indirect_dma source(%dma_start3A_520 : memref<100000x256xf32, #tpu.memory_space<hbm>>) target(%arg7 : memref<64x256xf32, #tpu.memory_space<vmem>>) offsets(%dma_start3A_513 : memref<64xi32, #tpu.memory_space<vmem>>) semaphore(%arg11 : memref<!tpu.dma_semaphore, #tpu.memory_space<semaphore_mem>>)
    %dma_wait3A_521 = arith.constant 1 : i32
    %dma_wait3A_522 = arith.constant 128 : i32
    %dma_wait3A_523 = tpu.memref_slice %arg5[%dma_wait3A_522] : memref<512xi32, #tpu.memory_space<vmem>> -> memref<64xi32, #tpu.memory_space<vmem>>
    %dma_wait3A_524 = arith.constant 0 : i32
    %dma_wait3A_525 = arith.constant 0 : i32
    %dma_wait3A_526 = tpu.memref_slice %arg3[%dma_wait3A_521, %dma_wait3A_524, %dma_wait3A_525] : memref<3x100000x256xf32, #tpu.memory_space<hbm>> -> memref<1x100000x256xf32, #tpu.memory_space<hbm>>
    %dma_wait3A_527 = tpu.memref_squeeze %dma_wait3A_526 : memref<1x100000x256xf32, #tpu.memory_space<hbm>> -> memref<100000x256xf32, #tpu.memory_space<hbm>>
    %dma_wait3A_528 = arith.constant 0 : i32
    %dma_wait3A_529 = arith.constant 0 : i32
    %dma_wait3A_530 = tpu.memref_slice %dma_wait3A_527[%dma_wait3A_528, %dma_wait3A_529] : memref<100000x256xf32, #tpu.memory_space<hbm>> -> memref<100000x256xf32, #tpu.memory_space<hbm>>
    tpu.wait_indirect_dma semaphore(%arg12 : memref<!tpu.dma_semaphore, #tpu.memory_space<semaphore_mem>>) src(%dma_wait3A_530 : memref<100000x256xf32, #tpu.memory_space<hbm>>) dst(%arg8 : memref<64x256xf32, #tpu.memory_space<vmem>>)
    %add3A_531 = arith.constant 128 : i32
    %add3A_532 = arith.addi %mul3A_2, %add3A_531 : i32
    %dma_start3A_533 = arith.constant 1 : i32
    %dma_start3A_534 = arith.constant 0 : i32
    %dma_start3A_535 = arith.constant 0 : i32
    %dma_start3A_536 = tpu.memref_slice %arg4[%dma_start3A_533, %dma_start3A_534, %dma_start3A_535] : memref<3x16384x256xf32, #tpu.memory_space<hbm>> -> memref<1x16384x256xf32, #tpu.memory_space<hbm>>
    %dma_start3A_537 = tpu.memref_squeeze %dma_start3A_536 : memref<1x16384x256xf32, #tpu.memory_space<hbm>> -> memref<16384x256xf32, #tpu.memory_space<hbm>>
    %dma_start3A_538 = arith.constant 0 : i32
    %dma_start3A_539 = tpu.memref_slice %dma_start3A_537[%add3A_532, %dma_start3A_538] : memref<16384x256xf32, #tpu.memory_space<hbm>> -> memref<64x256xf32, #tpu.memory_space<hbm>>
    %dma_start3A_540 = arith.constant 0 : i32
    %dma_start3A_541 = arith.constant 0 : i32
    %dma_start3A_542 = tpu.memref_slice %arg4[%dma_start3A_533, %dma_start3A_540, %dma_start3A_541] : memref<3x16384x256xf32, #tpu.memory_space<hbm>> -> memref<1x16384x256xf32, #tpu.memory_space<hbm>>
    %dma_start3A_543 = tpu.memref_squeeze %dma_start3A_542 : memref<1x16384x256xf32, #tpu.memory_space<hbm>> -> memref<16384x256xf32, #tpu.memory_space<hbm>>
    %dma_start3A_544 = arith.constant 0 : i32
    %dma_start3A_545 = tpu.memref_slice %dma_start3A_543[%add3A_532, %dma_start3A_544] : memref<16384x256xf32, #tpu.memory_space<hbm>> -> memref<64x256xf32, #tpu.memory_space<hbm>>
    tpu.enqueue_dma source(%arg8 : memref<64x256xf32, #tpu.memory_space<vmem>>) target(%dma_start3A_545 : memref<64x256xf32, #tpu.memory_space<hbm>>) target_semaphore(%arg16 : memref<!tpu.dma_semaphore, #tpu.memory_space<semaphore_mem>>)
    %dma_wait3A_546 = arith.constant 1 : i32
    %dma_wait3A_547 = arith.constant 0 : i32
    %dma_wait3A_548 = arith.constant 0 : i32
    %dma_wait3A_549 = tpu.memref_slice %arg4[%dma_wait3A_546, %dma_wait3A_547, %dma_wait3A_548] : memref<3x16384x256xf32, #tpu.memory_space<hbm>> -> memref<1x16384x256xf32, #tpu.memory_space<hbm>>
    %dma_wait3A_550 = tpu.memref_squeeze %dma_wait3A_549 : memref<1x16384x256xf32, #tpu.memory_space<hbm>> -> memref<16384x256xf32, #tpu.memory_space<hbm>>
    %dma_wait3A_551 = arith.constant 0 : i32
    %dma_wait3A_552 = tpu.memref_slice %dma_wait3A_550[%add3A_532, %dma_wait3A_551] : memref<16384x256xf32, #tpu.memory_space<hbm>> -> memref<64x256xf32, #tpu.memory_space<hbm>>
    %dma_wait3A_553 = arith.constant 0 : i32
    %dma_wait3A_554 = arith.constant 0 : i32
    %dma_wait3A_555 = tpu.memref_slice %arg4[%dma_wait3A_546, %dma_wait3A_553, %dma_wait3A_554] : memref<3x16384x256xf32, #tpu.memory_space<hbm>> -> memref<1x16384x256xf32, #tpu.memory_space<hbm>>
    %dma_wait3A_556 = tpu.memref_squeeze %dma_wait3A_555 : memref<1x16384x256xf32, #tpu.memory_space<hbm>> -> memref<16384x256xf32, #tpu.memory_space<hbm>>
    %dma_wait3A_557 = arith.constant 0 : i32
    %dma_wait3A_558 = tpu.memref_slice %dma_wait3A_556[%add3A_532, %dma_wait3A_557] : memref<16384x256xf32, #tpu.memory_space<hbm>> -> memref<64x256xf32, #tpu.memory_space<hbm>>
    tpu.wait_dma2 semaphore(%arg16 : memref<!tpu.dma_semaphore, #tpu.memory_space<semaphore_mem>>) src(%arg8 : memref<64x256xf32, #tpu.memory_space<vmem>>) dst(%dma_wait3A_558 : memref<64x256xf32, #tpu.memory_space<hbm>>)
    %dma_start3A_559 = arith.constant 1 : i32
    %dma_start3A_560 = arith.constant 384 : i32
    %dma_start3A_561 = tpu.memref_slice %arg5[%dma_start3A_560] : memref<512xi32, #tpu.memory_space<vmem>> -> memref<64xi32, #tpu.memory_space<vmem>>
    %dma_start3A_562 = arith.constant 0 : i32
    %dma_start3A_563 = arith.constant 0 : i32
    %dma_start3A_564 = tpu.memref_slice %arg3[%dma_start3A_559, %dma_start3A_562, %dma_start3A_563] : memref<3x100000x256xf32, #tpu.memory_space<hbm>> -> memref<1x100000x256xf32, #tpu.memory_space<hbm>>
    %dma_start3A_565 = tpu.memref_squeeze %dma_start3A_564 : memref<1x100000x256xf32, #tpu.memory_space<hbm>> -> memref<100000x256xf32, #tpu.memory_space<hbm>>
    %dma_start3A_566 = arith.constant 0 : i32
    %dma_start3A_567 = arith.constant 0 : i32
    %dma_start3A_568 = tpu.memref_slice %dma_start3A_565[%dma_start3A_566, %dma_start3A_567] : memref<100000x256xf32, #tpu.memory_space<hbm>> -> memref<100000x256xf32, #tpu.memory_space<hbm>>
    tpu.enqueue_indirect_dma source(%dma_start3A_568 : memref<100000x256xf32, #tpu.memory_space<hbm>>) target(%arg8 : memref<64x256xf32, #tpu.memory_space<vmem>>) offsets(%dma_start3A_561 : memref<64xi32, #tpu.memory_space<vmem>>) semaphore(%arg12 : memref<!tpu.dma_semaphore, #tpu.memory_space<semaphore_mem>>)
    %dma_wait3A_569 = arith.constant 1 : i32
    %dma_wait3A_570 = arith.constant 192 : i32
    %dma_wait3A_571 = tpu.memref_slice %arg5[%dma_wait3A_570] : memref<512xi32, #tpu.memory_space<vmem>> -> memref<64xi32, #tpu.memory_space<vmem>>
    %dma_wait3A_572 = arith.constant 0 : i32
    %dma_wait3A_573 = arith.constant 0 : i32
    %dma_wait3A_574 = tpu.memref_slice %arg3[%dma_wait3A_569, %dma_wait3A_572, %dma_wait3A_573] : memref<3x100000x256xf32, #tpu.memory_space<hbm>> -> memref<1x100000x256xf32, #tpu.memory_space<hbm>>
    %dma_wait3A_575 = tpu.memref_squeeze %dma_wait3A_574 : memref<1x100000x256xf32, #tpu.memory_space<hbm>> -> memref<100000x256xf32, #tpu.memory_space<hbm>>
    %dma_wait3A_576 = arith.constant 0 : i32
    %dma_wait3A_577 = arith.constant 0 : i32
    %dma_wait3A_578 = tpu.memref_slice %dma_wait3A_575[%dma_wait3A_576, %dma_wait3A_577] : memref<100000x256xf32, #tpu.memory_space<hbm>> -> memref<100000x256xf32, #tpu.memory_space<hbm>>
    tpu.wait_indirect_dma semaphore(%arg13 : memref<!tpu.dma_semaphore, #tpu.memory_space<semaphore_mem>>) src(%dma_wait3A_578 : memref<100000x256xf32, #tpu.memory_space<hbm>>) dst(%arg9 : memref<64x256xf32, #tpu.memory_space<vmem>>)
    %add3A_579 = arith.constant 192 : i32
    %add3A_580 = arith.addi %mul3A_2, %add3A_579 : i32
    %dma_start3A_581 = arith.constant 1 : i32
    %dma_start3A_582 = arith.constant 0 : i32
    %dma_start3A_583 = arith.constant 0 : i32
    %dma_start3A_584 = tpu.memref_slice %arg4[%dma_start3A_581, %dma_start3A_582, %dma_start3A_583] : memref<3x16384x256xf32, #tpu.memory_space<hbm>> -> memref<1x16384x256xf32, #tpu.memory_space<hbm>>
    %dma_start3A_585 = tpu.memref_squeeze %dma_start3A_584 : memref<1x16384x256xf32, #tpu.memory_space<hbm>> -> memref<16384x256xf32, #tpu.memory_space<hbm>>
    %dma_start3A_586 = arith.constant 0 : i32
    %dma_start3A_587 = tpu.memref_slice %dma_start3A_585[%add3A_580, %dma_start3A_586] : memref<16384x256xf32, #tpu.memory_space<hbm>> -> memref<64x256xf32, #tpu.memory_space<hbm>>
    %dma_start3A_588 = arith.constant 0 : i32
    %dma_start3A_589 = arith.constant 0 : i32
    %dma_start3A_590 = tpu.memref_slice %arg4[%dma_start3A_581, %dma_start3A_588, %dma_start3A_589] : memref<3x16384x256xf32, #tpu.memory_space<hbm>> -> memref<1x16384x256xf32, #tpu.memory_space<hbm>>
    %dma_start3A_591 = tpu.memref_squeeze %dma_start3A_590 : memref<1x16384x256xf32, #tpu.memory_space<hbm>> -> memref<16384x256xf32, #tpu.memory_space<hbm>>
    %dma_start3A_592 = arith.constant 0 : i32
    %dma_start3A_593 = tpu.memref_slice %dma_start3A_591[%add3A_580, %dma_start3A_592] : memref<16384x256xf32, #tpu.memory_space<hbm>> -> memref<64x256xf32, #tpu.memory_space<hbm>>
    tpu.enqueue_dma source(%arg9 : memref<64x256xf32, #tpu.memory_space<vmem>>) target(%dma_start3A_593 : memref<64x256xf32, #tpu.memory_space<hbm>>) target_semaphore(%arg17 : memref<!tpu.dma_semaphore, #tpu.memory_space<semaphore_mem>>)
    %dma_wait3A_594 = arith.constant 1 : i32
    %dma_wait3A_595 = arith.constant 0 : i32
    %dma_wait3A_596 = arith.constant 0 : i32
    %dma_wait3A_597 = tpu.memref_slice %arg4[%dma_wait3A_594, %dma_wait3A_595, %dma_wait3A_596] : memref<3x16384x256xf32, #tpu.memory_space<hbm>> -> memref<1x16384x256xf32, #tpu.memory_space<hbm>>
    %dma_wait3A_598 = tpu.memref_squeeze %dma_wait3A_597 : memref<1x16384x256xf32, #tpu.memory_space<hbm>> -> memref<16384x256xf32, #tpu.memory_space<hbm>>
    %dma_wait3A_599 = arith.constant 0 : i32
    %dma_wait3A_600 = tpu.memref_slice %dma_wait3A_598[%add3A_580, %dma_wait3A_599] : memref<16384x256xf32, #tpu.memory_space<hbm>> -> memref<64x256xf32, #tpu.memory_space<hbm>>
    %dma_wait3A_601 = arith.constant 0 : i32
    %dma_wait3A_602 = arith.constant 0 : i32
    %dma_wait3A_603 = tpu.memref_slice %arg4[%dma_wait3A_594, %dma_wait3A_601, %dma_wait3A_602] : memref<3x16384x256xf32, #tpu.memory_space<hbm>> -> memref<1x16384x256xf32, #tpu.memory_space<hbm>>
    %dma_wait3A_604 = tpu.memref_squeeze %dma_wait3A_603 : memref<1x16384x256xf32, #tpu.memory_space<hbm>> -> memref<16384x256xf32, #tpu.memory_space<hbm>>
    %dma_wait3A_605 = arith.constant 0 : i32
    %dma_wait3A_606 = tpu.memref_slice %dma_wait3A_604[%add3A_580, %dma_wait3A_605] : memref<16384x256xf32, #tpu.memory_space<hbm>> -> memref<64x256xf32, #tpu.memory_space<hbm>>
    tpu.wait_dma2 semaphore(%arg17 : memref<!tpu.dma_semaphore, #tpu.memory_space<semaphore_mem>>) src(%arg9 : memref<64x256xf32, #tpu.memory_space<vmem>>) dst(%dma_wait3A_606 : memref<64x256xf32, #tpu.memory_space<hbm>>)
    %dma_start3A_607 = arith.constant 1 : i32
    %dma_start3A_608 = arith.constant 448 : i32
    %dma_start3A_609 = tpu.memref_slice %arg5[%dma_start3A_608] : memref<512xi32, #tpu.memory_space<vmem>> -> memref<64xi32, #tpu.memory_space<vmem>>
    %dma_start3A_610 = arith.constant 0 : i32
    %dma_start3A_611 = arith.constant 0 : i32
    %dma_start3A_612 = tpu.memref_slice %arg3[%dma_start3A_607, %dma_start3A_610, %dma_start3A_611] : memref<3x100000x256xf32, #tpu.memory_space<hbm>> -> memref<1x100000x256xf32, #tpu.memory_space<hbm>>
    %dma_start3A_613 = tpu.memref_squeeze %dma_start3A_612 : memref<1x100000x256xf32, #tpu.memory_space<hbm>> -> memref<100000x256xf32, #tpu.memory_space<hbm>>
    %dma_start3A_614 = arith.constant 0 : i32
    %dma_start3A_615 = arith.constant 0 : i32
    %dma_start3A_616 = tpu.memref_slice %dma_start3A_613[%dma_start3A_614, %dma_start3A_615] : memref<100000x256xf32, #tpu.memory_space<hbm>> -> memref<100000x256xf32, #tpu.memory_space<hbm>>
    tpu.enqueue_indirect_dma source(%dma_start3A_616 : memref<100000x256xf32, #tpu.memory_space<hbm>>) target(%arg9 : memref<64x256xf32, #tpu.memory_space<vmem>>) offsets(%dma_start3A_609 : memref<64xi32, #tpu.memory_space<vmem>>) semaphore(%arg13 : memref<!tpu.dma_semaphore, #tpu.memory_space<semaphore_mem>>)
    %dma_wait3A_617 = arith.constant 1 : i32
    %dma_wait3A_618 = arith.constant 256 : i32
    %dma_wait3A_619 = tpu.memref_slice %arg5[%dma_wait3A_618] : memref<512xi32, #tpu.memory_space<vmem>> -> memref<64xi32, #tpu.memory_space<vmem>>
    %dma_wait3A_620 = arith.constant 0 : i32
    %dma_wait3A_621 = arith.constant 0 : i32
    %dma_wait3A_622 = tpu.memref_slice %arg3[%dma_wait3A_617, %dma_wait3A_620, %dma_wait3A_621] : memref<3x100000x256xf32, #tpu.memory_space<hbm>> -> memref<1x100000x256xf32, #tpu.memory_space<hbm>>
    %dma_wait3A_623 = tpu.memref_squeeze %dma_wait3A_622 : memref<1x100000x256xf32, #tpu.memory_space<hbm>> -> memref<100000x256xf32, #tpu.memory_space<hbm>>
    %dma_wait3A_624 = arith.constant 0 : i32
    %dma_wait3A_625 = arith.constant 0 : i32
    %dma_wait3A_626 = tpu.memref_slice %dma_wait3A_623[%dma_wait3A_624, %dma_wait3A_625] : memref<100000x256xf32, #tpu.memory_space<hbm>> -> memref<100000x256xf32, #tpu.memory_space<hbm>>
    tpu.wait_indirect_dma semaphore(%arg10 : memref<!tpu.dma_semaphore, #tpu.memory_space<semaphore_mem>>) src(%dma_wait3A_626 : memref<100000x256xf32, #tpu.memory_space<hbm>>) dst(%arg6 : memref<64x256xf32, #tpu.memory_space<vmem>>)
    %add3A_627 = arith.constant 256 : i32
    %add3A_628 = arith.addi %mul3A_2, %add3A_627 : i32
    %dma_start3A_629 = arith.constant 1 : i32
    %dma_start3A_630 = arith.constant 0 : i32
    %dma_start3A_631 = arith.constant 0 : i32
    %dma_start3A_632 = tpu.memref_slice %arg4[%dma_start3A_629, %dma_start3A_630, %dma_start3A_631] : memref<3x16384x256xf32, #tpu.memory_space<hbm>> -> memref<1x16384x256xf32, #tpu.memory_space<hbm>>
    %dma_start3A_633 = tpu.memref_squeeze %dma_start3A_632 : memref<1x16384x256xf32, #tpu.memory_space<hbm>> -> memref<16384x256xf32, #tpu.memory_space<hbm>>
    %dma_start3A_634 = arith.constant 0 : i32
    %dma_start3A_635 = tpu.memref_slice %dma_start3A_633[%add3A_628, %dma_start3A_634] : memref<16384x256xf32, #tpu.memory_space<hbm>> -> memref<64x256xf32, #tpu.memory_space<hbm>>
    %dma_start3A_636 = arith.constant 0 : i32
    %dma_start3A_637 = arith.constant 0 : i32
    %dma_start3A_638 = tpu.memref_slice %arg4[%dma_start3A_629, %dma_start3A_636, %dma_start3A_637] : memref<3x16384x256xf32, #tpu.memory_space<hbm>> -> memref<1x16384x256xf32, #tpu.memory_space<hbm>>
    %dma_start3A_639 = tpu.memref_squeeze %dma_start3A_638 : memref<1x16384x256xf32, #tpu.memory_space<hbm>> -> memref<16384x256xf32, #tpu.memory_space<hbm>>
    %dma_start3A_640 = arith.constant 0 : i32
    %dma_start3A_641 = tpu.memref_slice %dma_start3A_639[%add3A_628, %dma_start3A_640] : memref<16384x256xf32, #tpu.memory_space<hbm>> -> memref<64x256xf32, #tpu.memory_space<hbm>>
    tpu.enqueue_dma source(%arg6 : memref<64x256xf32, #tpu.memory_space<vmem>>) target(%dma_start3A_641 : memref<64x256xf32, #tpu.memory_space<hbm>>) target_semaphore(%arg14 : memref<!tpu.dma_semaphore, #tpu.memory_space<semaphore_mem>>)
    %dma_wait3A_642 = arith.constant 1 : i32
    %dma_wait3A_643 = arith.constant 0 : i32
    %dma_wait3A_644 = arith.constant 0 : i32
    %dma_wait3A_645 = tpu.memref_slice %arg4[%dma_wait3A_642, %dma_wait3A_643, %dma_wait3A_644] : memref<3x16384x256xf32, #tpu.memory_space<hbm>> -> memref<1x16384x256xf32, #tpu.memory_space<hbm>>
    %dma_wait3A_646 = tpu.memref_squeeze %dma_wait3A_645 : memref<1x16384x256xf32, #tpu.memory_space<hbm>> -> memref<16384x256xf32, #tpu.memory_space<hbm>>
    %dma_wait3A_647 = arith.constant 0 : i32
    %dma_wait3A_648 = tpu.memref_slice %dma_wait3A_646[%add3A_628, %dma_wait3A_647] : memref<16384x256xf32, #tpu.memory_space<hbm>> -> memref<64x256xf32, #tpu.memory_space<hbm>>
    %dma_wait3A_649 = arith.constant 0 : i32
    %dma_wait3A_650 = arith.constant 0 : i32
    %dma_wait3A_651 = tpu.memref_slice %arg4[%dma_wait3A_642, %dma_wait3A_649, %dma_wait3A_650] : memref<3x16384x256xf32, #tpu.memory_space<hbm>> -> memref<1x16384x256xf32, #tpu.memory_space<hbm>>
    %dma_wait3A_652 = tpu.memref_squeeze %dma_wait3A_651 : memref<1x16384x256xf32, #tpu.memory_space<hbm>> -> memref<16384x256xf32, #tpu.memory_space<hbm>>
    %dma_wait3A_653 = arith.constant 0 : i32
    %dma_wait3A_654 = tpu.memref_slice %dma_wait3A_652[%add3A_628, %dma_wait3A_653] : memref<16384x256xf32, #tpu.memory_space<hbm>> -> memref<64x256xf32, #tpu.memory_space<hbm>>
    tpu.wait_dma2 semaphore(%arg14 : memref<!tpu.dma_semaphore, #tpu.memory_space<semaphore_mem>>) src(%arg6 : memref<64x256xf32, #tpu.memory_space<vmem>>) dst(%dma_wait3A_654 : memref<64x256xf32, #tpu.memory_space<hbm>>)
    %dma_start3A_655 = arith.constant 2 : i32
    %dma_start3A_656 = arith.constant 0 : i32
    %dma_start3A_657 = tpu.memref_slice %arg5[%dma_start3A_656] : memref<512xi32, #tpu.memory_space<vmem>> -> memref<64xi32, #tpu.memory_space<vmem>>
    %dma_start3A_658 = arith.constant 0 : i32
    %dma_start3A_659 = arith.constant 0 : i32
    %dma_start3A_660 = tpu.memref_slice %arg3[%dma_start3A_655, %dma_start3A_658, %dma_start3A_659] : memref<3x100000x256xf32, #tpu.memory_space<hbm>> -> memref<1x100000x256xf32, #tpu.memory_space<hbm>>
    %dma_start3A_661 = tpu.memref_squeeze %dma_start3A_660 : memref<1x100000x256xf32, #tpu.memory_space<hbm>> -> memref<100000x256xf32, #tpu.memory_space<hbm>>
    %dma_start3A_662 = arith.constant 0 : i32
    %dma_start3A_663 = arith.constant 0 : i32
    %dma_start3A_664 = tpu.memref_slice %dma_start3A_661[%dma_start3A_662, %dma_start3A_663] : memref<100000x256xf32, #tpu.memory_space<hbm>> -> memref<100000x256xf32, #tpu.memory_space<hbm>>
    tpu.enqueue_indirect_dma source(%dma_start3A_664 : memref<100000x256xf32, #tpu.memory_space<hbm>>) target(%arg6 : memref<64x256xf32, #tpu.memory_space<vmem>>) offsets(%dma_start3A_657 : memref<64xi32, #tpu.memory_space<vmem>>) semaphore(%arg10 : memref<!tpu.dma_semaphore, #tpu.memory_space<semaphore_mem>>)
    %dma_wait3A_665 = arith.constant 1 : i32
    %dma_wait3A_666 = arith.constant 320 : i32
    %dma_wait3A_667 = tpu.memref_slice %arg5[%dma_wait3A_666] : memref<512xi32, #tpu.memory_space<vmem>> -> memref<64xi32, #tpu.memory_space<vmem>>
    %dma_wait3A_668 = arith.constant 0 : i32
    %dma_wait3A_669 = arith.constant 0 : i32
    %dma_wait3A_670 = tpu.memref_slice %arg3[%dma_wait3A_665, %dma_wait3A_668, %dma_wait3A_669] : memref<3x100000x256xf32, #tpu.memory_space<hbm>> -> memref<1x100000x256xf32, #tpu.memory_space<hbm>>
    %dma_wait3A_671 = tpu.memref_squeeze %dma_wait3A_670 : memref<1x100000x256xf32, #tpu.memory_space<hbm>> -> memref<100000x256xf32, #tpu.memory_space<hbm>>
    %dma_wait3A_672 = arith.constant 0 : i32
    %dma_wait3A_673 = arith.constant 0 : i32
    %dma_wait3A_674 = tpu.memref_slice %dma_wait3A_671[%dma_wait3A_672, %dma_wait3A_673] : memref<100000x256xf32, #tpu.memory_space<hbm>> -> memref<100000x256xf32, #tpu.memory_space<hbm>>
    tpu.wait_indirect_dma semaphore(%arg11 : memref<!tpu.dma_semaphore, #tpu.memory_space<semaphore_mem>>) src(%dma_wait3A_674 : memref<100000x256xf32, #tpu.memory_space<hbm>>) dst(%arg7 : memref<64x256xf32, #tpu.memory_space<vmem>>)
    %add3A_675 = arith.constant 320 : i32
    %add3A_676 = arith.addi %mul3A_2, %add3A_675 : i32
    %dma_start3A_677 = arith.constant 1 : i32
    %dma_start3A_678 = arith.constant 0 : i32
    %dma_start3A_679 = arith.constant 0 : i32
    %dma_start3A_680 = tpu.memref_slice %arg4[%dma_start3A_677, %dma_start3A_678, %dma_start3A_679] : memref<3x16384x256xf32, #tpu.memory_space<hbm>> -> memref<1x16384x256xf32, #tpu.memory_space<hbm>>
    %dma_start3A_681 = tpu.memref_squeeze %dma_start3A_680 : memref<1x16384x256xf32, #tpu.memory_space<hbm>> -> memref<16384x256xf32, #tpu.memory_space<hbm>>
    %dma_start3A_682 = arith.constant 0 : i32
    %dma_start3A_683 = tpu.memref_slice %dma_start3A_681[%add3A_676, %dma_start3A_682] : memref<16384x256xf32, #tpu.memory_space<hbm>> -> memref<64x256xf32, #tpu.memory_space<hbm>>
    %dma_start3A_684 = arith.constant 0 : i32
    %dma_start3A_685 = arith.constant 0 : i32
    %dma_start3A_686 = tpu.memref_slice %arg4[%dma_start3A_677, %dma_start3A_684, %dma_start3A_685] : memref<3x16384x256xf32, #tpu.memory_space<hbm>> -> memref<1x16384x256xf32, #tpu.memory_space<hbm>>
    %dma_start3A_687 = tpu.memref_squeeze %dma_start3A_686 : memref<1x16384x256xf32, #tpu.memory_space<hbm>> -> memref<16384x256xf32, #tpu.memory_space<hbm>>
    %dma_start3A_688 = arith.constant 0 : i32
    %dma_start3A_689 = tpu.memref_slice %dma_start3A_687[%add3A_676, %dma_start3A_688] : memref<16384x256xf32, #tpu.memory_space<hbm>> -> memref<64x256xf32, #tpu.memory_space<hbm>>
    tpu.enqueue_dma source(%arg7 : memref<64x256xf32, #tpu.memory_space<vmem>>) target(%dma_start3A_689 : memref<64x256xf32, #tpu.memory_space<hbm>>) target_semaphore(%arg15 : memref<!tpu.dma_semaphore, #tpu.memory_space<semaphore_mem>>)
    %dma_wait3A_690 = arith.constant 1 : i32
    %dma_wait3A_691 = arith.constant 0 : i32
    %dma_wait3A_692 = arith.constant 0 : i32
    %dma_wait3A_693 = tpu.memref_slice %arg4[%dma_wait3A_690, %dma_wait3A_691, %dma_wait3A_692] : memref<3x16384x256xf32, #tpu.memory_space<hbm>> -> memref<1x16384x256xf32, #tpu.memory_space<hbm>>
    %dma_wait3A_694 = tpu.memref_squeeze %dma_wait3A_693 : memref<1x16384x256xf32, #tpu.memory_space<hbm>> -> memref<16384x256xf32, #tpu.memory_space<hbm>>
    %dma_wait3A_695 = arith.constant 0 : i32
    %dma_wait3A_696 = tpu.memref_slice %dma_wait3A_694[%add3A_676, %dma_wait3A_695] : memref<16384x256xf32, #tpu.memory_space<hbm>> -> memref<64x256xf32, #tpu.memory_space<hbm>>
    %dma_wait3A_697 = arith.constant 0 : i32
    %dma_wait3A_698 = arith.constant 0 : i32
    %dma_wait3A_699 = tpu.memref_slice %arg4[%dma_wait3A_690, %dma_wait3A_697, %dma_wait3A_698] : memref<3x16384x256xf32, #tpu.memory_space<hbm>> -> memref<1x16384x256xf32, #tpu.memory_space<hbm>>
    %dma_wait3A_700 = tpu.memref_squeeze %dma_wait3A_699 : memref<1x16384x256xf32, #tpu.memory_space<hbm>> -> memref<16384x256xf32, #tpu.memory_space<hbm>>
    %dma_wait3A_701 = arith.constant 0 : i32
    %dma_wait3A_702 = tpu.memref_slice %dma_wait3A_700[%add3A_676, %dma_wait3A_701] : memref<16384x256xf32, #tpu.memory_space<hbm>> -> memref<64x256xf32, #tpu.memory_space<hbm>>
    tpu.wait_dma2 semaphore(%arg15 : memref<!tpu.dma_semaphore, #tpu.memory_space<semaphore_mem>>) src(%arg7 : memref<64x256xf32, #tpu.memory_space<vmem>>) dst(%dma_wait3A_702 : memref<64x256xf32, #tpu.memory_space<hbm>>)
    %dma_start3A_703 = arith.constant 2 : i32
    %dma_start3A_704 = arith.constant 64 : i32
    %dma_start3A_705 = tpu.memref_slice %arg5[%dma_start3A_704] : memref<512xi32, #tpu.memory_space<vmem>> -> memref<64xi32, #tpu.memory_space<vmem>>
    %dma_start3A_706 = arith.constant 0 : i32
    %dma_start3A_707 = arith.constant 0 : i32
    %dma_start3A_708 = tpu.memref_slice %arg3[%dma_start3A_703, %dma_start3A_706, %dma_start3A_707] : memref<3x100000x256xf32, #tpu.memory_space<hbm>> -> memref<1x100000x256xf32, #tpu.memory_space<hbm>>
    %dma_start3A_709 = tpu.memref_squeeze %dma_start3A_708 : memref<1x100000x256xf32, #tpu.memory_space<hbm>> -> memref<100000x256xf32, #tpu.memory_space<hbm>>
    %dma_start3A_710 = arith.constant 0 : i32
    %dma_start3A_711 = arith.constant 0 : i32
    %dma_start3A_712 = tpu.memref_slice %dma_start3A_709[%dma_start3A_710, %dma_start3A_711] : memref<100000x256xf32, #tpu.memory_space<hbm>> -> memref<100000x256xf32, #tpu.memory_space<hbm>>
    tpu.enqueue_indirect_dma source(%dma_start3A_712 : memref<100000x256xf32, #tpu.memory_space<hbm>>) target(%arg7 : memref<64x256xf32, #tpu.memory_space<vmem>>) offsets(%dma_start3A_705 : memref<64xi32, #tpu.memory_space<vmem>>) semaphore(%arg11 : memref<!tpu.dma_semaphore, #tpu.memory_space<semaphore_mem>>)
    %dma_wait3A_713 = arith.constant 1 : i32
    %dma_wait3A_714 = arith.constant 384 : i32
    %dma_wait3A_715 = tpu.memref_slice %arg5[%dma_wait3A_714] : memref<512xi32, #tpu.memory_space<vmem>> -> memref<64xi32, #tpu.memory_space<vmem>>
    %dma_wait3A_716 = arith.constant 0 : i32
    %dma_wait3A_717 = arith.constant 0 : i32
    %dma_wait3A_718 = tpu.memref_slice %arg3[%dma_wait3A_713, %dma_wait3A_716, %dma_wait3A_717] : memref<3x100000x256xf32, #tpu.memory_space<hbm>> -> memref<1x100000x256xf32, #tpu.memory_space<hbm>>
    %dma_wait3A_719 = tpu.memref_squeeze %dma_wait3A_718 : memref<1x100000x256xf32, #tpu.memory_space<hbm>> -> memref<100000x256xf32, #tpu.memory_space<hbm>>
    %dma_wait3A_720 = arith.constant 0 : i32
    %dma_wait3A_721 = arith.constant 0 : i32
    %dma_wait3A_722 = tpu.memref_slice %dma_wait3A_719[%dma_wait3A_720, %dma_wait3A_721] : memref<100000x256xf32, #tpu.memory_space<hbm>> -> memref<100000x256xf32, #tpu.memory_space<hbm>>
    tpu.wait_indirect_dma semaphore(%arg12 : memref<!tpu.dma_semaphore, #tpu.memory_space<semaphore_mem>>) src(%dma_wait3A_722 : memref<100000x256xf32, #tpu.memory_space<hbm>>) dst(%arg8 : memref<64x256xf32, #tpu.memory_space<vmem>>)
    %add3A_723 = arith.constant 384 : i32
    %add3A_724 = arith.addi %mul3A_2, %add3A_723 : i32
    %dma_start3A_725 = arith.constant 1 : i32
    %dma_start3A_726 = arith.constant 0 : i32
    %dma_start3A_727 = arith.constant 0 : i32
    %dma_start3A_728 = tpu.memref_slice %arg4[%dma_start3A_725, %dma_start3A_726, %dma_start3A_727] : memref<3x16384x256xf32, #tpu.memory_space<hbm>> -> memref<1x16384x256xf32, #tpu.memory_space<hbm>>
    %dma_start3A_729 = tpu.memref_squeeze %dma_start3A_728 : memref<1x16384x256xf32, #tpu.memory_space<hbm>> -> memref<16384x256xf32, #tpu.memory_space<hbm>>
    %dma_start3A_730 = arith.constant 0 : i32
    %dma_start3A_731 = tpu.memref_slice %dma_start3A_729[%add3A_724, %dma_start3A_730] : memref<16384x256xf32, #tpu.memory_space<hbm>> -> memref<64x256xf32, #tpu.memory_space<hbm>>
    %dma_start3A_732 = arith.constant 0 : i32
    %dma_start3A_733 = arith.constant 0 : i32
    %dma_start3A_734 = tpu.memref_slice %arg4[%dma_start3A_725, %dma_start3A_732, %dma_start3A_733] : memref<3x16384x256xf32, #tpu.memory_space<hbm>> -> memref<1x16384x256xf32, #tpu.memory_space<hbm>>
    %dma_start3A_735 = tpu.memref_squeeze %dma_start3A_734 : memref<1x16384x256xf32, #tpu.memory_space<hbm>> -> memref<16384x256xf32, #tpu.memory_space<hbm>>
    %dma_start3A_736 = arith.constant 0 : i32
    %dma_start3A_737 = tpu.memref_slice %dma_start3A_735[%add3A_724, %dma_start3A_736] : memref<16384x256xf32, #tpu.memory_space<hbm>> -> memref<64x256xf32, #tpu.memory_space<hbm>>
    tpu.enqueue_dma source(%arg8 : memref<64x256xf32, #tpu.memory_space<vmem>>) target(%dma_start3A_737 : memref<64x256xf32, #tpu.memory_space<hbm>>) target_semaphore(%arg16 : memref<!tpu.dma_semaphore, #tpu.memory_space<semaphore_mem>>)
    %dma_wait3A_738 = arith.constant 1 : i32
    %dma_wait3A_739 = arith.constant 0 : i32
    %dma_wait3A_740 = arith.constant 0 : i32
    %dma_wait3A_741 = tpu.memref_slice %arg4[%dma_wait3A_738, %dma_wait3A_739, %dma_wait3A_740] : memref<3x16384x256xf32, #tpu.memory_space<hbm>> -> memref<1x16384x256xf32, #tpu.memory_space<hbm>>
    %dma_wait3A_742 = tpu.memref_squeeze %dma_wait3A_741 : memref<1x16384x256xf32, #tpu.memory_space<hbm>> -> memref<16384x256xf32, #tpu.memory_space<hbm>>
    %dma_wait3A_743 = arith.constant 0 : i32
    %dma_wait3A_744 = tpu.memref_slice %dma_wait3A_742[%add3A_724, %dma_wait3A_743] : memref<16384x256xf32, #tpu.memory_space<hbm>> -> memref<64x256xf32, #tpu.memory_space<hbm>>
    %dma_wait3A_745 = arith.constant 0 : i32
    %dma_wait3A_746 = arith.constant 0 : i32
    %dma_wait3A_747 = tpu.memref_slice %arg4[%dma_wait3A_738, %dma_wait3A_745, %dma_wait3A_746] : memref<3x16384x256xf32, #tpu.memory_space<hbm>> -> memref<1x16384x256xf32, #tpu.memory_space<hbm>>
    %dma_wait3A_748 = tpu.memref_squeeze %dma_wait3A_747 : memref<1x16384x256xf32, #tpu.memory_space<hbm>> -> memref<16384x256xf32, #tpu.memory_space<hbm>>
    %dma_wait3A_749 = arith.constant 0 : i32
    %dma_wait3A_750 = tpu.memref_slice %dma_wait3A_748[%add3A_724, %dma_wait3A_749] : memref<16384x256xf32, #tpu.memory_space<hbm>> -> memref<64x256xf32, #tpu.memory_space<hbm>>
    tpu.wait_dma2 semaphore(%arg16 : memref<!tpu.dma_semaphore, #tpu.memory_space<semaphore_mem>>) src(%arg8 : memref<64x256xf32, #tpu.memory_space<vmem>>) dst(%dma_wait3A_750 : memref<64x256xf32, #tpu.memory_space<hbm>>)
    %dma_start3A_751 = arith.constant 2 : i32
    %dma_start3A_752 = arith.constant 128 : i32
    %dma_start3A_753 = tpu.memref_slice %arg5[%dma_start3A_752] : memref<512xi32, #tpu.memory_space<vmem>> -> memref<64xi32, #tpu.memory_space<vmem>>
    %dma_start3A_754 = arith.constant 0 : i32
    %dma_start3A_755 = arith.constant 0 : i32
    %dma_start3A_756 = tpu.memref_slice %arg3[%dma_start3A_751, %dma_start3A_754, %dma_start3A_755] : memref<3x100000x256xf32, #tpu.memory_space<hbm>> -> memref<1x100000x256xf32, #tpu.memory_space<hbm>>
    %dma_start3A_757 = tpu.memref_squeeze %dma_start3A_756 : memref<1x100000x256xf32, #tpu.memory_space<hbm>> -> memref<100000x256xf32, #tpu.memory_space<hbm>>
    %dma_start3A_758 = arith.constant 0 : i32
    %dma_start3A_759 = arith.constant 0 : i32
    %dma_start3A_760 = tpu.memref_slice %dma_start3A_757[%dma_start3A_758, %dma_start3A_759] : memref<100000x256xf32, #tpu.memory_space<hbm>> -> memref<100000x256xf32, #tpu.memory_space<hbm>>
    tpu.enqueue_indirect_dma source(%dma_start3A_760 : memref<100000x256xf32, #tpu.memory_space<hbm>>) target(%arg8 : memref<64x256xf32, #tpu.memory_space<vmem>>) offsets(%dma_start3A_753 : memref<64xi32, #tpu.memory_space<vmem>>) semaphore(%arg12 : memref<!tpu.dma_semaphore, #tpu.memory_space<semaphore_mem>>)
    %dma_wait3A_761 = arith.constant 1 : i32
    %dma_wait3A_762 = arith.constant 448 : i32
    %dma_wait3A_763 = tpu.memref_slice %arg5[%dma_wait3A_762] : memref<512xi32, #tpu.memory_space<vmem>> -> memref<64xi32, #tpu.memory_space<vmem>>
    %dma_wait3A_764 = arith.constant 0 : i32
    %dma_wait3A_765 = arith.constant 0 : i32
    %dma_wait3A_766 = tpu.memref_slice %arg3[%dma_wait3A_761, %dma_wait3A_764, %dma_wait3A_765] : memref<3x100000x256xf32, #tpu.memory_space<hbm>> -> memref<1x100000x256xf32, #tpu.memory_space<hbm>>
    %dma_wait3A_767 = tpu.memref_squeeze %dma_wait3A_766 : memref<1x100000x256xf32, #tpu.memory_space<hbm>> -> memref<100000x256xf32, #tpu.memory_space<hbm>>
    %dma_wait3A_768 = arith.constant 0 : i32
    %dma_wait3A_769 = arith.constant 0 : i32
    %dma_wait3A_770 = tpu.memref_slice %dma_wait3A_767[%dma_wait3A_768, %dma_wait3A_769] : memref<100000x256xf32, #tpu.memory_space<hbm>> -> memref<100000x256xf32, #tpu.memory_space<hbm>>
    tpu.wait_indirect_dma semaphore(%arg13 : memref<!tpu.dma_semaphore, #tpu.memory_space<semaphore_mem>>) src(%dma_wait3A_770 : memref<100000x256xf32, #tpu.memory_space<hbm>>) dst(%arg9 : memref<64x256xf32, #tpu.memory_space<vmem>>)
    %add3A_771 = arith.constant 448 : i32
    %add3A_772 = arith.addi %mul3A_2, %add3A_771 : i32
    %dma_start3A_773 = arith.constant 1 : i32
    %dma_start3A_774 = arith.constant 0 : i32
    %dma_start3A_775 = arith.constant 0 : i32
    %dma_start3A_776 = tpu.memref_slice %arg4[%dma_start3A_773, %dma_start3A_774, %dma_start3A_775] : memref<3x16384x256xf32, #tpu.memory_space<hbm>> -> memref<1x16384x256xf32, #tpu.memory_space<hbm>>
    %dma_start3A_777 = tpu.memref_squeeze %dma_start3A_776 : memref<1x16384x256xf32, #tpu.memory_space<hbm>> -> memref<16384x256xf32, #tpu.memory_space<hbm>>
    %dma_start3A_778 = arith.constant 0 : i32
    %dma_start3A_779 = tpu.memref_slice %dma_start3A_777[%add3A_772, %dma_start3A_778] : memref<16384x256xf32, #tpu.memory_space<hbm>> -> memref<64x256xf32, #tpu.memory_space<hbm>>
    %dma_start3A_780 = arith.constant 0 : i32
    %dma_start3A_781 = arith.constant 0 : i32
    %dma_start3A_782 = tpu.memref_slice %arg4[%dma_start3A_773, %dma_start3A_780, %dma_start3A_781] : memref<3x16384x256xf32, #tpu.memory_space<hbm>> -> memref<1x16384x256xf32, #tpu.memory_space<hbm>>
    %dma_start3A_783 = tpu.memref_squeeze %dma_start3A_782 : memref<1x16384x256xf32, #tpu.memory_space<hbm>> -> memref<16384x256xf32, #tpu.memory_space<hbm>>
    %dma_start3A_784 = arith.constant 0 : i32
    %dma_start3A_785 = tpu.memref_slice %dma_start3A_783[%add3A_772, %dma_start3A_784] : memref<16384x256xf32, #tpu.memory_space<hbm>> -> memref<64x256xf32, #tpu.memory_space<hbm>>
    tpu.enqueue_dma source(%arg9 : memref<64x256xf32, #tpu.memory_space<vmem>>) target(%dma_start3A_785 : memref<64x256xf32, #tpu.memory_space<hbm>>) target_semaphore(%arg17 : memref<!tpu.dma_semaphore, #tpu.memory_space<semaphore_mem>>)
    %dma_wait3A_786 = arith.constant 1 : i32
    %dma_wait3A_787 = arith.constant 0 : i32
    %dma_wait3A_788 = arith.constant 0 : i32
    %dma_wait3A_789 = tpu.memref_slice %arg4[%dma_wait3A_786, %dma_wait3A_787, %dma_wait3A_788] : memref<3x16384x256xf32, #tpu.memory_space<hbm>> -> memref<1x16384x256xf32, #tpu.memory_space<hbm>>
    %dma_wait3A_790 = tpu.memref_squeeze %dma_wait3A_789 : memref<1x16384x256xf32, #tpu.memory_space<hbm>> -> memref<16384x256xf32, #tpu.memory_space<hbm>>
    %dma_wait3A_791 = arith.constant 0 : i32
    %dma_wait3A_792 = tpu.memref_slice %dma_wait3A_790[%add3A_772, %dma_wait3A_791] : memref<16384x256xf32, #tpu.memory_space<hbm>> -> memref<64x256xf32, #tpu.memory_space<hbm>>
    %dma_wait3A_793 = arith.constant 0 : i32
    %dma_wait3A_794 = arith.constant 0 : i32
    %dma_wait3A_795 = tpu.memref_slice %arg4[%dma_wait3A_786, %dma_wait3A_793, %dma_wait3A_794] : memref<3x16384x256xf32, #tpu.memory_space<hbm>> -> memref<1x16384x256xf32, #tpu.memory_space<hbm>>
    %dma_wait3A_796 = tpu.memref_squeeze %dma_wait3A_795 : memref<1x16384x256xf32, #tpu.memory_space<hbm>> -> memref<16384x256xf32, #tpu.memory_space<hbm>>
    %dma_wait3A_797 = arith.constant 0 : i32
    %dma_wait3A_798 = tpu.memref_slice %dma_wait3A_796[%add3A_772, %dma_wait3A_797] : memref<16384x256xf32, #tpu.memory_space<hbm>> -> memref<64x256xf32, #tpu.memory_space<hbm>>
    tpu.wait_dma2 semaphore(%arg17 : memref<!tpu.dma_semaphore, #tpu.memory_space<semaphore_mem>>) src(%arg9 : memref<64x256xf32, #tpu.memory_space<vmem>>) dst(%dma_wait3A_798 : memref<64x256xf32, #tpu.memory_space<hbm>>)
    %dma_start3A_799 = arith.constant 2 : i32
    %dma_start3A_800 = arith.constant 192 : i32
    %dma_start3A_801 = tpu.memref_slice %arg5[%dma_start3A_800] : memref<512xi32, #tpu.memory_space<vmem>> -> memref<64xi32, #tpu.memory_space<vmem>>
    %dma_start3A_802 = arith.constant 0 : i32
    %dma_start3A_803 = arith.constant 0 : i32
    %dma_start3A_804 = tpu.memref_slice %arg3[%dma_start3A_799, %dma_start3A_802, %dma_start3A_803] : memref<3x100000x256xf32, #tpu.memory_space<hbm>> -> memref<1x100000x256xf32, #tpu.memory_space<hbm>>
    %dma_start3A_805 = tpu.memref_squeeze %dma_start3A_804 : memref<1x100000x256xf32, #tpu.memory_space<hbm>> -> memref<100000x256xf32, #tpu.memory_space<hbm>>
    %dma_start3A_806 = arith.constant 0 : i32
    %dma_start3A_807 = arith.constant 0 : i32
    %dma_start3A_808 = tpu.memref_slice %dma_start3A_805[%dma_start3A_806, %dma_start3A_807] : memref<100000x256xf32, #tpu.memory_space<hbm>> -> memref<100000x256xf32, #tpu.memory_space<hbm>>
    tpu.enqueue_indirect_dma source(%dma_start3A_808 : memref<100000x256xf32, #tpu.memory_space<hbm>>) target(%arg9 : memref<64x256xf32, #tpu.memory_space<vmem>>) offsets(%dma_start3A_801 : memref<64xi32, #tpu.memory_space<vmem>>) semaphore(%arg13 : memref<!tpu.dma_semaphore, #tpu.memory_space<semaphore_mem>>)
    %dma_wait3A_809 = arith.constant 2 : i32
    %dma_wait3A_810 = arith.constant 0 : i32
    %dma_wait3A_811 = tpu.memref_slice %arg5[%dma_wait3A_810] : memref<512xi32, #tpu.memory_space<vmem>> -> memref<64xi32, #tpu.memory_space<vmem>>
    %dma_wait3A_812 = arith.constant 0 : i32
    %dma_wait3A_813 = arith.constant 0 : i32
    %dma_wait3A_814 = tpu.memref_slice %arg3[%dma_wait3A_809, %dma_wait3A_812, %dma_wait3A_813] : memref<3x100000x256xf32, #tpu.memory_space<hbm>> -> memref<1x100000x256xf32, #tpu.memory_space<hbm>>
    %dma_wait3A_815 = tpu.memref_squeeze %dma_wait3A_814 : memref<1x100000x256xf32, #tpu.memory_space<hbm>> -> memref<100000x256xf32, #tpu.memory_space<hbm>>
    %dma_wait3A_816 = arith.constant 0 : i32
    %dma_wait3A_817 = arith.constant 0 : i32
    %dma_wait3A_818 = tpu.memref_slice %dma_wait3A_815[%dma_wait3A_816, %dma_wait3A_817] : memref<100000x256xf32, #tpu.memory_space<hbm>> -> memref<100000x256xf32, #tpu.memory_space<hbm>>
    tpu.wait_indirect_dma semaphore(%arg10 : memref<!tpu.dma_semaphore, #tpu.memory_space<semaphore_mem>>) src(%dma_wait3A_818 : memref<100000x256xf32, #tpu.memory_space<hbm>>) dst(%arg6 : memref<64x256xf32, #tpu.memory_space<vmem>>)
    %add3A_819 = arith.constant 0 : i32
    %add3A_820 = arith.addi %mul3A_2, %add3A_819 : i32
    %dma_start3A_821 = arith.constant 2 : i32
    %dma_start3A_822 = arith.constant 0 : i32
    %dma_start3A_823 = arith.constant 0 : i32
    %dma_start3A_824 = tpu.memref_slice %arg4[%dma_start3A_821, %dma_start3A_822, %dma_start3A_823] : memref<3x16384x256xf32, #tpu.memory_space<hbm>> -> memref<1x16384x256xf32, #tpu.memory_space<hbm>>
    %dma_start3A_825 = tpu.memref_squeeze %dma_start3A_824 : memref<1x16384x256xf32, #tpu.memory_space<hbm>> -> memref<16384x256xf32, #tpu.memory_space<hbm>>
    %dma_start3A_826 = arith.constant 0 : i32
    %dma_start3A_827 = tpu.memref_slice %dma_start3A_825[%add3A_820, %dma_start3A_826] : memref<16384x256xf32, #tpu.memory_space<hbm>> -> memref<64x256xf32, #tpu.memory_space<hbm>>
    %dma_start3A_828 = arith.constant 0 : i32
    %dma_start3A_829 = arith.constant 0 : i32
    %dma_start3A_830 = tpu.memref_slice %arg4[%dma_start3A_821, %dma_start3A_828, %dma_start3A_829] : memref<3x16384x256xf32, #tpu.memory_space<hbm>> -> memref<1x16384x256xf32, #tpu.memory_space<hbm>>
    %dma_start3A_831 = tpu.memref_squeeze %dma_start3A_830 : memref<1x16384x256xf32, #tpu.memory_space<hbm>> -> memref<16384x256xf32, #tpu.memory_space<hbm>>
    %dma_start3A_832 = arith.constant 0 : i32
    %dma_start3A_833 = tpu.memref_slice %dma_start3A_831[%add3A_820, %dma_start3A_832] : memref<16384x256xf32, #tpu.memory_space<hbm>> -> memref<64x256xf32, #tpu.memory_space<hbm>>
    tpu.enqueue_dma source(%arg6 : memref<64x256xf32, #tpu.memory_space<vmem>>) target(%dma_start3A_833 : memref<64x256xf32, #tpu.memory_space<hbm>>) target_semaphore(%arg14 : memref<!tpu.dma_semaphore, #tpu.memory_space<semaphore_mem>>)
    %dma_wait3A_834 = arith.constant 2 : i32
    %dma_wait3A_835 = arith.constant 0 : i32
    %dma_wait3A_836 = arith.constant 0 : i32
    %dma_wait3A_837 = tpu.memref_slice %arg4[%dma_wait3A_834, %dma_wait3A_835, %dma_wait3A_836] : memref<3x16384x256xf32, #tpu.memory_space<hbm>> -> memref<1x16384x256xf32, #tpu.memory_space<hbm>>
    %dma_wait3A_838 = tpu.memref_squeeze %dma_wait3A_837 : memref<1x16384x256xf32, #tpu.memory_space<hbm>> -> memref<16384x256xf32, #tpu.memory_space<hbm>>
    %dma_wait3A_839 = arith.constant 0 : i32
    %dma_wait3A_840 = tpu.memref_slice %dma_wait3A_838[%add3A_820, %dma_wait3A_839] : memref<16384x256xf32, #tpu.memory_space<hbm>> -> memref<64x256xf32, #tpu.memory_space<hbm>>
    %dma_wait3A_841 = arith.constant 0 : i32
    %dma_wait3A_842 = arith.constant 0 : i32
    %dma_wait3A_843 = tpu.memref_slice %arg4[%dma_wait3A_834, %dma_wait3A_841, %dma_wait3A_842] : memref<3x16384x256xf32, #tpu.memory_space<hbm>> -> memref<1x16384x256xf32, #tpu.memory_space<hbm>>
    %dma_wait3A_844 = tpu.memref_squeeze %dma_wait3A_843 : memref<1x16384x256xf32, #tpu.memory_space<hbm>> -> memref<16384x256xf32, #tpu.memory_space<hbm>>
    %dma_wait3A_845 = arith.constant 0 : i32
    %dma_wait3A_846 = tpu.memref_slice %dma_wait3A_844[%add3A_820, %dma_wait3A_845] : memref<16384x256xf32, #tpu.memory_space<hbm>> -> memref<64x256xf32, #tpu.memory_space<hbm>>
    tpu.wait_dma2 semaphore(%arg14 : memref<!tpu.dma_semaphore, #tpu.memory_space<semaphore_mem>>) src(%arg6 : memref<64x256xf32, #tpu.memory_space<vmem>>) dst(%dma_wait3A_846 : memref<64x256xf32, #tpu.memory_space<hbm>>)
    %dma_start3A_847 = arith.constant 2 : i32
    %dma_start3A_848 = arith.constant 256 : i32
    %dma_start3A_849 = tpu.memref_slice %arg5[%dma_start3A_848] : memref<512xi32, #tpu.memory_space<vmem>> -> memref<64xi32, #tpu.memory_space<vmem>>
    %dma_start3A_850 = arith.constant 0 : i32
    %dma_start3A_851 = arith.constant 0 : i32
    %dma_start3A_852 = tpu.memref_slice %arg3[%dma_start3A_847, %dma_start3A_850, %dma_start3A_851] : memref<3x100000x256xf32, #tpu.memory_space<hbm>> -> memref<1x100000x256xf32, #tpu.memory_space<hbm>>
    %dma_start3A_853 = tpu.memref_squeeze %dma_start3A_852 : memref<1x100000x256xf32, #tpu.memory_space<hbm>> -> memref<100000x256xf32, #tpu.memory_space<hbm>>
    %dma_start3A_854 = arith.constant 0 : i32
    %dma_start3A_855 = arith.constant 0 : i32
    %dma_start3A_856 = tpu.memref_slice %dma_start3A_853[%dma_start3A_854, %dma_start3A_855] : memref<100000x256xf32, #tpu.memory_space<hbm>> -> memref<100000x256xf32, #tpu.memory_space<hbm>>
    tpu.enqueue_indirect_dma source(%dma_start3A_856 : memref<100000x256xf32, #tpu.memory_space<hbm>>) target(%arg6 : memref<64x256xf32, #tpu.memory_space<vmem>>) offsets(%dma_start3A_849 : memref<64xi32, #tpu.memory_space<vmem>>) semaphore(%arg10 : memref<!tpu.dma_semaphore, #tpu.memory_space<semaphore_mem>>)
    %dma_wait3A_857 = arith.constant 2 : i32
    %dma_wait3A_858 = arith.constant 64 : i32
    %dma_wait3A_859 = tpu.memref_slice %arg5[%dma_wait3A_858] : memref<512xi32, #tpu.memory_space<vmem>> -> memref<64xi32, #tpu.memory_space<vmem>>
    %dma_wait3A_860 = arith.constant 0 : i32
    %dma_wait3A_861 = arith.constant 0 : i32
    %dma_wait3A_862 = tpu.memref_slice %arg3[%dma_wait3A_857, %dma_wait3A_860, %dma_wait3A_861] : memref<3x100000x256xf32, #tpu.memory_space<hbm>> -> memref<1x100000x256xf32, #tpu.memory_space<hbm>>
    %dma_wait3A_863 = tpu.memref_squeeze %dma_wait3A_862 : memref<1x100000x256xf32, #tpu.memory_space<hbm>> -> memref<100000x256xf32, #tpu.memory_space<hbm>>
    %dma_wait3A_864 = arith.constant 0 : i32
    %dma_wait3A_865 = arith.constant 0 : i32
    %dma_wait3A_866 = tpu.memref_slice %dma_wait3A_863[%dma_wait3A_864, %dma_wait3A_865] : memref<100000x256xf32, #tpu.memory_space<hbm>> -> memref<100000x256xf32, #tpu.memory_space<hbm>>
    tpu.wait_indirect_dma semaphore(%arg11 : memref<!tpu.dma_semaphore, #tpu.memory_space<semaphore_mem>>) src(%dma_wait3A_866 : memref<100000x256xf32, #tpu.memory_space<hbm>>) dst(%arg7 : memref<64x256xf32, #tpu.memory_space<vmem>>)
    %add3A_867 = arith.constant 64 : i32
    %add3A_868 = arith.addi %mul3A_2, %add3A_867 : i32
    %dma_start3A_869 = arith.constant 2 : i32
    %dma_start3A_870 = arith.constant 0 : i32
    %dma_start3A_871 = arith.constant 0 : i32
    %dma_start3A_872 = tpu.memref_slice %arg4[%dma_start3A_869, %dma_start3A_870, %dma_start3A_871] : memref<3x16384x256xf32, #tpu.memory_space<hbm>> -> memref<1x16384x256xf32, #tpu.memory_space<hbm>>
    %dma_start3A_873 = tpu.memref_squeeze %dma_start3A_872 : memref<1x16384x256xf32, #tpu.memory_space<hbm>> -> memref<16384x256xf32, #tpu.memory_space<hbm>>
    %dma_start3A_874 = arith.constant 0 : i32
    %dma_start3A_875 = tpu.memref_slice %dma_start3A_873[%add3A_868, %dma_start3A_874] : memref<16384x256xf32, #tpu.memory_space<hbm>> -> memref<64x256xf32, #tpu.memory_space<hbm>>
    %dma_start3A_876 = arith.constant 0 : i32
    %dma_start3A_877 = arith.constant 0 : i32
    %dma_start3A_878 = tpu.memref_slice %arg4[%dma_start3A_869, %dma_start3A_876, %dma_start3A_877] : memref<3x16384x256xf32, #tpu.memory_space<hbm>> -> memref<1x16384x256xf32, #tpu.memory_space<hbm>>
    %dma_start3A_879 = tpu.memref_squeeze %dma_start3A_878 : memref<1x16384x256xf32, #tpu.memory_space<hbm>> -> memref<16384x256xf32, #tpu.memory_space<hbm>>
    %dma_start3A_880 = arith.constant 0 : i32
    %dma_start3A_881 = tpu.memref_slice %dma_start3A_879[%add3A_868, %dma_start3A_880] : memref<16384x256xf32, #tpu.memory_space<hbm>> -> memref<64x256xf32, #tpu.memory_space<hbm>>
    tpu.enqueue_dma source(%arg7 : memref<64x256xf32, #tpu.memory_space<vmem>>) target(%dma_start3A_881 : memref<64x256xf32, #tpu.memory_space<hbm>>) target_semaphore(%arg15 : memref<!tpu.dma_semaphore, #tpu.memory_space<semaphore_mem>>)
    %dma_wait3A_882 = arith.constant 2 : i32
    %dma_wait3A_883 = arith.constant 0 : i32
    %dma_wait3A_884 = arith.constant 0 : i32
    %dma_wait3A_885 = tpu.memref_slice %arg4[%dma_wait3A_882, %dma_wait3A_883, %dma_wait3A_884] : memref<3x16384x256xf32, #tpu.memory_space<hbm>> -> memref<1x16384x256xf32, #tpu.memory_space<hbm>>
    %dma_wait3A_886 = tpu.memref_squeeze %dma_wait3A_885 : memref<1x16384x256xf32, #tpu.memory_space<hbm>> -> memref<16384x256xf32, #tpu.memory_space<hbm>>
    %dma_wait3A_887 = arith.constant 0 : i32
    %dma_wait3A_888 = tpu.memref_slice %dma_wait3A_886[%add3A_868, %dma_wait3A_887] : memref<16384x256xf32, #tpu.memory_space<hbm>> -> memref<64x256xf32, #tpu.memory_space<hbm>>
    %dma_wait3A_889 = arith.constant 0 : i32
    %dma_wait3A_890 = arith.constant 0 : i32
    %dma_wait3A_891 = tpu.memref_slice %arg4[%dma_wait3A_882, %dma_wait3A_889, %dma_wait3A_890] : memref<3x16384x256xf32, #tpu.memory_space<hbm>> -> memref<1x16384x256xf32, #tpu.memory_space<hbm>>
    %dma_wait3A_892 = tpu.memref_squeeze %dma_wait3A_891 : memref<1x16384x256xf32, #tpu.memory_space<hbm>> -> memref<16384x256xf32, #tpu.memory_space<hbm>>
    %dma_wait3A_893 = arith.constant 0 : i32
    %dma_wait3A_894 = tpu.memref_slice %dma_wait3A_892[%add3A_868, %dma_wait3A_893] : memref<16384x256xf32, #tpu.memory_space<hbm>> -> memref<64x256xf32, #tpu.memory_space<hbm>>
    tpu.wait_dma2 semaphore(%arg15 : memref<!tpu.dma_semaphore, #tpu.memory_space<semaphore_mem>>) src(%arg7 : memref<64x256xf32, #tpu.memory_space<vmem>>) dst(%dma_wait3A_894 : memref<64x256xf32, #tpu.memory_space<hbm>>)
    %dma_start3A_895 = arith.constant 2 : i32
    %dma_start3A_896 = arith.constant 320 : i32
    %dma_start3A_897 = tpu.memref_slice %arg5[%dma_start3A_896] : memref<512xi32, #tpu.memory_space<vmem>> -> memref<64xi32, #tpu.memory_space<vmem>>
    %dma_start3A_898 = arith.constant 0 : i32
    %dma_start3A_899 = arith.constant 0 : i32
    %dma_start3A_900 = tpu.memref_slice %arg3[%dma_start3A_895, %dma_start3A_898, %dma_start3A_899] : memref<3x100000x256xf32, #tpu.memory_space<hbm>> -> memref<1x100000x256xf32, #tpu.memory_space<hbm>>
    %dma_start3A_901 = tpu.memref_squeeze %dma_start3A_900 : memref<1x100000x256xf32, #tpu.memory_space<hbm>> -> memref<100000x256xf32, #tpu.memory_space<hbm>>
    %dma_start3A_902 = arith.constant 0 : i32
    %dma_start3A_903 = arith.constant 0 : i32
    %dma_start3A_904 = tpu.memref_slice %dma_start3A_901[%dma_start3A_902, %dma_start3A_903] : memref<100000x256xf32, #tpu.memory_space<hbm>> -> memref<100000x256xf32, #tpu.memory_space<hbm>>
    tpu.enqueue_indirect_dma source(%dma_start3A_904 : memref<100000x256xf32, #tpu.memory_space<hbm>>) target(%arg7 : memref<64x256xf32, #tpu.memory_space<vmem>>) offsets(%dma_start3A_897 : memref<64xi32, #tpu.memory_space<vmem>>) semaphore(%arg11 : memref<!tpu.dma_semaphore, #tpu.memory_space<semaphore_mem>>)
    %dma_wait3A_905 = arith.constant 2 : i32
    %dma_wait3A_906 = arith.constant 128 : i32
    %dma_wait3A_907 = tpu.memref_slice %arg5[%dma_wait3A_906] : memref<512xi32, #tpu.memory_space<vmem>> -> memref<64xi32, #tpu.memory_space<vmem>>
    %dma_wait3A_908 = arith.constant 0 : i32
    %dma_wait3A_909 = arith.constant 0 : i32
    %dma_wait3A_910 = tpu.memref_slice %arg3[%dma_wait3A_905, %dma_wait3A_908, %dma_wait3A_909] : memref<3x100000x256xf32, #tpu.memory_space<hbm>> -> memref<1x100000x256xf32, #tpu.memory_space<hbm>>
    %dma_wait3A_911 = tpu.memref_squeeze %dma_wait3A_910 : memref<1x100000x256xf32, #tpu.memory_space<hbm>> -> memref<100000x256xf32, #tpu.memory_space<hbm>>
    %dma_wait3A_912 = arith.constant 0 : i32
    %dma_wait3A_913 = arith.constant 0 : i32
    %dma_wait3A_914 = tpu.memref_slice %dma_wait3A_911[%dma_wait3A_912, %dma_wait3A_913] : memref<100000x256xf32, #tpu.memory_space<hbm>> -> memref<100000x256xf32, #tpu.memory_space<hbm>>
    tpu.wait_indirect_dma semaphore(%arg12 : memref<!tpu.dma_semaphore, #tpu.memory_space<semaphore_mem>>) src(%dma_wait3A_914 : memref<100000x256xf32, #tpu.memory_space<hbm>>) dst(%arg8 : memref<64x256xf32, #tpu.memory_space<vmem>>)
    %add3A_915 = arith.constant 128 : i32
    %add3A_916 = arith.addi %mul3A_2, %add3A_915 : i32
    %dma_start3A_917 = arith.constant 2 : i32
    %dma_start3A_918 = arith.constant 0 : i32
    %dma_start3A_919 = arith.constant 0 : i32
    %dma_start3A_920 = tpu.memref_slice %arg4[%dma_start3A_917, %dma_start3A_918, %dma_start3A_919] : memref<3x16384x256xf32, #tpu.memory_space<hbm>> -> memref<1x16384x256xf32, #tpu.memory_space<hbm>>
    %dma_start3A_921 = tpu.memref_squeeze %dma_start3A_920 : memref<1x16384x256xf32, #tpu.memory_space<hbm>> -> memref<16384x256xf32, #tpu.memory_space<hbm>>
    %dma_start3A_922 = arith.constant 0 : i32
    %dma_start3A_923 = tpu.memref_slice %dma_start3A_921[%add3A_916, %dma_start3A_922] : memref<16384x256xf32, #tpu.memory_space<hbm>> -> memref<64x256xf32, #tpu.memory_space<hbm>>
    %dma_start3A_924 = arith.constant 0 : i32
    %dma_start3A_925 = arith.constant 0 : i32
    %dma_start3A_926 = tpu.memref_slice %arg4[%dma_start3A_917, %dma_start3A_924, %dma_start3A_925] : memref<3x16384x256xf32, #tpu.memory_space<hbm>> -> memref<1x16384x256xf32, #tpu.memory_space<hbm>>
    %dma_start3A_927 = tpu.memref_squeeze %dma_start3A_926 : memref<1x16384x256xf32, #tpu.memory_space<hbm>> -> memref<16384x256xf32, #tpu.memory_space<hbm>>
    %dma_start3A_928 = arith.constant 0 : i32
    %dma_start3A_929 = tpu.memref_slice %dma_start3A_927[%add3A_916, %dma_start3A_928] : memref<16384x256xf32, #tpu.memory_space<hbm>> -> memref<64x256xf32, #tpu.memory_space<hbm>>
    tpu.enqueue_dma source(%arg8 : memref<64x256xf32, #tpu.memory_space<vmem>>) target(%dma_start3A_929 : memref<64x256xf32, #tpu.memory_space<hbm>>) target_semaphore(%arg16 : memref<!tpu.dma_semaphore, #tpu.memory_space<semaphore_mem>>)
    %dma_wait3A_930 = arith.constant 2 : i32
    %dma_wait3A_931 = arith.constant 0 : i32
    %dma_wait3A_932 = arith.constant 0 : i32
    %dma_wait3A_933 = tpu.memref_slice %arg4[%dma_wait3A_930, %dma_wait3A_931, %dma_wait3A_932] : memref<3x16384x256xf32, #tpu.memory_space<hbm>> -> memref<1x16384x256xf32, #tpu.memory_space<hbm>>
    %dma_wait3A_934 = tpu.memref_squeeze %dma_wait3A_933 : memref<1x16384x256xf32, #tpu.memory_space<hbm>> -> memref<16384x256xf32, #tpu.memory_space<hbm>>
    %dma_wait3A_935 = arith.constant 0 : i32
    %dma_wait3A_936 = tpu.memref_slice %dma_wait3A_934[%add3A_916, %dma_wait3A_935] : memref<16384x256xf32, #tpu.memory_space<hbm>> -> memref<64x256xf32, #tpu.memory_space<hbm>>
    %dma_wait3A_937 = arith.constant 0 : i32
    %dma_wait3A_938 = arith.constant 0 : i32
    %dma_wait3A_939 = tpu.memref_slice %arg4[%dma_wait3A_930, %dma_wait3A_937, %dma_wait3A_938] : memref<3x16384x256xf32, #tpu.memory_space<hbm>> -> memref<1x16384x256xf32, #tpu.memory_space<hbm>>
    %dma_wait3A_940 = tpu.memref_squeeze %dma_wait3A_939 : memref<1x16384x256xf32, #tpu.memory_space<hbm>> -> memref<16384x256xf32, #tpu.memory_space<hbm>>
    %dma_wait3A_941 = arith.constant 0 : i32
    %dma_wait3A_942 = tpu.memref_slice %dma_wait3A_940[%add3A_916, %dma_wait3A_941] : memref<16384x256xf32, #tpu.memory_space<hbm>> -> memref<64x256xf32, #tpu.memory_space<hbm>>
    tpu.wait_dma2 semaphore(%arg16 : memref<!tpu.dma_semaphore, #tpu.memory_space<semaphore_mem>>) src(%arg8 : memref<64x256xf32, #tpu.memory_space<vmem>>) dst(%dma_wait3A_942 : memref<64x256xf32, #tpu.memory_space<hbm>>)
    %dma_start3A_943 = arith.constant 2 : i32
    %dma_start3A_944 = arith.constant 384 : i32
    %dma_start3A_945 = tpu.memref_slice %arg5[%dma_start3A_944] : memref<512xi32, #tpu.memory_space<vmem>> -> memref<64xi32, #tpu.memory_space<vmem>>
    %dma_start3A_946 = arith.constant 0 : i32
    %dma_start3A_947 = arith.constant 0 : i32
    %dma_start3A_948 = tpu.memref_slice %arg3[%dma_start3A_943, %dma_start3A_946, %dma_start3A_947] : memref<3x100000x256xf32, #tpu.memory_space<hbm>> -> memref<1x100000x256xf32, #tpu.memory_space<hbm>>
    %dma_start3A_949 = tpu.memref_squeeze %dma_start3A_948 : memref<1x100000x256xf32, #tpu.memory_space<hbm>> -> memref<100000x256xf32, #tpu.memory_space<hbm>>
    %dma_start3A_950 = arith.constant 0 : i32
    %dma_start3A_951 = arith.constant 0 : i32
    %dma_start3A_952 = tpu.memref_slice %dma_start3A_949[%dma_start3A_950, %dma_start3A_951] : memref<100000x256xf32, #tpu.memory_space<hbm>> -> memref<100000x256xf32, #tpu.memory_space<hbm>>
    tpu.enqueue_indirect_dma source(%dma_start3A_952 : memref<100000x256xf32, #tpu.memory_space<hbm>>) target(%arg8 : memref<64x256xf32, #tpu.memory_space<vmem>>) offsets(%dma_start3A_945 : memref<64xi32, #tpu.memory_space<vmem>>) semaphore(%arg12 : memref<!tpu.dma_semaphore, #tpu.memory_space<semaphore_mem>>)
    %dma_wait3A_953 = arith.constant 2 : i32
    %dma_wait3A_954 = arith.constant 192 : i32
    %dma_wait3A_955 = tpu.memref_slice %arg5[%dma_wait3A_954] : memref<512xi32, #tpu.memory_space<vmem>> -> memref<64xi32, #tpu.memory_space<vmem>>
    %dma_wait3A_956 = arith.constant 0 : i32
    %dma_wait3A_957 = arith.constant 0 : i32
    %dma_wait3A_958 = tpu.memref_slice %arg3[%dma_wait3A_953, %dma_wait3A_956, %dma_wait3A_957] : memref<3x100000x256xf32, #tpu.memory_space<hbm>> -> memref<1x100000x256xf32, #tpu.memory_space<hbm>>
    %dma_wait3A_959 = tpu.memref_squeeze %dma_wait3A_958 : memref<1x100000x256xf32, #tpu.memory_space<hbm>> -> memref<100000x256xf32, #tpu.memory_space<hbm>>
    %dma_wait3A_960 = arith.constant 0 : i32
    %dma_wait3A_961 = arith.constant 0 : i32
    %dma_wait3A_962 = tpu.memref_slice %dma_wait3A_959[%dma_wait3A_960, %dma_wait3A_961] : memref<100000x256xf32, #tpu.memory_space<hbm>> -> memref<100000x256xf32, #tpu.memory_space<hbm>>
    tpu.wait_indirect_dma semaphore(%arg13 : memref<!tpu.dma_semaphore, #tpu.memory_space<semaphore_mem>>) src(%dma_wait3A_962 : memref<100000x256xf32, #tpu.memory_space<hbm>>) dst(%arg9 : memref<64x256xf32, #tpu.memory_space<vmem>>)
    %add3A_963 = arith.constant 192 : i32
    %add3A_964 = arith.addi %mul3A_2, %add3A_963 : i32
    %dma_start3A_965 = arith.constant 2 : i32
    %dma_start3A_966 = arith.constant 0 : i32
    %dma_start3A_967 = arith.constant 0 : i32
    %dma_start3A_968 = tpu.memref_slice %arg4[%dma_start3A_965, %dma_start3A_966, %dma_start3A_967] : memref<3x16384x256xf32, #tpu.memory_space<hbm>> -> memref<1x16384x256xf32, #tpu.memory_space<hbm>>
    %dma_start3A_969 = tpu.memref_squeeze %dma_start3A_968 : memref<1x16384x256xf32, #tpu.memory_space<hbm>> -> memref<16384x256xf32, #tpu.memory_space<hbm>>
    %dma_start3A_970 = arith.constant 0 : i32
    %dma_start3A_971 = tpu.memref_slice %dma_start3A_969[%add3A_964, %dma_start3A_970] : memref<16384x256xf32, #tpu.memory_space<hbm>> -> memref<64x256xf32, #tpu.memory_space<hbm>>
    %dma_start3A_972 = arith.constant 0 : i32
    %dma_start3A_973 = arith.constant 0 : i32
    %dma_start3A_974 = tpu.memref_slice %arg4[%dma_start3A_965, %dma_start3A_972, %dma_start3A_973] : memref<3x16384x256xf32, #tpu.memory_space<hbm>> -> memref<1x16384x256xf32, #tpu.memory_space<hbm>>
    %dma_start3A_975 = tpu.memref_squeeze %dma_start3A_974 : memref<1x16384x256xf32, #tpu.memory_space<hbm>> -> memref<16384x256xf32, #tpu.memory_space<hbm>>
    %dma_start3A_976 = arith.constant 0 : i32
    %dma_start3A_977 = tpu.memref_slice %dma_start3A_975[%add3A_964, %dma_start3A_976] : memref<16384x256xf32, #tpu.memory_space<hbm>> -> memref<64x256xf32, #tpu.memory_space<hbm>>
    tpu.enqueue_dma source(%arg9 : memref<64x256xf32, #tpu.memory_space<vmem>>) target(%dma_start3A_977 : memref<64x256xf32, #tpu.memory_space<hbm>>) target_semaphore(%arg17 : memref<!tpu.dma_semaphore, #tpu.memory_space<semaphore_mem>>)
    %dma_wait3A_978 = arith.constant 2 : i32
    %dma_wait3A_979 = arith.constant 0 : i32
    %dma_wait3A_980 = arith.constant 0 : i32
    %dma_wait3A_981 = tpu.memref_slice %arg4[%dma_wait3A_978, %dma_wait3A_979, %dma_wait3A_980] : memref<3x16384x256xf32, #tpu.memory_space<hbm>> -> memref<1x16384x256xf32, #tpu.memory_space<hbm>>
    %dma_wait3A_982 = tpu.memref_squeeze %dma_wait3A_981 : memref<1x16384x256xf32, #tpu.memory_space<hbm>> -> memref<16384x256xf32, #tpu.memory_space<hbm>>
    %dma_wait3A_983 = arith.constant 0 : i32
    %dma_wait3A_984 = tpu.memref_slice %dma_wait3A_982[%add3A_964, %dma_wait3A_983] : memref<16384x256xf32, #tpu.memory_space<hbm>> -> memref<64x256xf32, #tpu.memory_space<hbm>>
    %dma_wait3A_985 = arith.constant 0 : i32
    %dma_wait3A_986 = arith.constant 0 : i32
    %dma_wait3A_987 = tpu.memref_slice %arg4[%dma_wait3A_978, %dma_wait3A_985, %dma_wait3A_986] : memref<3x16384x256xf32, #tpu.memory_space<hbm>> -> memref<1x16384x256xf32, #tpu.memory_space<hbm>>
    %dma_wait3A_988 = tpu.memref_squeeze %dma_wait3A_987 : memref<1x16384x256xf32, #tpu.memory_space<hbm>> -> memref<16384x256xf32, #tpu.memory_space<hbm>>
    %dma_wait3A_989 = arith.constant 0 : i32
    %dma_wait3A_990 = tpu.memref_slice %dma_wait3A_988[%add3A_964, %dma_wait3A_989] : memref<16384x256xf32, #tpu.memory_space<hbm>> -> memref<64x256xf32, #tpu.memory_space<hbm>>
    tpu.wait_dma2 semaphore(%arg17 : memref<!tpu.dma_semaphore, #tpu.memory_space<semaphore_mem>>) src(%arg9 : memref<64x256xf32, #tpu.memory_space<vmem>>) dst(%dma_wait3A_990 : memref<64x256xf32, #tpu.memory_space<hbm>>)
    %dma_start3A_991 = arith.constant 2 : i32
    %dma_start3A_992 = arith.constant 448 : i32
    %dma_start3A_993 = tpu.memref_slice %arg5[%dma_start3A_992] : memref<512xi32, #tpu.memory_space<vmem>> -> memref<64xi32, #tpu.memory_space<vmem>>
    %dma_start3A_994 = arith.constant 0 : i32
    %dma_start3A_995 = arith.constant 0 : i32
    %dma_start3A_996 = tpu.memref_slice %arg3[%dma_start3A_991, %dma_start3A_994, %dma_start3A_995] : memref<3x100000x256xf32, #tpu.memory_space<hbm>> -> memref<1x100000x256xf32, #tpu.memory_space<hbm>>
    %dma_start3A_997 = tpu.memref_squeeze %dma_start3A_996 : memref<1x100000x256xf32, #tpu.memory_space<hbm>> -> memref<100000x256xf32, #tpu.memory_space<hbm>>
    %dma_start3A_998 = arith.constant 0 : i32
    %dma_start3A_999 = arith.constant 0 : i32
    %dma_start3A_1000 = tpu.memref_slice %dma_start3A_997[%dma_start3A_998, %dma_start3A_999] : memref<100000x256xf32, #tpu.memory_space<hbm>> -> memref<100000x256xf32, #tpu.memory_space<hbm>>
    tpu.enqueue_indirect_dma source(%dma_start3A_1000 : memref<100000x256xf32, #tpu.memory_space<hbm>>) target(%arg9 : memref<64x256xf32, #tpu.memory_space<vmem>>) offsets(%dma_start3A_993 : memref<64xi32, #tpu.memory_space<vmem>>) semaphore(%arg13 : memref<!tpu.dma_semaphore, #tpu.memory_space<semaphore_mem>>)
    %dma_wait3A_1001 = arith.constant 2 : i32
    %dma_wait3A_1002 = arith.constant 256 : i32
    %dma_wait3A_1003 = tpu.memref_slice %arg5[%dma_wait3A_1002] : memref<512xi32, #tpu.memory_space<vmem>> -> memref<64xi32, #tpu.memory_space<vmem>>
    %dma_wait3A_1004 = arith.constant 0 : i32
    %dma_wait3A_1005 = arith.constant 0 : i32
    %dma_wait3A_1006 = tpu.memref_slice %arg3[%dma_wait3A_1001, %dma_wait3A_1004, %dma_wait3A_1005] : memref<3x100000x256xf32, #tpu.memory_space<hbm>> -> memref<1x100000x256xf32, #tpu.memory_space<hbm>>
    %dma_wait3A_1007 = tpu.memref_squeeze %dma_wait3A_1006 : memref<1x100000x256xf32, #tpu.memory_space<hbm>> -> memref<100000x256xf32, #tpu.memory_space<hbm>>
    %dma_wait3A_1008 = arith.constant 0 : i32
    %dma_wait3A_1009 = arith.constant 0 : i32
    %dma_wait3A_1010 = tpu.memref_slice %dma_wait3A_1007[%dma_wait3A_1008, %dma_wait3A_1009] : memref<100000x256xf32, #tpu.memory_space<hbm>> -> memref<100000x256xf32, #tpu.memory_space<hbm>>
    tpu.wait_indirect_dma semaphore(%arg10 : memref<!tpu.dma_semaphore, #tpu.memory_space<semaphore_mem>>) src(%dma_wait3A_1010 : memref<100000x256xf32, #tpu.memory_space<hbm>>) dst(%arg6 : memref<64x256xf32, #tpu.memory_space<vmem>>)
    %add3A_1011 = arith.constant 256 : i32
    %add3A_1012 = arith.addi %mul3A_2, %add3A_1011 : i32
    %dma_start3A_1013 = arith.constant 2 : i32
    %dma_start3A_1014 = arith.constant 0 : i32
    %dma_start3A_1015 = arith.constant 0 : i32
    %dma_start3A_1016 = tpu.memref_slice %arg4[%dma_start3A_1013, %dma_start3A_1014, %dma_start3A_1015] : memref<3x16384x256xf32, #tpu.memory_space<hbm>> -> memref<1x16384x256xf32, #tpu.memory_space<hbm>>
    %dma_start3A_1017 = tpu.memref_squeeze %dma_start3A_1016 : memref<1x16384x256xf32, #tpu.memory_space<hbm>> -> memref<16384x256xf32, #tpu.memory_space<hbm>>
    %dma_start3A_1018 = arith.constant 0 : i32
    %dma_start3A_1019 = tpu.memref_slice %dma_start3A_1017[%add3A_1012, %dma_start3A_1018] : memref<16384x256xf32, #tpu.memory_space<hbm>> -> memref<64x256xf32, #tpu.memory_space<hbm>>
    %dma_start3A_1020 = arith.constant 0 : i32
    %dma_start3A_1021 = arith.constant 0 : i32
    %dma_start3A_1022 = tpu.memref_slice %arg4[%dma_start3A_1013, %dma_start3A_1020, %dma_start3A_1021] : memref<3x16384x256xf32, #tpu.memory_space<hbm>> -> memref<1x16384x256xf32, #tpu.memory_space<hbm>>
    %dma_start3A_1023 = tpu.memref_squeeze %dma_start3A_1022 : memref<1x16384x256xf32, #tpu.memory_space<hbm>> -> memref<16384x256xf32, #tpu.memory_space<hbm>>
    %dma_start3A_1024 = arith.constant 0 : i32
    %dma_start3A_1025 = tpu.memref_slice %dma_start3A_1023[%add3A_1012, %dma_start3A_1024] : memref<16384x256xf32, #tpu.memory_space<hbm>> -> memref<64x256xf32, #tpu.memory_space<hbm>>
    tpu.enqueue_dma source(%arg6 : memref<64x256xf32, #tpu.memory_space<vmem>>) target(%dma_start3A_1025 : memref<64x256xf32, #tpu.memory_space<hbm>>) target_semaphore(%arg14 : memref<!tpu.dma_semaphore, #tpu.memory_space<semaphore_mem>>)
    %dma_wait3A_1026 = arith.constant 2 : i32
    %dma_wait3A_1027 = arith.constant 320 : i32
    %dma_wait3A_1028 = tpu.memref_slice %arg5[%dma_wait3A_1027] : memref<512xi32, #tpu.memory_space<vmem>> -> memref<64xi32, #tpu.memory_space<vmem>>
    %dma_wait3A_1029 = arith.constant 0 : i32
    %dma_wait3A_1030 = arith.constant 0 : i32
    %dma_wait3A_1031 = tpu.memref_slice %arg3[%dma_wait3A_1026, %dma_wait3A_1029, %dma_wait3A_1030] : memref<3x100000x256xf32, #tpu.memory_space<hbm>> -> memref<1x100000x256xf32, #tpu.memory_space<hbm>>
    %dma_wait3A_1032 = tpu.memref_squeeze %dma_wait3A_1031 : memref<1x100000x256xf32, #tpu.memory_space<hbm>> -> memref<100000x256xf32, #tpu.memory_space<hbm>>
    %dma_wait3A_1033 = arith.constant 0 : i32
    %dma_wait3A_1034 = arith.constant 0 : i32
    %dma_wait3A_1035 = tpu.memref_slice %dma_wait3A_1032[%dma_wait3A_1033, %dma_wait3A_1034] : memref<100000x256xf32, #tpu.memory_space<hbm>> -> memref<100000x256xf32, #tpu.memory_space<hbm>>
    tpu.wait_indirect_dma semaphore(%arg11 : memref<!tpu.dma_semaphore, #tpu.memory_space<semaphore_mem>>) src(%dma_wait3A_1035 : memref<100000x256xf32, #tpu.memory_space<hbm>>) dst(%arg7 : memref<64x256xf32, #tpu.memory_space<vmem>>)
    %add3A_1036 = arith.constant 320 : i32
    %add3A_1037 = arith.addi %mul3A_2, %add3A_1036 : i32
    %dma_start3A_1038 = arith.constant 2 : i32
    %dma_start3A_1039 = arith.constant 0 : i32
    %dma_start3A_1040 = arith.constant 0 : i32
    %dma_start3A_1041 = tpu.memref_slice %arg4[%dma_start3A_1038, %dma_start3A_1039, %dma_start3A_1040] : memref<3x16384x256xf32, #tpu.memory_space<hbm>> -> memref<1x16384x256xf32, #tpu.memory_space<hbm>>
    %dma_start3A_1042 = tpu.memref_squeeze %dma_start3A_1041 : memref<1x16384x256xf32, #tpu.memory_space<hbm>> -> memref<16384x256xf32, #tpu.memory_space<hbm>>
    %dma_start3A_1043 = arith.constant 0 : i32
    %dma_start3A_1044 = tpu.memref_slice %dma_start3A_1042[%add3A_1037, %dma_start3A_1043] : memref<16384x256xf32, #tpu.memory_space<hbm>> -> memref<64x256xf32, #tpu.memory_space<hbm>>
    %dma_start3A_1045 = arith.constant 0 : i32
    %dma_start3A_1046 = arith.constant 0 : i32
    %dma_start3A_1047 = tpu.memref_slice %arg4[%dma_start3A_1038, %dma_start3A_1045, %dma_start3A_1046] : memref<3x16384x256xf32, #tpu.memory_space<hbm>> -> memref<1x16384x256xf32, #tpu.memory_space<hbm>>
    %dma_start3A_1048 = tpu.memref_squeeze %dma_start3A_1047 : memref<1x16384x256xf32, #tpu.memory_space<hbm>> -> memref<16384x256xf32, #tpu.memory_space<hbm>>
    %dma_start3A_1049 = arith.constant 0 : i32
    %dma_start3A_1050 = tpu.memref_slice %dma_start3A_1048[%add3A_1037, %dma_start3A_1049] : memref<16384x256xf32, #tpu.memory_space<hbm>> -> memref<64x256xf32, #tpu.memory_space<hbm>>
    tpu.enqueue_dma source(%arg7 : memref<64x256xf32, #tpu.memory_space<vmem>>) target(%dma_start3A_1050 : memref<64x256xf32, #tpu.memory_space<hbm>>) target_semaphore(%arg15 : memref<!tpu.dma_semaphore, #tpu.memory_space<semaphore_mem>>)
    %dma_wait3A_1051 = arith.constant 2 : i32
    %dma_wait3A_1052 = arith.constant 384 : i32
    %dma_wait3A_1053 = tpu.memref_slice %arg5[%dma_wait3A_1052] : memref<512xi32, #tpu.memory_space<vmem>> -> memref<64xi32, #tpu.memory_space<vmem>>
    %dma_wait3A_1054 = arith.constant 0 : i32
    %dma_wait3A_1055 = arith.constant 0 : i32
    %dma_wait3A_1056 = tpu.memref_slice %arg3[%dma_wait3A_1051, %dma_wait3A_1054, %dma_wait3A_1055] : memref<3x100000x256xf32, #tpu.memory_space<hbm>> -> memref<1x100000x256xf32, #tpu.memory_space<hbm>>
    %dma_wait3A_1057 = tpu.memref_squeeze %dma_wait3A_1056 : memref<1x100000x256xf32, #tpu.memory_space<hbm>> -> memref<100000x256xf32, #tpu.memory_space<hbm>>
    %dma_wait3A_1058 = arith.constant 0 : i32
    %dma_wait3A_1059 = arith.constant 0 : i32
    %dma_wait3A_1060 = tpu.memref_slice %dma_wait3A_1057[%dma_wait3A_1058, %dma_wait3A_1059] : memref<100000x256xf32, #tpu.memory_space<hbm>> -> memref<100000x256xf32, #tpu.memory_space<hbm>>
    tpu.wait_indirect_dma semaphore(%arg12 : memref<!tpu.dma_semaphore, #tpu.memory_space<semaphore_mem>>) src(%dma_wait3A_1060 : memref<100000x256xf32, #tpu.memory_space<hbm>>) dst(%arg8 : memref<64x256xf32, #tpu.memory_space<vmem>>)
    %add3A_1061 = arith.constant 384 : i32
    %add3A_1062 = arith.addi %mul3A_2, %add3A_1061 : i32
    %dma_start3A_1063 = arith.constant 2 : i32
    %dma_start3A_1064 = arith.constant 0 : i32
    %dma_start3A_1065 = arith.constant 0 : i32
    %dma_start3A_1066 = tpu.memref_slice %arg4[%dma_start3A_1063, %dma_start3A_1064, %dma_start3A_1065] : memref<3x16384x256xf32, #tpu.memory_space<hbm>> -> memref<1x16384x256xf32, #tpu.memory_space<hbm>>
    %dma_start3A_1067 = tpu.memref_squeeze %dma_start3A_1066 : memref<1x16384x256xf32, #tpu.memory_space<hbm>> -> memref<16384x256xf32, #tpu.memory_space<hbm>>
    %dma_start3A_1068 = arith.constant 0 : i32
    %dma_start3A_1069 = tpu.memref_slice %dma_start3A_1067[%add3A_1062, %dma_start3A_1068] : memref<16384x256xf32, #tpu.memory_space<hbm>> -> memref<64x256xf32, #tpu.memory_space<hbm>>
    %dma_start3A_1070 = arith.constant 0 : i32
    %dma_start3A_1071 = arith.constant 0 : i32
    %dma_start3A_1072 = tpu.memref_slice %arg4[%dma_start3A_1063, %dma_start3A_1070, %dma_start3A_1071] : memref<3x16384x256xf32, #tpu.memory_space<hbm>> -> memref<1x16384x256xf32, #tpu.memory_space<hbm>>
    %dma_start3A_1073 = tpu.memref_squeeze %dma_start3A_1072 : memref<1x16384x256xf32, #tpu.memory_space<hbm>> -> memref<16384x256xf32, #tpu.memory_space<hbm>>
    %dma_start3A_1074 = arith.constant 0 : i32
    %dma_start3A_1075 = tpu.memref_slice %dma_start3A_1073[%add3A_1062, %dma_start3A_1074] : memref<16384x256xf32, #tpu.memory_space<hbm>> -> memref<64x256xf32, #tpu.memory_space<hbm>>
    tpu.enqueue_dma source(%arg8 : memref<64x256xf32, #tpu.memory_space<vmem>>) target(%dma_start3A_1075 : memref<64x256xf32, #tpu.memory_space<hbm>>) target_semaphore(%arg16 : memref<!tpu.dma_semaphore, #tpu.memory_space<semaphore_mem>>)
    %dma_wait3A_1076 = arith.constant 2 : i32
    %dma_wait3A_1077 = arith.constant 448 : i32
    %dma_wait3A_1078 = tpu.memref_slice %arg5[%dma_wait3A_1077] : memref<512xi32, #tpu.memory_space<vmem>> -> memref<64xi32, #tpu.memory_space<vmem>>
    %dma_wait3A_1079 = arith.constant 0 : i32
    %dma_wait3A_1080 = arith.constant 0 : i32
    %dma_wait3A_1081 = tpu.memref_slice %arg3[%dma_wait3A_1076, %dma_wait3A_1079, %dma_wait3A_1080] : memref<3x100000x256xf32, #tpu.memory_space<hbm>> -> memref<1x100000x256xf32, #tpu.memory_space<hbm>>
    %dma_wait3A_1082 = tpu.memref_squeeze %dma_wait3A_1081 : memref<1x100000x256xf32, #tpu.memory_space<hbm>> -> memref<100000x256xf32, #tpu.memory_space<hbm>>
    %dma_wait3A_1083 = arith.constant 0 : i32
    %dma_wait3A_1084 = arith.constant 0 : i32
    %dma_wait3A_1085 = tpu.memref_slice %dma_wait3A_1082[%dma_wait3A_1083, %dma_wait3A_1084] : memref<100000x256xf32, #tpu.memory_space<hbm>> -> memref<100000x256xf32, #tpu.memory_space<hbm>>
    tpu.wait_indirect_dma semaphore(%arg13 : memref<!tpu.dma_semaphore, #tpu.memory_space<semaphore_mem>>) src(%dma_wait3A_1085 : memref<100000x256xf32, #tpu.memory_space<hbm>>) dst(%arg9 : memref<64x256xf32, #tpu.memory_space<vmem>>)
    %add3A_1086 = arith.constant 448 : i32
    %add3A_1087 = arith.addi %mul3A_2, %add3A_1086 : i32
    %dma_start3A_1088 = arith.constant 2 : i32
    %dma_start3A_1089 = arith.constant 0 : i32
    %dma_start3A_1090 = arith.constant 0 : i32
    %dma_start3A_1091 = tpu.memref_slice %arg4[%dma_start3A_1088, %dma_start3A_1089, %dma_start3A_1090] : memref<3x16384x256xf32, #tpu.memory_space<hbm>> -> memref<1x16384x256xf32, #tpu.memory_space<hbm>>
    %dma_start3A_1092 = tpu.memref_squeeze %dma_start3A_1091 : memref<1x16384x256xf32, #tpu.memory_space<hbm>> -> memref<16384x256xf32, #tpu.memory_space<hbm>>
    %dma_start3A_1093 = arith.constant 0 : i32
    %dma_start3A_1094 = tpu.memref_slice %dma_start3A_1092[%add3A_1087, %dma_start3A_1093] : memref<16384x256xf32, #tpu.memory_space<hbm>> -> memref<64x256xf32, #tpu.memory_space<hbm>>
    %dma_start3A_1095 = arith.constant 0 : i32
    %dma_start3A_1096 = arith.constant 0 : i32
    %dma_start3A_1097 = tpu.memref_slice %arg4[%dma_start3A_1088, %dma_start3A_1095, %dma_start3A_1096] : memref<3x16384x256xf32, #tpu.memory_space<hbm>> -> memref<1x16384x256xf32, #tpu.memory_space<hbm>>
    %dma_start3A_1098 = tpu.memref_squeeze %dma_start3A_1097 : memref<1x16384x256xf32, #tpu.memory_space<hbm>> -> memref<16384x256xf32, #tpu.memory_space<hbm>>
    %dma_start3A_1099 = arith.constant 0 : i32
    %dma_start3A_1100 = tpu.memref_slice %dma_start3A_1098[%add3A_1087, %dma_start3A_1099] : memref<16384x256xf32, #tpu.memory_space<hbm>> -> memref<64x256xf32, #tpu.memory_space<hbm>>
    tpu.enqueue_dma source(%arg9 : memref<64x256xf32, #tpu.memory_space<vmem>>) target(%dma_start3A_1100 : memref<64x256xf32, #tpu.memory_space<hbm>>) target_semaphore(%arg17 : memref<!tpu.dma_semaphore, #tpu.memory_space<semaphore_mem>>)
    %dma_wait3A_1101 = arith.constant 2 : i32
    %dma_wait3A_1102 = arith.constant 0 : i32
    %dma_wait3A_1103 = arith.constant 0 : i32
    %dma_wait3A_1104 = tpu.memref_slice %arg4[%dma_wait3A_1101, %dma_wait3A_1102, %dma_wait3A_1103] : memref<3x16384x256xf32, #tpu.memory_space<hbm>> -> memref<1x16384x256xf32, #tpu.memory_space<hbm>>
    %dma_wait3A_1105 = tpu.memref_squeeze %dma_wait3A_1104 : memref<1x16384x256xf32, #tpu.memory_space<hbm>> -> memref<16384x256xf32, #tpu.memory_space<hbm>>
    %dma_wait3A_1106 = arith.constant 0 : i32
    %dma_wait3A_1107 = tpu.memref_slice %dma_wait3A_1105[%add3A_1012, %dma_wait3A_1106] : memref<16384x256xf32, #tpu.memory_space<hbm>> -> memref<64x256xf32, #tpu.memory_space<hbm>>
    %dma_wait3A_1108 = arith.constant 0 : i32
    %dma_wait3A_1109 = arith.constant 0 : i32
    %dma_wait3A_1110 = tpu.memref_slice %arg4[%dma_wait3A_1101, %dma_wait3A_1108, %dma_wait3A_1109] : memref<3x16384x256xf32, #tpu.memory_space<hbm>> -> memref<1x16384x256xf32, #tpu.memory_space<hbm>>
    %dma_wait3A_1111 = tpu.memref_squeeze %dma_wait3A_1110 : memref<1x16384x256xf32, #tpu.memory_space<hbm>> -> memref<16384x256xf32, #tpu.memory_space<hbm>>
    %dma_wait3A_1112 = arith.constant 0 : i32
    %dma_wait3A_1113 = tpu.memref_slice %dma_wait3A_1111[%add3A_1012, %dma_wait3A_1112] : memref<16384x256xf32, #tpu.memory_space<hbm>> -> memref<64x256xf32, #tpu.memory_space<hbm>>
    tpu.wait_dma2 semaphore(%arg14 : memref<!tpu.dma_semaphore, #tpu.memory_space<semaphore_mem>>) src(%arg6 : memref<64x256xf32, #tpu.memory_space<vmem>>) dst(%dma_wait3A_1113 : memref<64x256xf32, #tpu.memory_space<hbm>>)
    %dma_wait3A_1114 = arith.constant 2 : i32
    %dma_wait3A_1115 = arith.constant 0 : i32
    %dma_wait3A_1116 = arith.constant 0 : i32
    %dma_wait3A_1117 = tpu.memref_slice %arg4[%dma_wait3A_1114, %dma_wait3A_1115, %dma_wait3A_1116] : memref<3x16384x256xf32, #tpu.memory_space<hbm>> -> memref<1x16384x256xf32, #tpu.memory_space<hbm>>
    %dma_wait3A_1118 = tpu.memref_squeeze %dma_wait3A_1117 : memref<1x16384x256xf32, #tpu.memory_space<hbm>> -> memref<16384x256xf32, #tpu.memory_space<hbm>>
    %dma_wait3A_1119 = arith.constant 0 : i32
    %dma_wait3A_1120 = tpu.memref_slice %dma_wait3A_1118[%add3A_1037, %dma_wait3A_1119] : memref<16384x256xf32, #tpu.memory_space<hbm>> -> memref<64x256xf32, #tpu.memory_space<hbm>>
    %dma_wait3A_1121 = arith.constant 0 : i32
    %dma_wait3A_1122 = arith.constant 0 : i32
    %dma_wait3A_1123 = tpu.memref_slice %arg4[%dma_wait3A_1114, %dma_wait3A_1121, %dma_wait3A_1122] : memref<3x16384x256xf32, #tpu.memory_space<hbm>> -> memref<1x16384x256xf32, #tpu.memory_space<hbm>>
    %dma_wait3A_1124 = tpu.memref_squeeze %dma_wait3A_1123 : memref<1x16384x256xf32, #tpu.memory_space<hbm>> -> memref<16384x256xf32, #tpu.memory_space<hbm>>
    %dma_wait3A_1125 = arith.constant 0 : i32
    %dma_wait3A_1126 = tpu.memref_slice %dma_wait3A_1124[%add3A_1037, %dma_wait3A_1125] : memref<16384x256xf32, #tpu.memory_space<hbm>> -> memref<64x256xf32, #tpu.memory_space<hbm>>
    tpu.wait_dma2 semaphore(%arg15 : memref<!tpu.dma_semaphore, #tpu.memory_space<semaphore_mem>>) src(%arg7 : memref<64x256xf32, #tpu.memory_space<vmem>>) dst(%dma_wait3A_1126 : memref<64x256xf32, #tpu.memory_space<hbm>>)
    %dma_wait3A_1127 = arith.constant 2 : i32
    %dma_wait3A_1128 = arith.constant 0 : i32
    %dma_wait3A_1129 = arith.constant 0 : i32
    %dma_wait3A_1130 = tpu.memref_slice %arg4[%dma_wait3A_1127, %dma_wait3A_1128, %dma_wait3A_1129] : memref<3x16384x256xf32, #tpu.memory_space<hbm>> -> memref<1x16384x256xf32, #tpu.memory_space<hbm>>
    %dma_wait3A_1131 = tpu.memref_squeeze %dma_wait3A_1130 : memref<1x16384x256xf32, #tpu.memory_space<hbm>> -> memref<16384x256xf32, #tpu.memory_space<hbm>>
    %dma_wait3A_1132 = arith.constant 0 : i32
    %dma_wait3A_1133 = tpu.memref_slice %dma_wait3A_1131[%add3A_1062, %dma_wait3A_1132] : memref<16384x256xf32, #tpu.memory_space<hbm>> -> memref<64x256xf32, #tpu.memory_space<hbm>>
    %dma_wait3A_1134 = arith.constant 0 : i32
    %dma_wait3A_1135 = arith.constant 0 : i32
    %dma_wait3A_1136 = tpu.memref_slice %arg4[%dma_wait3A_1127, %dma_wait3A_1134, %dma_wait3A_1135] : memref<3x16384x256xf32, #tpu.memory_space<hbm>> -> memref<1x16384x256xf32, #tpu.memory_space<hbm>>
    %dma_wait3A_1137 = tpu.memref_squeeze %dma_wait3A_1136 : memref<1x16384x256xf32, #tpu.memory_space<hbm>> -> memref<16384x256xf32, #tpu.memory_space<hbm>>
    %dma_wait3A_1138 = arith.constant 0 : i32
    %dma_wait3A_1139 = tpu.memref_slice %dma_wait3A_1137[%add3A_1062, %dma_wait3A_1138] : memref<16384x256xf32, #tpu.memory_space<hbm>> -> memref<64x256xf32, #tpu.memory_space<hbm>>
    tpu.wait_dma2 semaphore(%arg16 : memref<!tpu.dma_semaphore, #tpu.memory_space<semaphore_mem>>) src(%arg8 : memref<64x256xf32, #tpu.memory_space<vmem>>) dst(%dma_wait3A_1139 : memref<64x256xf32, #tpu.memory_space<hbm>>)
    %dma_wait3A_1140 = arith.constant 2 : i32
    %dma_wait3A_1141 = arith.constant 0 : i32
    %dma_wait3A_1142 = arith.constant 0 : i32
    %dma_wait3A_1143 = tpu.memref_slice %arg4[%dma_wait3A_1140, %dma_wait3A_1141, %dma_wait3A_1142] : memref<3x16384x256xf32, #tpu.memory_space<hbm>> -> memref<1x16384x256xf32, #tpu.memory_space<hbm>>
    %dma_wait3A_1144 = tpu.memref_squeeze %dma_wait3A_1143 : memref<1x16384x256xf32, #tpu.memory_space<hbm>> -> memref<16384x256xf32, #tpu.memory_space<hbm>>
    %dma_wait3A_1145 = arith.constant 0 : i32
    %dma_wait3A_1146 = tpu.memref_slice %dma_wait3A_1144[%add3A_1087, %dma_wait3A_1145] : memref<16384x256xf32, #tpu.memory_space<hbm>> -> memref<64x256xf32, #tpu.memory_space<hbm>>
    %dma_wait3A_1147 = arith.constant 0 : i32
    %dma_wait3A_1148 = arith.constant 0 : i32
    %dma_wait3A_1149 = tpu.memref_slice %arg4[%dma_wait3A_1140, %dma_wait3A_1147, %dma_wait3A_1148] : memref<3x16384x256xf32, #tpu.memory_space<hbm>> -> memref<1x16384x256xf32, #tpu.memory_space<hbm>>
    %dma_wait3A_1150 = tpu.memref_squeeze %dma_wait3A_1149 : memref<1x16384x256xf32, #tpu.memory_space<hbm>> -> memref<16384x256xf32, #tpu.memory_space<hbm>>
    %dma_wait3A_1151 = arith.constant 0 : i32
    %dma_wait3A_1152 = tpu.memref_slice %dma_wait3A_1150[%add3A_1087, %dma_wait3A_1151] : memref<16384x256xf32, #tpu.memory_space<hbm>> -> memref<64x256xf32, #tpu.memory_space<hbm>>
    tpu.wait_dma2 semaphore(%arg17 : memref<!tpu.dma_semaphore, #tpu.memory_space<semaphore_mem>>) src(%arg9 : memref<64x256xf32, #tpu.memory_space<vmem>>) dst(%dma_wait3A_1152 : memref<64x256xf32, #tpu.memory_space<hbm>>)
    return
  }
}

</mosaic_0001>

<sc_bundles>
// kernel: kernel.3.cloned.1.call-start
scs
__scs_entry_jumppad:
0x0: {  	(pc) =	sbr.rel $0x88, $3  }
0x1: {  	(tag) =	ssettag $0x0;
	lr =	simm.s32 $0x1  }
0x2: {  	[smem:$0x3F9F] =	sst lr;
	_ =	strace $0xD0000000  }
0x3: {  	_ = 	snop  }
0x4: {  	_ = 	snop  }
0x5: {  	_ = 	snop  }
0x6: {  	_ = 	snop  }
0x7: {  	_ = 	snop  }
__scs_overlays_trampoline_lowered:
0x8: {  	[smem:$0x3FAE] =	sst s0  }
0x9: {  	[smem:$0x3FAF] =	sst s1  }
0xa: {  	[smem:$0x3FB0] =	sst s2  }
0xb: {  	[smem:$0x3FB1] =	sst s3  }
0xc: {  	[smem:$0x3FB2] =	sst s4  }
0xd: {  	[smem:$0x3FB3] =	sst s5  }
0xe: {  	[smem:$0x3FB4] =	sst s6  }
0xf: {  	[smem:$0x3FB5] =	sst s7  }
0x10: {  	[smem:$0x3FB6] =	sst s8  }
0x11: {  	[smem:$0x3FB7] =	sst s9;
	s0 =	simm.s32 @!p0 $0x0  }
0x12: {  	s1 =	sld [smem:$0x3F9D];
	s0 =	simm.s32 @p0 $0x1  }
0x13: {  	[smem:$0x3FB8] =	sst s0;
	s0 =	simm.s32 @!p1 $0x0  }
0x14: {  	s2 =	sld [smem:$0x3F9C];
	s0 =	simm.s32 @p1 $0x1  }
0x15: {  	[smem:$0x3FB9] =	sst s0;
	s0 =	simm.s32 @!p2 $0x0  }
0x16: {  	s3 =	sld [smem:$0x3FDB];
	s0 =	simm.s32 @p2 $0x1  }
0x17: {  	s4 =	simm.s32 $0x1BF5;
	[smem:$0x3FBB] =	sst s0  }
0x18: {  	s0 =	sld [smem:$0x3F9E];
	_ =	swait.ge [sflag:s4], $0x0  }
0x19: {  	s7 =	sld [smem:$0x3F9F]  }
0x1a: {  	s8 =	sadd.s32 $0xFFFFE003, lr  }
0x1b: {  	s9 =	sadd.s32 $0xFFFFFEF7, lr;
	s5 =	simm.s32 $0xFFFFFFFF;
	p2 =	slt.u32 s8, $0xFFFFF086  }
0x1c: {  	p1 =	slt.u32 s9, $0xF7A;
	s5 =	simm.s32 @!p2 $0x0  }
0x1d: {  	s5 =	simm.s32 @p1 $0x1;
	p0 =	seq.s32 s7, s2  }
0x1e: {  	s7 =	smul.u32 @!p0 $0xF7A, s2;
	p2 =	seq.s32 @!p0 s5, $0x0  }
0x1f: {  	s9 =	smul.u32 $0xF7A, s1;
	s8 =	simm.s32 @!p0 $0x1BF5;
	p2 =	por !p2, p0  }
0x20: {  	[sflag:s8] =	ssyncset.s32 @!p0 $0xFFFFF086;
	s6 =	sadd.s32 @!p0 s3, s7;
	s7 =	simm.s32 @!p0 $0x108  }
0x21: {  	s3 =	sadd.s32 s3, s9;
	s6 =	sadd.s32 @!p0 $0x88, s6;
	s7 =	simm.s32 @p2 $0x1082  }
0x22: {  	[simem:s7], [sflag:s8] =	dma.local @!p0 [hbm:s6], $0xF7A  }
0x23: {  	s9 =	sor.u32 $0xD0000000, s2;
	s6 =	simm.s32 $0x108;
	_ =	swait.ge @!p0 [sflag:s8], $0x0  }
0x24: {  	s3 =	sadd.s32 $0x88, s3;
	s6 =	simm.s32 @!p1 $0x1082;
	[sflag:s4] =	ssyncset.s32 $0xFFFFF086  }
0x25: {  	[simem:s6], [sflag:s4] =	dma.local [hbm:s3], $0xF7A  }
0x26: {  	[smem:$0x3F9F] =	sst s1;
	(tag) =	ssettag s2;
	_ =	strace s9  }
0x27: {  	s1 =	sld [smem:$0x3FAF]  }
0x28: {  	s2 =	sld [smem:$0x3FB0]  }
0x29: {  	s4 =	sld [smem:$0x3FB2]  }
0x2a: {  	p0 =	seq.s32 s5, $0x0;
	s5 =	sld [smem:$0x3FB3]  }
0x2b: {  	s6 =	sld [smem:$0x3FB4]  }
0x2c: {  	s7 =	sld [smem:$0x3FB5]  }
0x2d: {  	s3 =	simm.s32 $0x108;
	s8 =	sld [smem:$0x3FB6]  }
0x2e: {  	s3 =	simm.s32 @!p0 $0x1082;
	s9 =	sld [smem:$0x3FB7]  }
0x2f: {  	lr =	sadd.s32 s0, s3;
	s0 =	sld [smem:$0x3FAE]  }
0x30: {  	s3 =	sld [smem:$0x3FB1]  }
0x31: {  	[smem:$0x3FBA] =	sst s10  }
0x32: {  	s10 =	sld [smem:$0x3FB8];
	_ =	sdelay $0x3  }
0x33: {  	p0 =	seq.s32 s10, $0x1;
	s10 =	sld [smem:$0x3FBA];
	_ =	sdelay $0x3  }
0x34: {  	[smem:$0x3FBA] =	sst s10  }
0x35: {  	s10 =	sld [smem:$0x3FB9];
	_ =	sdelay $0x3  }
0x36: {  	p1 =	seq.s32 s10, $0x1;
	s10 =	sld [smem:$0x3FBA];
	_ =	sdelay $0x3  }
0x37: {  	[smem:$0x3FBA] =	sst s10  }
0x38: {  	s10 =	sld [smem:$0x3FBB]  }
0x39: {  	_ = 	snop;
	(pc) =	sbr.ind lr, $3  }
0x3a: {  	_ = 	snop  }
0x3b: {  	_ = 	snop  }
0x3c: {  	p2 =	seq.s32 s10, $0x1;
	s10 =	sld [smem:$0x3FBA]  }
0x3d: {  	_ =	shalt  }
0x3e: {  	_ =	shalt  }
0x3f: {  	_ =	shalt  }
0x40: {  	_ =	shalt  }
0x41: {  	_ =	shalt  }
0x42: {  	_ =	shalt  }
0x43: {  	_ =	shalt  }
0x44: {  	_ =	shalt  }
0x45: {  	_ =	shalt  }
0x46: {  	_ =	shalt  }
0x47: {  	_ =	shalt  }
0x48: {  	_ =	shalt  }
0x49: {  	_ =	shalt  }
0x4a: {  	_ =	shalt  }
0x4b: {  	_ =	shalt  }
0x4c: {  	_ =	shalt  }
0x4d: {  	_ =	shalt  }
0x4e: {  	_ =	shalt  }
0x4f: {  	_ =	shalt  }
0x50: {  	_ =	shalt  }
0x51: {  	_ =	shalt  }
0x52: {  	_ =	shalt  }
0x53: {  	_ =	shalt  }
0x54: {  	_ =	shalt  }
0x55: {  	_ =	shalt  }
0x56: {  	_ =	shalt  }
0x57: {  	_ =	shalt  }
0x58: {  	_ =	shalt  }
0x59: {  	_ =	shalt  }
0x5a: {  	_ =	shalt  }
0x5b: {  	_ =	shalt  }
0x5c: {  	_ =	shalt  }
0x5d: {  	_ =	shalt  }
0x5e: {  	_ =	shalt  }
0x5f: {  	_ =	shalt  }
0x60: {  	_ =	shalt  }
0x61: {  	_ =	shalt  }
0x62: {  	_ =	shalt  }
0x63: {  	_ =	shalt  }
0x64: {  	_ =	shalt  }
0x65: {  	_ =	shalt  }
0x66: {  	_ =	shalt  }
0x67: {  	_ =	shalt  }
0x68: {  	_ =	shalt  }
0x69: {  	_ =	shalt  }
0x6a: {  	_ =	shalt  }
0x6b: {  	_ =	shalt  }
0x6c: {  	_ =	shalt  }
0x6d: {  	_ =	shalt  }
0x6e: {  	_ =	shalt  }
0x6f: {  	_ =	shalt  }
0x70: {  	_ =	shalt  }
0x71: {  	_ =	shalt  }
0x72: {  	_ =	shalt  }
0x73: {  	_ =	shalt  }
0x74: {  	_ =	shalt  }
0x75: {  	_ =	shalt  }
0x76: {  	_ =	shalt  }
0x77: {  	_ =	shalt  }
0x78: {  	_ =	shalt  }
0x79: {  	_ =	shalt  }
0x7a: {  	_ =	shalt  }
0x7b: {  	_ =	shalt  }
0x7c: {  	_ =	shalt  }
0x7d: {  	_ =	shalt  }
0x7e: {  	_ =	shalt  }
0x7f: {  	_ =	shalt  }
0x80: {  	_ =	shalt  }
0x81: {  	_ =	shalt  }
0x82: {  	_ =	shalt  }
0x83: {  	_ =	shalt  }
0x84: {  	_ =	shalt  }
0x85: {  	_ =	shalt  }
0x86: {  	_ =	shalt  }
0x87: {  	_ =	shalt  }
.Lfunc_end0:
.L_simem_size_0:
called_computation_lowered:
.L_overlay_start_0:
0x88: {  	s2 =	sld [smem:$0x3FD9]  }
0x89: {  	s3 =	sld [smem:$0x3FFE];
	_ =	sdelay $0x1  }
0x8a: {  	s1 =	srdreg.scid  }
0x8b: {  	s0 =	sand.u32 $0x1, s1  }
0x8c: {  	s18 =	sshll.u32 s0, $0xA;
	s2 =	sadd.s32 s3, s2  }
0x8d: {  	s2 =	sadd.s32 s2, s18  }
0x8e: {  	[smem:$0x3FC6] =	sst s2  }
0x8f: {  	_ = 	snop  }
0x90: {  	s2 =	sld [smem:$0x3FC9]  }
0x91: {  	s19 =	sld [smem:$0x3FC8]  }
0x92: {  	s4 =	sld [smem:$0x3FD0];
	(tm) =	ssettm $0x1  }
0x93: {  	s5 =	sld [smem:$0x3FFB];
	_ =	sdelay $0x3  }
0x94: {  	_ =	strace s5  }
0x95: {  	s5 =	sld [smem:$0x3FFC];
	_ =	sdelay $0x3  }
0x96: {  	_ =	strace s5  }
0x97: {  	s5 =	sld [smem:$0x3FFD];
	_ =	sdelay $0x3  }
0x98: {  	_ =	strace s5  }
0x99: {  	_ =	strace $0x8FFFFFFF  }
0x9a: {  	s20 =	sld [smem:$0x3FDB];
	_ =	sdelay $0x1  }
0x9b: {  	s6 =	simm.s32 $_scs_section_size  }
0x9c: {  	s7 =	simm.s32 $_size__tile_overlayer_lowered;
	s8 =	simm.s32 $_tile_overlayer_lowered  }
0x9d: {  	s23 =	simm.s32 $0x1BFF;
	s22 =	sshll.u32 s8, $0x1;
	s5 =	sadd.s32 s6, s20  }
0x9e: {  	s9 =	simm.s32 $0x0;
	s21 =	sshll.u32 s7, $0x1;
	s7 =	sadd.s32 s22, s5  }
0x9f: {  	[timem:s9], [sflag:s23] =	dma.local [hbm:s7], s21  }
0xa0: {  	_ =	swait.ge [sflag:s23], s21  }
0xa1: {  	s6 =	ssub.s32 $0x0, s21;
	[sflag:s23] =	ssyncset.done $0x0  }
0xa2: {  	[sflag:s23] =	ssyncadd.s32 s6;
	_ =	sdelay $0x1  }
0xa3: {  	s24 =	simm.s32 $0x1B8B  }
0xa4: {  	_ =	swait.ge [sflag:s24], $0x1  }
0xa5: {  	[sflag:s24] =	ssyncset.done $0x0  }
0xa6: {  	s25 =	simm.s32 $0x1B8E;
	[sflag:s24] =	ssyncadd.s32 $0xFFFFFFFF  }
0xa7: {  	s26 =	simm.s32 $execute0_lowered;
	[smem:$0x3FD2] =	sst s25  }
0xa8: {  	s6 =	sshll.u32 s26, $0x1;
	_ =	strace $0x80000046;
	[dreg:$0x1] =	wrdreg $0xFFFFFFFF  }
0xa9: {  	s28 =	simm.s32 $_size_execute0_lowered;
	s5 =	sadd.s32 s5, s6;
	[dreg:$0x0] =	wrdreg $0x0  }
0xaa: {  	s6 =	sshll.u32 s28, $0x1;
	[dreg:$0x2] =	wrdreg s5  }
0xab: {  	[dreg:$0x3] =	wrdreg s6  }
0xac: {  	[dreg:$0x4] =	wrdreg $0xC0  }
0xad: {  	_ =	task [dreg:s9], $0x5FFFF  }
0xae: {  	[dreg:$0x1] =	wrdreg $0xFFFFFFFF  }
0xaf: {  	[dreg:$0x0] =	wrdreg $0x60  }
0xb0: {  	[dreg:$0x2] =	wrdreg s2  }
0xb1: {  	[dreg:$0x3] =	wrdreg s19  }
0xb2: {  	[dreg:$0x4] =	wrdreg s4  }
0xb3: {  	[dreg:$0x5] =	wrdreg $0x9  }
0xb4: {  	_ =	task.clear_ibuf [dreg:s9], $0x6FFFF;
	_ =	strace $0x90000046  }
0xb5: {  	s29 =	simm.s32 $0x9;
	_ =	strace $0x80000048  }
0xb6: {  	_ =	swait.ge [sflag:s29], $0x1  }
0xb7: {  	[sflag:s29] =	ssyncadd.s32 $0xFFFFFFFF  }
0xb8: {  	_ =	strace $0x90000048  }
0xb9: {  	_ =	sfence  }
0xba: {  	s30 =	sld [smem:$0x0];
	_ =	sdelay $0x2  }
0xbb: {  	s31 =	sshll.u32 s1, $0xD;
	s1 =	sshrl.u32 s1, $0x2  }
0xbc: {  	s3 =	sand.u32 $0x4000, s31;
	s1 =	sadd.s32 s1, s30  }
0xbd: {  	s0 =	sor.u32 s3, s0;
	s1 =	sshll.u32 s1, $0x11  }
0xbe: {  	s0 =	sor.u32 s1, s0  }
0xbf: {  	s0 =	sadd.s32 $0x8F2B, s0  }
0xc0: {  	[sflag:s0] =	ssyncadd.remote.s32 $0x1  }
0xc1: {  	_ =	sfence.sel $0xFFFF  }
0xc2: {  	[dreg:$0x0] =	wrdreg $0xFFFFFFFF;
	(pc) =	sbr.abs _section_cstart, $3  }
0xc3: {  	[dreg:$0x1] =	wrdreg $0xFFFFFFFF  }
0xc4: {  	_ =	task.clear_ibuf [dreg:s9], $0x2FFFF;
	_ =	strace $0x9FFFFFFF  }
0xc5: {  	(tm) =	ssettm $0x7FFFFFFF  }
tec
execute0_lowered:
.L_overlay_start_1:
0x0: {  	(tag) =	ssettag $0x1  }
0x1: {  	s0 =	rddreg [dreg:$0x0]  }
0x2: {  	s2 =	rddreg [dreg:$0x1];
	s3 =	srdreg.scid  }
0x3: {  	s1 =	rddreg [dreg:$0x2];
	s5 =	stileid.u32;
	s4 =	sand.u32 $0x1, s3  }
0x4: {  	s3 =	simm.s32 $0x0;
	s5 =	sshll.u32 s5, $0xA;
	s26 =	sadd.s32 $0x80000, s1  }
0x5: {  	s28 =	sadd.s32 $0x100000, s1;
	s6 =	sshll.u32 s4, $0x9;
	[smem:$0x7FF] =	sst s3  }
0x6: {  	s5 =	sor.u32 s6, s5;
	_ =	strace $0x80000047;
	[dreg:$0x16] =	wrdreg s26  }
0x7: {  	[dreg:$0x17] =	wrdreg s28;
	s6 =	sshrl.u32 s5, $0x3;
	s5 =	sshll.u32 s5, $0x5  }
0x8: {  	s0 =	sadd.s32 s0, s6;
	[dreg:$0xd] =	wrdreg s5  }
0x9: {  	s10 =	sadd.s32 s1, s5;
	[dreg:$0x4] =	wrdreg s0  }
0xa: {  	s11 =	sor.u32 $0x800, s5;
	[dreg:$0x5] =	wrdreg s10  }
0xb: {  	s13 =	sor.u32 $0x1000, s5;
	[dreg:$0xe] =	wrdreg s11  }
0xc: {  	s29 =	simm.s32 $0x1;
	s15 =	sor.u32 $0x1800, s5;
	[dreg:$0xf] =	wrdreg s13  }
0xd: {  	s30 =	simm.s32 $0x5;
	s17 =	sor.u32 $0x2000, s5;
	[dreg:$0x10] =	wrdreg s15  }
0xe: {  	s31 =	simm.s32 $0x2;
	s19 =	sor.u32 $0x2800, s5;
	[dreg:$0x11] =	wrdreg s17  }
0xf: {  	s7 =	simm.s32 $0x8;
	s21 =	sor.u32 $0x3000, s5;
	[dreg:$0x12] =	wrdreg s19  }
0x10: {  	s4 =	ssub.s32 $0x2, s4;
	s23 =	sor.u32 $0x3800, s5;
	[dreg:$0x13] =	wrdreg s21  }
0x11: {  	s24 =	sshrl.u32 s4, $0x1;
	s12 =	sadd.s32 s1, s11;
	[dreg:$0x14] =	wrdreg s23  }
0x12: {  	s4 =	ssub.s32 s4, s24;
	s14 =	sadd.s32 s1, s13;
	[dreg:$0x6] =	wrdreg s12  }
0x13: {  	s4 =	smax.u32 s4, $0x1;
	s16 =	sadd.s32 s1, s15;
	[dreg:$0x7] =	wrdreg s14  }
0x14: {  	s6 =	simm.s32 $0x4;
	s18 =	sadd.s32 s1, s17;
	[dreg:$0x8] =	wrdreg s16  }
0x15: {  	s20 =	sadd.s32 s1, s19;
	s22 =	sadd.s32 s1, s21;
	[dreg:$0x9] =	wrdreg s18  }
0x16: {  	v2 =	vlaneseq.u32;
	s25 =	sadd.s32 s1, s23;
	s0 =	simm.s32 $0x6;
	[dreg:$0xa] =	wrdreg s20  }
0x17: {  	vm0 =	vmmov $0xffff;
	v1 =	vshrl.u32 v2, $0x3;
	s1 =	simm.s32 $0x3;
	s17 =	simm.s32 $0x7;
	[dreg:$0xb] =	wrdreg s22  }
0x18: {  	v0 =	vand.u32 $0x7, v2;
	v2 =	vor.u32 $0x8, v2;
	v1 =	vmul.u32 $0x8, v1;
	s12 =	sadd.s32 $0x30D400, s2;
	[dreg:$0xc] =	wrdreg s25;
	s14 =	sadd.s32 $0x61A800, s2  }
.LBB2_1:
0x19: {  	[dreg:$0x15] =	wrdreg s4  }
0x1a: {  	s8 =	rddreg [dreg:$0x4];
	s19 =	simm.s32 $0x9  }
0x1b: {  	[tilespmem:s3], [sflag:$0x9] =	stream.linear.gather [hbm4b:s8+s3], $0x200, $0x38;
	[tilespmem:$0x10200] =	vst v63  }
0x1c: {  	_ =	swait.ge [sflag:s19], $0x200  }
0x1d: {  	[sflag:s19] =	ssyncset.done $0x0  }
0x1e: {  	[sflag:s19] =	ssyncadd.s32 $0xFFFFFE00  }
0x1f: {  	v3 =	vld [tilespmem:$0x0];
	_ =	sdelay $0x4  }
0x20: {  	v4 =	vshll.u32 v3, $0x1  }
0x21: {  	v3 =	vand.u32 $0x7, v3;
	v4 =	vand.u32 $0xFFFFFFF0, v4  }
0x22: {  	v3 =	vor.u32 v3, v4  }
0x23: {  	v4 =	vperm.xlane v3, v0;
	_ =	sdelay $0x1  }
0x24: {  	v3 =	vperm.xlane v3, v2;
	v4 =	vadd.s32 v1, v4;
	_ =	sdelay $0x1  }
0x25: {  	v3 =	vadd.s32 v1, v3;
	_ =	sdelay $0x1  }
0x26: {  	s20 =	simm.s32 $0x200  }
0x27: {  	[tilespmem:s20], [sflag:$0x1] =	stream.indirect_vreg.gather [hbm4b:s2+s3], $0x80, v4, vm0, $0xb8;
	[tilespmem:$0x10200] =	vst v63  }
0x28: {  	s21 =	simm.s32 $0xA00  }
0x29: {  	[tilespmem:s21], [sflag:$0x1] =	stream.indirect_vreg.gather [hbm4b:s2+s3], $0x80, v3, vm0, $0xb8;
	[tilespmem:$0x10200] =	vst v63  }
0x2a: {  	v3 =	vld [tilespmem:$0x10];
	_ =	sdelay $0x4  }
0x2b: {  	v25 =	vshll.u32 v3, $0x1  }
0x2c: {  	v3 =	vand.u32 $0x7, v3;
	v4 =	vand.u32 $0xFFFFFFF0, v25  }
0x2d: {  	v3 =	vor.u32 v3, v4  }
0x2e: {  	v4 =	vperm.xlane v3, v0;
	_ =	sdelay $0x1  }
0x2f: {  	v3 =	vperm.xlane v3, v2;
	v4 =	vadd.s32 v1, v4;
	_ =	sdelay $0x1  }
0x30: {  	v3 =	vadd.s32 v1, v3;
	_ =	sdelay $0x1  }
0x31: {  	s22 =	simm.s32 $0x1200  }
0x32: {  	[tilespmem:s22], [sflag:$0x1] =	stream.indirect_vreg.gather [hbm4b:s2+s3], $0x80, v4, vm0, $0xb8;
	[tilespmem:$0x10200] =	vst v63  }
0x33: {  	s23 =	simm.s32 $0x1A00  }
0x34: {  	[tilespmem:s23], [sflag:$0x1] =	stream.indirect_vreg.gather [hbm4b:s2+s3], $0x80, v3, vm0, $0xb8;
	[tilespmem:$0x10200] =	vst v63  }
0x35: {  	v3 =	vld [tilespmem:$0x20];
	_ =	sdelay $0x4  }
0x36: {  	v26 =	vshll.u32 v3, $0x1  }
0x37: {  	v3 =	vand.u32 $0x7, v3;
	v4 =	vand.u32 $0xFFFFFFF0, v26  }
0x38: {  	v3 =	vor.u32 v3, v4  }
0x39: {  	v4 =	vperm.xlane v3, v0;
	_ =	sdelay $0x1  }
0x3a: {  	v3 =	vperm.xlane v3, v2;
	v4 =	vadd.s32 v1, v4;
	_ =	sdelay $0x1  }
0x3b: {  	v3 =	vadd.s32 v1, v3;
	_ =	sdelay $0x1  }
0x3c: {  	s24 =	simm.s32 $0x2200  }
0x3d: {  	[tilespmem:s24], [sflag:$0x1] =	stream.indirect_vreg.gather [hbm4b:s2+s3], $0x80, v4, vm0, $0xb8;
	[tilespmem:$0x10200] =	vst v63  }
0x3e: {  	s25 =	simm.s32 $0x2A00  }
0x3f: {  	[tilespmem:s25], [sflag:$0x1] =	stream.indirect_vreg.gather [hbm4b:s2+s3], $0x80, v3, vm0, $0xb8;
	[tilespmem:$0x10200] =	vst v63  }
0x40: {  	v3 =	vld [tilespmem:$0x30];
	_ =	sdelay $0x4  }
0x41: {  	v27 =	vshll.u32 v3, $0x1  }
0x42: {  	v3 =	vand.u32 $0x7, v3;
	v4 =	vand.u32 $0xFFFFFFF0, v27  }
0x43: {  	v3 =	vor.u32 v3, v4  }
0x44: {  	v4 =	vperm.xlane v3, v0;
	_ =	sdelay $0x1  }
0x45: {  	v3 =	vperm.xlane v3, v2;
	v4 =	vadd.s32 v1, v4;
	_ =	sdelay $0x1  }
0x46: {  	v3 =	vadd.s32 v1, v3;
	_ =	sdelay $0x1  }
0x47: {  	s26 =	simm.s32 $0x3200  }
0x48: {  	[tilespmem:s26], [sflag:$0x1] =	stream.indirect_vreg.gather [hbm4b:s2+s3], $0x80, v4, vm0, $0xb8;
	[tilespmem:$0x10200] =	vst v63  }
0x49: {  	s28 =	simm.s32 $0x3A00  }
0x4a: {  	[tilespmem:s28], [sflag:$0x1] =	stream.indirect_vreg.gather [hbm4b:s2+s3], $0x80, v3, vm0, $0xb8;
	[tilespmem:$0x10200] =	vst v63  }
0x4b: {  	v3 =	vld [tilespmem:$0x40];
	_ =	sdelay $0x4  }
0x4c: {  	v28 =	vshll.u32 v3, $0x1  }
0x4d: {  	v3 =	vand.u32 $0x7, v3;
	v4 =	vand.u32 $0xFFFFFFF0, v28  }
0x4e: {  	v3 =	vor.u32 v3, v4  }
0x4f: {  	v4 =	vperm.xlane v3, v0;
	_ =	sdelay $0x1  }
0x50: {  	v3 =	vperm.xlane v3, v2;
	v4 =	vadd.s32 v1, v4;
	_ =	sdelay $0x1  }
0x51: {  	v3 =	vadd.s32 v1, v3;
	_ =	sdelay $0x1  }
0x52: {  	s8 =	simm.s32 $0x4200  }
0x53: {  	[tilespmem:s8], [sflag:$0x2] =	stream.indirect_vreg.gather [hbm4b:s2+s3], $0x80, v4, vm0, $0xb8;
	[tilespmem:$0x10200] =	vst v63  }
0x54: {  	s15 =	simm.s32 $0x4A00  }
0x55: {  	[tilespmem:s15], [sflag:$0x2] =	stream.indirect_vreg.gather [hbm4b:s2+s3], $0x80, v3, vm0, $0xb8;
	[tilespmem:$0x10200] =	vst v63  }
0x56: {  	v3 =	vld [tilespmem:$0x50];
	_ =	sdelay $0x4  }
0x57: {  	v29 =	vshll.u32 v3, $0x1  }
0x58: {  	v3 =	vand.u32 $0x7, v3;
	v4 =	vand.u32 $0xFFFFFFF0, v29  }
0x59: {  	v3 =	vor.u32 v3, v4  }
0x5a: {  	v4 =	vperm.xlane v3, v0;
	_ =	sdelay $0x1  }
0x5b: {  	v3 =	vperm.xlane v3, v2;
	v4 =	vadd.s32 v1, v4;
	_ =	sdelay $0x1  }
0x5c: {  	v3 =	vadd.s32 v1, v3;
	_ =	sdelay $0x1  }
0x5d: {  	s16 =	simm.s32 $0x5200  }
0x5e: {  	[tilespmem:s16], [sflag:$0x2] =	stream.indirect_vreg.gather [hbm4b:s2+s3], $0x80, v4, vm0, $0xb8;
	[tilespmem:$0x10200] =	vst v63  }
0x5f: {  	s19 =	simm.s32 $0x5A00  }
0x60: {  	[tilespmem:s19], [sflag:$0x2] =	stream.indirect_vreg.gather [hbm4b:s2+s3], $0x80, v3, vm0, $0xb8;
	[tilespmem:$0x10200] =	vst v63  }
0x61: {  	v3 =	vld [tilespmem:$0x60];
	_ =	sdelay $0x4  }
0x62: {  	v30 =	vshll.u32 v3, $0x1  }
0x63: {  	v3 =	vand.u32 $0x7, v3;
	v4 =	vand.u32 $0xFFFFFFF0, v30  }
0x64: {  	v3 =	vor.u32 v3, v4  }
0x65: {  	v4 =	vperm.xlane v3, v0;
	_ =	sdelay $0x1  }
0x66: {  	v3 =	vperm.xlane v3, v2;
	v4 =	vadd.s32 v1, v4;
	_ =	sdelay $0x1  }
0x67: {  	v3 =	vadd.s32 v1, v3;
	_ =	sdelay $0x1  }
0x68: {  	s20 =	simm.s32 $0x6200  }
0x69: {  	[tilespmem:s20], [sflag:$0x2] =	stream.indirect_vreg.gather [hbm4b:s2+s3], $0x80, v4, vm0, $0xb8;
	[tilespmem:$0x10200] =	vst v63  }
0x6a: {  	s21 =	simm.s32 $0x6A00  }
0x6b: {  	[tilespmem:s21], [sflag:$0x2] =	stream.indirect_vreg.gather [hbm4b:s2+s3], $0x80, v3, vm0, $0xb8;
	[tilespmem:$0x10200] =	vst v63  }
0x6c: {  	v3 =	vld [tilespmem:$0x70];
	_ =	sdelay $0x4  }
0x6d: {  	v31 =	vshll.u32 v3, $0x1  }
0x6e: {  	v3 =	vand.u32 $0x7, v3;
	v4 =	vand.u32 $0xFFFFFFF0, v31  }
0x6f: {  	v3 =	vor.u32 v3, v4  }
0x70: {  	v4 =	vperm.xlane v3, v0;
	_ =	sdelay $0x1  }
0x71: {  	v3 =	vperm.xlane v3, v2;
	v4 =	vadd.s32 v1, v4;
	_ =	sdelay $0x1  }
0x72: {  	v3 =	vadd.s32 v1, v3;
	_ =	sdelay $0x1  }
0x73: {  	s22 =	simm.s32 $0x7200  }
0x74: {  	[tilespmem:s22], [sflag:$0x2] =	stream.indirect_vreg.gather [hbm4b:s2+s3], $0x80, v4, vm0, $0xb8;
	[tilespmem:$0x10200] =	vst v63  }
0x75: {  	s23 =	simm.s32 $0x7A00  }
0x76: {  	[tilespmem:s23], [sflag:$0x2] =	stream.indirect_vreg.gather [hbm4b:s2+s3], $0x80, v3, vm0, $0xb8;
	[tilespmem:$0x10200] =	vst v63  }
0x77: {  	v3 =	vld [tilespmem:$0x80];
	_ =	sdelay $0x4  }
0x78: {  	v32 =	vshll.u32 v3, $0x1  }
0x79: {  	v3 =	vand.u32 $0x7, v3;
	v4 =	vand.u32 $0xFFFFFFF0, v32  }
0x7a: {  	v3 =	vor.u32 v3, v4  }
0x7b: {  	v4 =	vperm.xlane v3, v0;
	_ =	sdelay $0x1  }
0x7c: {  	v3 =	vperm.xlane v3, v2;
	v4 =	vadd.s32 v1, v4;
	_ =	sdelay $0x1  }
0x7d: {  	v3 =	vadd.s32 v1, v3;
	_ =	sdelay $0x1  }
0x7e: {  	s8 =	simm.s32 $0x8200  }
0x7f: {  	[tilespmem:s8], [sflag:$0x3] =	stream.indirect_vreg.gather [hbm4b:s2+s3], $0x80, v4, vm0, $0xb8;
	[tilespmem:$0x10200] =	vst v63  }
0x80: {  	s15 =	simm.s32 $0x8A00  }
0x81: {  	[tilespmem:s15], [sflag:$0x3] =	stream.indirect_vreg.gather [hbm4b:s2+s3], $0x80, v3, vm0, $0xb8;
	[tilespmem:$0x10200] =	vst v63  }
0x82: {  	v3 =	vld [tilespmem:$0x90];
	_ =	sdelay $0x4  }
0x83: {  	v33 =	vshll.u32 v3, $0x1  }
0x84: {  	v3 =	vand.u32 $0x7, v3;
	v4 =	vand.u32 $0xFFFFFFF0, v33  }
0x85: {  	v3 =	vor.u32 v3, v4  }
0x86: {  	v4 =	vperm.xlane v3, v0;
	_ =	sdelay $0x1  }
0x87: {  	v3 =	vperm.xlane v3, v2;
	v4 =	vadd.s32 v1, v4;
	_ =	sdelay $0x1  }
0x88: {  	v3 =	vadd.s32 v1, v3;
	_ =	sdelay $0x1  }
0x89: {  	s16 =	simm.s32 $0x9200  }
0x8a: {  	[tilespmem:s16], [sflag:$0x3] =	stream.indirect_vreg.gather [hbm4b:s2+s3], $0x80, v4, vm0, $0xb8;
	[tilespmem:$0x10200] =	vst v63  }
0x8b: {  	s19 =	simm.s32 $0x9A00  }
0x8c: {  	[tilespmem:s19], [sflag:$0x3] =	stream.indirect_vreg.gather [hbm4b:s2+s3], $0x80, v3, vm0, $0xb8;
	[tilespmem:$0x10200] =	vst v63  }
0x8d: {  	v3 =	vld [tilespmem:$0xA0];
	_ =	sdelay $0x4  }
0x8e: {  	v34 =	vshll.u32 v3, $0x1  }
0x8f: {  	v3 =	vand.u32 $0x7, v3;
	v4 =	vand.u32 $0xFFFFFFF0, v34  }
0x90: {  	v3 =	vor.u32 v3, v4  }
0x91: {  	v4 =	vperm.xlane v3, v0;
	_ =	sdelay $0x1  }
0x92: {  	v3 =	vperm.xlane v3, v2;
	v4 =	vadd.s32 v1, v4;
	_ =	sdelay $0x1  }
0x93: {  	v3 =	vadd.s32 v1, v3;
	_ =	sdelay $0x1  }
0x94: {  	s21 =	simm.s32 $0xA200  }
0x95: {  	[tilespmem:s21], [sflag:$0x3] =	stream.indirect_vreg.gather [hbm4b:s2+s3], $0x80, v4, vm0, $0xb8;
	[tilespmem:$0x10200] =	vst v63  }
0x96: {  	s8 =	simm.s32 $0xAA00  }
0x97: {  	[tilespmem:s8], [sflag:$0x3] =	stream.indirect_vreg.gather [hbm4b:s2+s3], $0x80, v3, vm0, $0xb8;
	[tilespmem:$0x10200] =	vst v63  }
0x98: {  	v3 =	vld [tilespmem:$0xB0];
	_ =	sdelay $0x4  }
0x99: {  	v35 =	vshll.u32 v3, $0x1  }
0x9a: {  	v3 =	vand.u32 $0x7, v3;
	v4 =	vand.u32 $0xFFFFFFF0, v35  }
0x9b: {  	v3 =	vor.u32 v3, v4  }
0x9c: {  	v4 =	vperm.xlane v3, v0;
	_ =	sdelay $0x1  }
0x9d: {  	v3 =	vperm.xlane v3, v2;
	v4 =	vadd.s32 v1, v4;
	_ =	sdelay $0x1  }
0x9e: {  	v3 =	vadd.s32 v1, v3;
	_ =	sdelay $0x1  }
0x9f: {  	s15 =	simm.s32 $0xB200  }
0xa0: {  	[tilespmem:s15], [sflag:$0x3] =	stream.indirect_vreg.gather [hbm4b:s2+s3], $0x80, v4, vm0, $0xb8;
	[tilespmem:$0x10200] =	vst v63  }
0xa1: {  	s16 =	simm.s32 $0xBA00  }
0xa2: {  	[tilespmem:s16], [sflag:$0x3] =	stream.indirect_vreg.gather [hbm4b:s2+s3], $0x80, v3, vm0, $0xb8;
	[tilespmem:$0x10200] =	vst v63  }
0xa3: {  	v3 =	vld [tilespmem:$0xC0];
	_ =	sdelay $0x4  }
0xa4: {  	v36 =	vshll.u32 v3, $0x1  }
0xa5: {  	v3 =	vand.u32 $0x7, v3;
	v4 =	vand.u32 $0xFFFFFFF0, v36  }
0xa6: {  	v3 =	vor.u32 v3, v4  }
0xa7: {  	v4 =	vperm.xlane v3, v0;
	_ =	sdelay $0x1  }
0xa8: {  	v3 =	vperm.xlane v3, v2;
	v4 =	vadd.s32 v1, v4;
	_ =	sdelay $0x1  }
0xa9: {  	v3 =	vadd.s32 v1, v3;
	_ =	sdelay $0x1  }
0xaa: {  	s19 =	simm.s32 $0xC200  }
0xab: {  	[tilespmem:s19], [sflag:$0x4] =	stream.indirect_vreg.gather [hbm4b:s2+s3], $0x80, v4, vm0, $0xb8;
	[tilespmem:$0x10200] =	vst v63  }
0xac: {  	s21 =	simm.s32 $0xCA00  }
0xad: {  	[tilespmem:s21], [sflag:$0x4] =	stream.indirect_vreg.gather [hbm4b:s2+s3], $0x80, v3, vm0, $0xb8;
	[tilespmem:$0x10200] =	vst v63  }
0xae: {  	v3 =	vld [tilespmem:$0xD0];
	_ =	sdelay $0x4  }
0xaf: {  	v37 =	vshll.u32 v3, $0x1  }
0xb0: {  	v3 =	vand.u32 $0x7, v3;
	v4 =	vand.u32 $0xFFFFFFF0, v37  }
0xb1: {  	v3 =	vor.u32 v3, v4  }
0xb2: {  	v4 =	vperm.xlane v3, v0;
	_ =	sdelay $0x1  }
0xb3: {  	v3 =	vperm.xlane v3, v2;
	v4 =	vadd.s32 v1, v4;
	_ =	sdelay $0x1  }
0xb4: {  	v3 =	vadd.s32 v1, v3;
	_ =	sdelay $0x1  }
0xb5: {  	s8 =	simm.s32 $0xD200  }
0xb6: {  	[tilespmem:s8], [sflag:$0x4] =	stream.indirect_vreg.gather [hbm4b:s2+s3], $0x80, v4, vm0, $0xb8;
	[tilespmem:$0x10200] =	vst v63  }
0xb7: {  	s15 =	simm.s32 $0xDA00  }
0xb8: {  	[tilespmem:s15], [sflag:$0x4] =	stream.indirect_vreg.gather [hbm4b:s2+s3], $0x80, v3, vm0, $0xb8;
	[tilespmem:$0x10200] =	vst v63  }
0xb9: {  	v3 =	vld [tilespmem:$0xE0];
	_ =	sdelay $0x4  }
0xba: {  	v38 =	vshll.u32 v3, $0x1  }
0xbb: {  	v3 =	vand.u32 $0x7, v3;
	v4 =	vand.u32 $0xFFFFFFF0, v38  }
0xbc: {  	v3 =	vor.u32 v3, v4  }
0xbd: {  	v4 =	vperm.xlane v3, v0;
	_ =	sdelay $0x1  }
0xbe: {  	v3 =	vperm.xlane v3, v2;
	v4 =	vadd.s32 v1, v4;
	_ =	sdelay $0x1  }
0xbf: {  	v3 =	vadd.s32 v1, v3;
	_ =	sdelay $0x1  }
0xc0: {  	s16 =	simm.s32 $0xE200  }
0xc1: {  	[tilespmem:s16], [sflag:$0x4] =	stream.indirect_vreg.gather [hbm4b:s2+s3], $0x80, v4, vm0, $0xb8;
	[tilespmem:$0x10200] =	vst v63  }
0xc2: {  	s19 =	simm.s32 $0xEA00  }
0xc3: {  	[tilespmem:s19], [sflag:$0x4] =	stream.indirect_vreg.gather [hbm4b:s2+s3], $0x80, v3, vm0, $0xb8;
	[tilespmem:$0x10200] =	vst v63  }
0xc4: {  	v3 =	vld [tilespmem:$0xF0];
	_ =	sdelay $0x4  }
0xc5: {  	v39 =	vshll.u32 v3, $0x1  }
0xc6: {  	v3 =	vand.u32 $0x7, v3;
	v4 =	vand.u32 $0xFFFFFFF0, v39  }
0xc7: {  	v3 =	vor.u32 v3, v4  }
0xc8: {  	v4 =	vperm.xlane v3, v0;
	_ =	sdelay $0x1  }
0xc9: {  	v3 =	vperm.xlane v3, v2;
	v4 =	vadd.s32 v1, v4;
	_ =	sdelay $0x1  }
0xca: {  	v3 =	vadd.s32 v1, v3;
	_ =	sdelay $0x1  }
0xcb: {  	s8 =	simm.s32 $0xF200  }
0xcc: {  	[tilespmem:s8], [sflag:$0x4] =	stream.indirect_vreg.gather [hbm4b:s2+s3], $0x80, v4, vm0, $0xb8;
	[tilespmem:$0x10200] =	vst v63  }
0xcd: {  	s15 =	simm.s32 $0xFA00  }
0xce: {  	[tilespmem:s15], [sflag:$0x4] =	stream.indirect_vreg.gather [hbm4b:s2+s3], $0x80, v3, vm0, $0xb8;
	[tilespmem:$0x10200] =	vst v63  }
0xcf: {  	_ =	swait.ge [sflag:s29], $0x4000  }
0xd0: {  	[sflag:s29] =	ssyncset.done $0x0  }
0xd1: {  	s19 =	simm.s32 $0x200;
	s16 =	rddreg [dreg:$0x5];
	[sflag:s29] =	ssyncadd.s32 $0xFFFFC000  }
0xd2: {  	[hbm4b:s16+s3] =	stream.linear.scatter [tilespmem:s19], [sflag:$0x5], $0x4000, $0x38;
	[tilespmem:$0x10200] =	vst v63  }
0xd3: {  	_ =	swait.ge [sflag:s30], $0x4000  }
0xd4: {  	[sflag:s30] =	ssyncset.done $0x0  }
0xd5: {  	[sflag:s30] =	ssyncadd.s32 $0xFFFFC000  }
0xd6: {  	v3 =	vld [tilespmem:$0x100];
	_ =	sdelay $0x4  }
0xd7: {  	v40 =	vshll.u32 v3, $0x1  }
0xd8: {  	v3 =	vand.u32 $0x7, v3;
	v4 =	vand.u32 $0xFFFFFFF0, v40  }
0xd9: {  	v3 =	vor.u32 v3, v4  }
0xda: {  	v4 =	vperm.xlane v3, v0;
	_ =	sdelay $0x1  }
0xdb: {  	v3 =	vperm.xlane v3, v2;
	v4 =	vadd.s32 v1, v4;
	_ =	sdelay $0x1  }
0xdc: {  	v3 =	vadd.s32 v1, v3;
	_ =	sdelay $0x2  }
0xdd: {  	[tilespmem:s19], [sflag:$0x1] =	stream.indirect_vreg.gather [hbm4b:s2+s3], $0x80, v4, vm0, $0xb8;
	[tilespmem:$0x10200] =	vst v63  }
0xde: {  	s5 =	simm.s32 $0xA00  }
0xdf: {  	[tilespmem:s5], [sflag:$0x1] =	stream.indirect_vreg.gather [hbm4b:s2+s3], $0x80, v3, vm0, $0xb8;
	[tilespmem:$0x10200] =	vst v63  }
0xe0: {  	v3 =	vld [tilespmem:$0x110];
	_ =	sdelay $0x4  }
0xe1: {  	v41 =	vshll.u32 v3, $0x1  }
0xe2: {  	v3 =	vand.u32 $0x7, v3;
	v4 =	vand.u32 $0xFFFFFFF0, v41  }
0xe3: {  	v3 =	vor.u32 v3, v4  }
0xe4: {  	v4 =	vperm.xlane v3, v0;
	_ =	sdelay $0x1  }
0xe5: {  	v3 =	vperm.xlane v3, v2;
	v4 =	vadd.s32 v1, v4;
	_ =	sdelay $0x1  }
0xe6: {  	v3 =	vadd.s32 v1, v3;
	_ =	sdelay $0x1  }
0xe7: {  	s18 =	simm.s32 $0x1200  }
0xe8: {  	[tilespmem:s18], [sflag:$0x1] =	stream.indirect_vreg.gather [hbm4b:s2+s3], $0x80, v4, vm0, $0xb8;
	[tilespmem:$0x10200] =	vst v63  }
0xe9: {  	s9 =	simm.s32 $0x1A00  }
0xea: {  	[tilespmem:s9], [sflag:$0x1] =	stream.indirect_vreg.gather [hbm4b:s2+s3], $0x80, v3, vm0, $0xb8;
	[tilespmem:$0x10200] =	vst v63  }
0xeb: {  	v3 =	vld [tilespmem:$0x120];
	_ =	sdelay $0x4  }
0xec: {  	v42 =	vshll.u32 v3, $0x1  }
0xed: {  	v3 =	vand.u32 $0x7, v3;
	v4 =	vand.u32 $0xFFFFFFF0, v42  }
0xee: {  	v3 =	vor.u32 v3, v4  }
0xef: {  	v4 =	vperm.xlane v3, v0;
	_ =	sdelay $0x1  }
0xf0: {  	v3 =	vperm.xlane v3, v2;
	v4 =	vadd.s32 v1, v4;
	_ =	sdelay $0x1  }
0xf1: {  	v3 =	vadd.s32 v1, v3;
	_ =	sdelay $0x1  }
0xf2: {  	s13 =	simm.s32 $0x2200  }
0xf3: {  	[tilespmem:s13], [sflag:$0x1] =	stream.indirect_vreg.gather [hbm4b:s2+s3], $0x80, v4, vm0, $0xb8;
	[tilespmem:$0x10200] =	vst v63  }
0xf4: {  	s10 =	simm.s32 $0x2A00  }
0xf5: {  	[tilespmem:s10], [sflag:$0x1] =	stream.indirect_vreg.gather [hbm4b:s2+s3], $0x80, v3, vm0, $0xb8;
	[tilespmem:$0x10200] =	vst v63  }
0xf6: {  	v3 =	vld [tilespmem:$0x130];
	_ =	sdelay $0x4  }
0xf7: {  	v43 =	vshll.u32 v3, $0x1  }
0xf8: {  	v3 =	vand.u32 $0x7, v3;
	v4 =	vand.u32 $0xFFFFFFF0, v43  }
0xf9: {  	v3 =	vor.u32 v3, v4  }
0xfa: {  	v4 =	vperm.xlane v3, v0;
	_ =	sdelay $0x1  }
0xfb: {  	v3 =	vperm.xlane v3, v2;
	v4 =	vadd.s32 v1, v4;
	_ =	sdelay $0x1  }
0xfc: {  	v3 =	vadd.s32 v1, v3;
	_ =	sdelay $0x1  }
0xfd: {  	s26 =	simm.s32 $0x3200  }
0xfe: {  	[tilespmem:s26], [sflag:$0x1] =	stream.indirect_vreg.gather [hbm4b:s2+s3], $0x80, v4, vm0, $0xb8;
	[tilespmem:$0x10200] =	vst v63  }
0xff: {  	s11 =	simm.s32 $0x3A00  }
0x100: {  	[tilespmem:s11], [sflag:$0x1] =	stream.indirect_vreg.gather [hbm4b:s2+s3], $0x80, v3, vm0, $0xb8;
	[tilespmem:$0x10200] =	vst v63  }
0x101: {  	_ =	swait.ge [sflag:s31], $0x4000  }
0x102: {  	[sflag:s31] =	ssyncset.done $0x0  }
0x103: {  	s18 =	simm.s32 $0x4200;
	s13 =	rddreg [dreg:$0x6];
	[sflag:s31] =	ssyncadd.s32 $0xFFFFC000  }
0x104: {  	[hbm4b:s13+s3] =	stream.linear.scatter [tilespmem:s18], [sflag:$0x6], $0x4000, $0x38;
	[tilespmem:$0x10200] =	vst v63  }
0x105: {  	_ =	swait.ge [sflag:s0], $0x4000  }
0x106: {  	[sflag:s0] =	ssyncset.done $0x0  }
0x107: {  	[sflag:s0] =	ssyncadd.s32 $0xFFFFC000  }
0x108: {  	v3 =	vld [tilespmem:$0x140];
	_ =	sdelay $0x4  }
0x109: {  	v44 =	vshll.u32 v3, $0x1  }
0x10a: {  	v3 =	vand.u32 $0x7, v3;
	v4 =	vand.u32 $0xFFFFFFF0, v44  }
0x10b: {  	v3 =	vor.u32 v3, v4  }
0x10c: {  	v4 =	vperm.xlane v3, v0;
	_ =	sdelay $0x1  }
0x10d: {  	v3 =	vperm.xlane v3, v2;
	v4 =	vadd.s32 v1, v4;
	_ =	sdelay $0x1  }
0x10e: {  	v3 =	vadd.s32 v1, v3;
	_ =	sdelay $0x2  }
0x10f: {  	[tilespmem:s18], [sflag:$0x2] =	stream.indirect_vreg.gather [hbm4b:s2+s3], $0x80, v4, vm0, $0xb8;
	[tilespmem:$0x10200] =	vst v63  }
0x110: {  	s26 =	simm.s32 $0x4A00  }
0x111: {  	[tilespmem:s26], [sflag:$0x2] =	stream.indirect_vreg.gather [hbm4b:s2+s3], $0x80, v3, vm0, $0xb8;
	[tilespmem:$0x10200] =	vst v63  }
0x112: {  	v3 =	vld [tilespmem:$0x150];
	_ =	sdelay $0x4  }
0x113: {  	v45 =	vshll.u32 v3, $0x1  }
0x114: {  	v3 =	vand.u32 $0x7, v3;
	v4 =	vand.u32 $0xFFFFFFF0, v45  }
0x115: {  	v3 =	vor.u32 v3, v4  }
0x116: {  	v4 =	vperm.xlane v3, v0;
	_ =	sdelay $0x1  }
0x117: {  	v3 =	vperm.xlane v3, v2;
	v4 =	vadd.s32 v1, v4;
	_ =	sdelay $0x1  }
0x118: {  	v3 =	vadd.s32 v1, v3;
	_ =	sdelay $0x1  }
0x119: {  	s24 =	simm.s32 $0x5200  }
0x11a: {  	[tilespmem:s24], [sflag:$0x2] =	stream.indirect_vreg.gather [hbm4b:s2+s3], $0x80, v4, vm0, $0xb8;
	[tilespmem:$0x10200] =	vst v63  }
0x11b: {  	s13 =	simm.s32 $0x5A00  }
0x11c: {  	[tilespmem:s13], [sflag:$0x2] =	stream.indirect_vreg.gather [hbm4b:s2+s3], $0x80, v3, vm0, $0xb8;
	[tilespmem:$0x10200] =	vst v63  }
0x11d: {  	v3 =	vld [tilespmem:$0x160];
	_ =	sdelay $0x4  }
0x11e: {  	v46 =	vshll.u32 v3, $0x1  }
0x11f: {  	v3 =	vand.u32 $0x7, v3;
	v4 =	vand.u32 $0xFFFFFFF0, v46  }
0x120: {  	v3 =	vor.u32 v3, v4  }
0x121: {  	v4 =	vperm.xlane v3, v0;
	_ =	sdelay $0x1  }
0x122: {  	v3 =	vperm.xlane v3, v2;
	v4 =	vadd.s32 v1, v4;
	_ =	sdelay $0x1  }
0x123: {  	v3 =	vadd.s32 v1, v3;
	_ =	sdelay $0x1  }
0x124: {  	s25 =	simm.s32 $0x6200  }
0x125: {  	[tilespmem:s25], [sflag:$0x2] =	stream.indirect_vreg.gather [hbm4b:s2+s3], $0x80, v4, vm0, $0xb8;
	[tilespmem:$0x10200] =	vst v63  }
0x126: {  	s5 =	simm.s32 $0x6A00  }
0x127: {  	[tilespmem:s5], [sflag:$0x2] =	stream.indirect_vreg.gather [hbm4b:s2+s3], $0x80, v3, vm0, $0xb8;
	[tilespmem:$0x10200] =	vst v63  }
0x128: {  	v3 =	vld [tilespmem:$0x170];
	_ =	sdelay $0x4  }
0x129: {  	v47 =	vshll.u32 v3, $0x1  }
0x12a: {  	v3 =	vand.u32 $0x7, v3;
	v4 =	vand.u32 $0xFFFFFFF0, v47  }
0x12b: {  	v3 =	vor.u32 v3, v4  }
0x12c: {  	v4 =	vperm.xlane v3, v0;
	_ =	sdelay $0x1  }
0x12d: {  	v3 =	vperm.xlane v3, v2;
	v4 =	vadd.s32 v1, v4;
	_ =	sdelay $0x1  }
0x12e: {  	v3 =	vadd.s32 v1, v3;
	_ =	sdelay $0x1  }
0x12f: {  	s28 =	simm.s32 $0x7200  }
0x130: {  	[tilespmem:s28], [sflag:$0x2] =	stream.indirect_vreg.gather [hbm4b:s2+s3], $0x80, v4, vm0, $0xb8;
	[tilespmem:$0x10200] =	vst v63  }
0x131: {  	s20 =	simm.s32 $0x7A00  }
0x132: {  	[tilespmem:s20], [sflag:$0x2] =	stream.indirect_vreg.gather [hbm4b:s2+s3], $0x80, v3, vm0, $0xb8;
	[tilespmem:$0x10200] =	vst v63  }
0x133: {  	_ =	swait.ge [sflag:s1], $0x4000  }
0x134: {  	[sflag:s1] =	ssyncset.done $0x0  }
0x135: {  	s28 =	simm.s32 $0x8200;
	s25 =	rddreg [dreg:$0x7];
	[sflag:s1] =	ssyncadd.s32 $0xFFFFC000  }
0x136: {  	[hbm4b:s25+s3] =	stream.linear.scatter [tilespmem:s28], [sflag:$0x7], $0x4000, $0x38;
	[tilespmem:$0x10200] =	vst v63  }
0x137: {  	_ =	swait.ge [sflag:s17], $0x4000  }
0x138: {  	[sflag:s17] =	ssyncset.done $0x0  }
0x139: {  	[sflag:s17] =	ssyncadd.s32 $0xFFFFC000  }
0x13a: {  	v3 =	vld [tilespmem:$0x180];
	_ =	sdelay $0x4  }
0x13b: {  	v48 =	vshll.u32 v3, $0x1  }
0x13c: {  	v3 =	vand.u32 $0x7, v3;
	v4 =	vand.u32 $0xFFFFFFF0, v48  }
0x13d: {  	v3 =	vor.u32 v3, v4  }
0x13e: {  	v4 =	vperm.xlane v3, v0;
	_ =	sdelay $0x1  }
0x13f: {  	v3 =	vperm.xlane v3, v2;
	v4 =	vadd.s32 v1, v4;
	_ =	sdelay $0x1  }
0x140: {  	v3 =	vadd.s32 v1, v3;
	_ =	sdelay $0x2  }
0x141: {  	[tilespmem:s28], [sflag:$0x3] =	stream.indirect_vreg.gather [hbm4b:s2+s3], $0x80, v4, vm0, $0xb8;
	[tilespmem:$0x10200] =	vst v63  }
0x142: {  	s22 =	simm.s32 $0x8A00  }
0x143: {  	[tilespmem:s22], [sflag:$0x3] =	stream.indirect_vreg.gather [hbm4b:s2+s3], $0x80, v3, vm0, $0xb8;
	[tilespmem:$0x10200] =	vst v63  }
0x144: {  	v3 =	vld [tilespmem:$0x190];
	_ =	sdelay $0x4  }
0x145: {  	v49 =	vshll.u32 v3, $0x1  }
0x146: {  	v3 =	vand.u32 $0x7, v3;
	v4 =	vand.u32 $0xFFFFFFF0, v49  }
0x147: {  	v3 =	vor.u32 v3, v4  }
0x148: {  	v4 =	vperm.xlane v3, v0;
	_ =	sdelay $0x1  }
0x149: {  	v3 =	vperm.xlane v3, v2;
	v4 =	vadd.s32 v1, v4;
	_ =	sdelay $0x1  }
0x14a: {  	v3 =	vadd.s32 v1, v3;
	_ =	sdelay $0x1  }
0x14b: {  	s23 =	simm.s32 $0x9200  }
0x14c: {  	[tilespmem:s23], [sflag:$0x3] =	stream.indirect_vreg.gather [hbm4b:s2+s3], $0x80, v4, vm0, $0xb8;
	[tilespmem:$0x10200] =	vst v63  }
0x14d: {  	s24 =	simm.s32 $0x9A00  }
0x14e: {  	[tilespmem:s24], [sflag:$0x3] =	stream.indirect_vreg.gather [hbm4b:s2+s3], $0x80, v3, vm0, $0xb8;
	[tilespmem:$0x10200] =	vst v63  }
0x14f: {  	v3 =	vld [tilespmem:$0x1A0];
	_ =	sdelay $0x4  }
0x150: {  	v50 =	vshll.u32 v3, $0x1  }
0x151: {  	v3 =	vand.u32 $0x7, v3;
	v4 =	vand.u32 $0xFFFFFFF0, v50  }
0x152: {  	v3 =	vor.u32 v3, v4  }
0x153: {  	v4 =	vperm.xlane v3, v0;
	_ =	sdelay $0x1  }
0x154: {  	v3 =	vperm.xlane v3, v2;
	v4 =	vadd.s32 v1, v4;
	_ =	sdelay $0x1  }
0x155: {  	v3 =	vadd.s32 v1, v3;
	_ =	sdelay $0x1  }
0x156: {  	s23 =	simm.s32 $0xA200  }
0x157: {  	[tilespmem:s23], [sflag:$0x3] =	stream.indirect_vreg.gather [hbm4b:s2+s3], $0x80, v4, vm0, $0xb8;
	[tilespmem:$0x10200] =	vst v63  }
0x158: {  	s25 =	simm.s32 $0xAA00  }
0x159: {  	[tilespmem:s25], [sflag:$0x3] =	stream.indirect_vreg.gather [hbm4b:s2+s3], $0x80, v3, vm0, $0xb8;
	[tilespmem:$0x10200] =	vst v63  }
0x15a: {  	v3 =	vld [tilespmem:$0x1B0];
	_ =	sdelay $0x4  }
0x15b: {  	v51 =	vshll.u32 v3, $0x1  }
0x15c: {  	v3 =	vand.u32 $0x7, v3;
	v4 =	vand.u32 $0xFFFFFFF0, v51  }
0x15d: {  	v3 =	vor.u32 v3, v4  }
0x15e: {  	v4 =	vperm.xlane v3, v0;
	_ =	sdelay $0x1  }
0x15f: {  	v3 =	vperm.xlane v3, v2;
	v4 =	vadd.s32 v1, v4;
	_ =	sdelay $0x1  }
0x160: {  	v3 =	vadd.s32 v1, v3;
	_ =	sdelay $0x1  }
0x161: {  	s18 =	simm.s32 $0xB200  }
0x162: {  	[tilespmem:s18], [sflag:$0x3] =	stream.indirect_vreg.gather [hbm4b:s2+s3], $0x80, v4, vm0, $0xb8;
	[tilespmem:$0x10200] =	vst v63  }
0x163: {  	s28 =	simm.s32 $0xBA00  }
0x164: {  	[tilespmem:s28], [sflag:$0x3] =	stream.indirect_vreg.gather [hbm4b:s2+s3], $0x80, v3, vm0, $0xb8;
	[tilespmem:$0x10200] =	vst v63  }
0x165: {  	_ =	swait.ge [sflag:s6], $0x4000  }
0x166: {  	[sflag:s6] =	ssyncset.done $0x0  }
0x167: {  	s9 =	simm.s32 $0xC200;
	s4 =	rddreg [dreg:$0x8];
	[sflag:s6] =	ssyncadd.s32 $0xFFFFC000  }
0x168: {  	[hbm4b:s4+s3] =	stream.linear.scatter [tilespmem:s9], [sflag:$0x8], $0x4000, $0x38;
	[tilespmem:$0x10200] =	vst v63  }
0x169: {  	_ =	swait.ge [sflag:s7], $0x4000  }
0x16a: {  	[sflag:s7] =	ssyncset.done $0x0  }
0x16b: {  	[sflag:s7] =	ssyncadd.s32 $0xFFFFC000  }
0x16c: {  	v3 =	vld [tilespmem:$0x1C0];
	_ =	sdelay $0x4  }
0x16d: {  	v52 =	vshll.u32 v3, $0x1  }
0x16e: {  	v3 =	vand.u32 $0x7, v3;
	v4 =	vand.u32 $0xFFFFFFF0, v52  }
0x16f: {  	v3 =	vor.u32 v3, v4  }
0x170: {  	v4 =	vperm.xlane v3, v0;
	_ =	sdelay $0x1  }
0x171: {  	v3 =	vperm.xlane v3, v2;
	v4 =	vadd.s32 v1, v4;
	_ =	sdelay $0x1  }
0x172: {  	v3 =	vadd.s32 v1, v3;
	_ =	sdelay $0x2  }
0x173: {  	[tilespmem:s9], [sflag:$0x4] =	stream.indirect_vreg.gather [hbm4b:s2+s3], $0x80, v4, vm0, $0xb8;
	[tilespmem:$0x10200] =	vst v63  }
0x174: {  	s10 =	simm.s32 $0xCA00  }
0x175: {  	[tilespmem:s10], [sflag:$0x4] =	stream.indirect_vreg.gather [hbm4b:s2+s3], $0x80, v3, vm0, $0xb8;
	[tilespmem:$0x10200] =	vst v63  }
0x176: {  	v3 =	vld [tilespmem:$0x1D0];
	_ =	sdelay $0x4  }
0x177: {  	v53 =	vshll.u32 v3, $0x1  }
0x178: {  	v3 =	vand.u32 $0x7, v3;
	v4 =	vand.u32 $0xFFFFFFF0, v53  }
0x179: {  	v3 =	vor.u32 v3, v4  }
0x17a: {  	v4 =	vperm.xlane v3, v0;
	_ =	sdelay $0x1  }
0x17b: {  	v3 =	vperm.xlane v3, v2;
	v4 =	vadd.s32 v1, v4;
	_ =	sdelay $0x1  }
0x17c: {  	v3 =	vadd.s32 v1, v3;
	_ =	sdelay $0x1  }
0x17d: {  	s4 =	simm.s32 $0xD200  }
0x17e: {  	[tilespmem:s4], [sflag:$0x4] =	stream.indirect_vreg.gather [hbm4b:s2+s3], $0x80, v4, vm0, $0xb8;
	[tilespmem:$0x10200] =	vst v63  }
0x17f: {  	s11 =	simm.s32 $0xDA00  }
0x180: {  	[tilespmem:s11], [sflag:$0x4] =	stream.indirect_vreg.gather [hbm4b:s2+s3], $0x80, v3, vm0, $0xb8;
	[tilespmem:$0x10200] =	vst v63  }
0x181: {  	v3 =	vld [tilespmem:$0x1E0];
	_ =	sdelay $0x4  }
0x182: {  	v54 =	vshll.u32 v3, $0x1  }
0x183: {  	v3 =	vand.u32 $0x7, v3;
	v4 =	vand.u32 $0xFFFFFFF0, v54  }
0x184: {  	v3 =	vor.u32 v3, v4  }
0x185: {  	v4 =	vperm.xlane v3, v0;
	_ =	sdelay $0x1  }
0x186: {  	v3 =	vperm.xlane v3, v2;
	v4 =	vadd.s32 v1, v4;
	_ =	sdelay $0x1  }
0x187: {  	v3 =	vadd.s32 v1, v3;
	_ =	sdelay $0x1  }
0x188: {  	s21 =	simm.s32 $0xE200  }
0x189: {  	[tilespmem:s21], [sflag:$0x4] =	stream.indirect_vreg.gather [hbm4b:s2+s3], $0x80, v4, vm0, $0xb8;
	[tilespmem:$0x10200] =	vst v63  }
0x18a: {  	s20 =	simm.s32 $0xEA00  }
0x18b: {  	[tilespmem:s20], [sflag:$0x4] =	stream.indirect_vreg.gather [hbm4b:s2+s3], $0x80, v3, vm0, $0xb8;
	[tilespmem:$0x10200] =	vst v63  }
0x18c: {  	v3 =	vld [tilespmem:$0x1F0];
	_ =	sdelay $0x4  }
0x18d: {  	v55 =	vshll.u32 v3, $0x1  }
0x18e: {  	v3 =	vand.u32 $0x7, v3;
	v4 =	vand.u32 $0xFFFFFFF0, v55  }
0x18f: {  	v3 =	vor.u32 v3, v4  }
0x190: {  	v4 =	vperm.xlane v3, v0;
	_ =	sdelay $0x1  }
0x191: {  	v3 =	vperm.xlane v3, v2;
	v4 =	vadd.s32 v1, v4;
	_ =	sdelay $0x1  }
0x192: {  	v3 =	vadd.s32 v1, v3;
	_ =	sdelay $0x1  }
0x193: {  	s21 =	simm.s32 $0xF200  }
0x194: {  	[tilespmem:s21], [sflag:$0x4] =	stream.indirect_vreg.gather [hbm4b:s2+s3], $0x80, v4, vm0, $0xb8;
	[tilespmem:$0x10200] =	vst v63  }
0x195: {  	s22 =	simm.s32 $0xFA00  }
0x196: {  	[tilespmem:s22], [sflag:$0x4] =	stream.indirect_vreg.gather [hbm4b:s2+s3], $0x80, v3, vm0, $0xb8;
	[tilespmem:$0x10200] =	vst v63  }
0x197: {  	_ =	swait.ge [sflag:s29], $0x4000  }
0x198: {  	[sflag:s29] =	ssyncset.done $0x0  }
0x199: {  	s11 =	simm.s32 $0x200;
	s10 =	rddreg [dreg:$0x9];
	[sflag:s29] =	ssyncadd.s32 $0xFFFFC000  }
0x19a: {  	[hbm4b:s10+s3] =	stream.linear.scatter [tilespmem:s11], [sflag:$0x5], $0x4000, $0x38;
	[tilespmem:$0x10200] =	vst v63  }
0x19b: {  	_ =	swait.ge [sflag:s30], $0x4000  }
0x19c: {  	[sflag:s30] =	ssyncset.done $0x0  }
0x19d: {  	[sflag:s30] =	ssyncadd.s32 $0xFFFFC000  }
0x19e: {  	v3 =	vld [tilespmem:$0x0];
	_ =	sdelay $0x4  }
0x19f: {  	v56 =	vshll.u32 v3, $0x1  }
0x1a0: {  	v3 =	vand.u32 $0x7, v3;
	v4 =	vand.u32 $0xFFFFFFF0, v56  }
0x1a1: {  	v3 =	vor.u32 v3, v4  }
0x1a2: {  	v4 =	vperm.xlane v3, v0;
	_ =	sdelay $0x1  }
0x1a3: {  	v3 =	vperm.xlane v3, v2;
	v4 =	vadd.s32 v1, v4;
	_ =	sdelay $0x1  }
0x1a4: {  	v3 =	vadd.s32 v1, v3;
	_ =	sdelay $0x2  }
0x1a5: {  	[tilespmem:s11], [sflag:$0x1] =	stream.indirect_vreg.gather [hbm4b:s12+s3], $0x80, v4, vm0, $0xb8;
	[tilespmem:$0x10200] =	vst v63  }
0x1a6: {  	s10 =	simm.s32 $0xA00  }
0x1a7: {  	[tilespmem:s10], [sflag:$0x1] =	stream.indirect_vreg.gather [hbm4b:s12+s3], $0x80, v3, vm0, $0xb8;
	[tilespmem:$0x10200] =	vst v63  }
0x1a8: {  	v3 =	vld [tilespmem:$0x10];
	_ =	sdelay $0x4  }
0x1a9: {  	v57 =	vshll.u32 v3, $0x1  }
0x1aa: {  	v3 =	vand.u32 $0x7, v3;
	v4 =	vand.u32 $0xFFFFFFF0, v57  }
0x1ab: {  	v3 =	vor.u32 v3, v4  }
0x1ac: {  	v4 =	vperm.xlane v3, v0;
	_ =	sdelay $0x1  }
0x1ad: {  	v3 =	vperm.xlane v3, v2;
	v4 =	vadd.s32 v1, v4;
	_ =	sdelay $0x1  }
0x1ae: {  	v3 =	vadd.s32 v1, v3;
	_ =	sdelay $0x1  }
0x1af: {  	s15 =	simm.s32 $0x1200  }
0x1b0: {  	[tilespmem:s15], [sflag:$0x1] =	stream.indirect_vreg.gather [hbm4b:s12+s3], $0x80, v4, vm0, $0xb8;
	[tilespmem:$0x10200] =	vst v63  }
0x1b1: {  	s11 =	simm.s32 $0x1A00  }
0x1b2: {  	[tilespmem:s11], [sflag:$0x1] =	stream.indirect_vreg.gather [hbm4b:s12+s3], $0x80, v3, vm0, $0xb8;
	[tilespmem:$0x10200] =	vst v63  }
0x1b3: {  	v3 =	vld [tilespmem:$0x20];
	_ =	sdelay $0x4  }
0x1b4: {  	v58 =	vshll.u32 v3, $0x1  }
0x1b5: {  	v3 =	vand.u32 $0x7, v3;
	v4 =	vand.u32 $0xFFFFFFF0, v58  }
0x1b6: {  	v3 =	vor.u32 v3, v4  }
0x1b7: {  	v4 =	vperm.xlane v3, v0;
	_ =	sdelay $0x1  }
0x1b8: {  	v3 =	vperm.xlane v3, v2;
	v4 =	vadd.s32 v1, v4;
	_ =	sdelay $0x1  }
0x1b9: {  	v3 =	vadd.s32 v1, v3;
	_ =	sdelay $0x1  }
0x1ba: {  	s16 =	simm.s32 $0x2200  }
0x1bb: {  	[tilespmem:s16], [sflag:$0x1] =	stream.indirect_vreg.gather [hbm4b:s12+s3], $0x80, v4, vm0, $0xb8;
	[tilespmem:$0x10200] =	vst v63  }
0x1bc: {  	s20 =	simm.s32 $0x2A00  }
0x1bd: {  	[tilespmem:s20], [sflag:$0x1] =	stream.indirect_vreg.gather [hbm4b:s12+s3], $0x80, v3, vm0, $0xb8;
	[tilespmem:$0x10200] =	vst v63  }
0x1be: {  	v3 =	vld [tilespmem:$0x30];
	_ =	sdelay $0x4  }
0x1bf: {  	v59 =	vshll.u32 v3, $0x1  }
0x1c0: {  	v3 =	vand.u32 $0x7, v3;
	v4 =	vand.u32 $0xFFFFFFF0, v59  }
0x1c1: {  	v3 =	vor.u32 v3, v4  }
0x1c2: {  	v4 =	vperm.xlane v3, v0;
	_ =	sdelay $0x1  }
0x1c3: {  	v3 =	vperm.xlane v3, v2;
	v4 =	vadd.s32 v1, v4;
	_ =	sdelay $0x1  }
0x1c4: {  	v3 =	vadd.s32 v1, v3;
	_ =	sdelay $0x1  }
0x1c5: {  	s19 =	simm.s32 $0x3200  }
0x1c6: {  	[tilespmem:s19], [sflag:$0x1] =	stream.indirect_vreg.gather [hbm4b:s12+s3], $0x80, v4, vm0, $0xb8;
	[tilespmem:$0x10200] =	vst v63  }
0x1c7: {  	s22 =	simm.s32 $0x3A00  }
0x1c8: {  	[tilespmem:s22], [sflag:$0x1] =	stream.indirect_vreg.gather [hbm4b:s12+s3], $0x80, v3, vm0, $0xb8;
	[tilespmem:$0x10200] =	vst v63  }
0x1c9: {  	_ =	swait.ge [sflag:s31], $0x4000  }
0x1ca: {  	[sflag:s31] =	ssyncset.done $0x0  }
0x1cb: {  	s21 =	simm.s32 $0x4200;
	s19 =	rddreg [dreg:$0xa];
	[sflag:s31] =	ssyncadd.s32 $0xFFFFC000  }
0x1cc: {  	[hbm4b:s19+s3] =	stream.linear.scatter [tilespmem:s21], [sflag:$0x6], $0x4000, $0x38;
	[tilespmem:$0x10200] =	vst v63  }
0x1cd: {  	_ =	swait.ge [sflag:s0], $0x4000  }
0x1ce: {  	[sflag:s0] =	ssyncset.done $0x0  }
0x1cf: {  	[sflag:s0] =	ssyncadd.s32 $0xFFFFC000  }
0x1d0: {  	v3 =	vld [tilespmem:$0x40];
	_ =	sdelay $0x4  }
0x1d1: {  	v60 =	vshll.u32 v3, $0x1  }
0x1d2: {  	v3 =	vand.u32 $0x7, v3;
	v4 =	vand.u32 $0xFFFFFFF0, v60  }
0x1d3: {  	v3 =	vor.u32 v3, v4  }
0x1d4: {  	v4 =	vperm.xlane v3, v0;
	_ =	sdelay $0x1  }
0x1d5: {  	v3 =	vperm.xlane v3, v2;
	v4 =	vadd.s32 v1, v4;
	_ =	sdelay $0x1  }
0x1d6: {  	v3 =	vadd.s32 v1, v3;
	_ =	sdelay $0x2  }
0x1d7: {  	[tilespmem:s21], [sflag:$0x2] =	stream.indirect_vreg.gather [hbm4b:s12+s3], $0x80, v4, vm0, $0xb8;
	[tilespmem:$0x10200] =	vst v63  }
0x1d8: {  	_ = 	snop  }
0x1d9: {  	[tilespmem:s26], [sflag:$0x2] =	stream.indirect_vreg.gather [hbm4b:s12+s3], $0x80, v3, vm0, $0xb8;
	[tilespmem:$0x10200] =	vst v63  }
0x1da: {  	v3 =	vld [tilespmem:$0x50];
	_ =	sdelay $0x4  }
0x1db: {  	v61 =	vshll.u32 v3, $0x1  }
0x1dc: {  	v3 =	vand.u32 $0x7, v3;
	v4 =	vand.u32 $0xFFFFFFF0, v61  }
0x1dd: {  	v3 =	vor.u32 v3, v4  }
0x1de: {  	v4 =	vperm.xlane v3, v0;
	_ =	sdelay $0x1  }
0x1df: {  	v3 =	vperm.xlane v3, v2;
	v4 =	vadd.s32 v1, v4;
	_ =	sdelay $0x1  }
0x1e0: {  	v3 =	vadd.s32 v1, v3;
	_ =	sdelay $0x1  }
0x1e1: {  	s19 =	simm.s32 $0x5200  }
0x1e2: {  	[tilespmem:s19], [sflag:$0x2] =	stream.indirect_vreg.gather [hbm4b:s12+s3], $0x80, v4, vm0, $0xb8;
	[tilespmem:$0x10200] =	vst v63  }
0x1e3: {  	_ = 	snop  }
0x1e4: {  	[tilespmem:s13], [sflag:$0x2] =	stream.indirect_vreg.gather [hbm4b:s12+s3], $0x80, v3, vm0, $0xb8;
	[tilespmem:$0x10200] =	vst v63  }
0x1e5: {  	v3 =	vld [tilespmem:$0x60];
	_ =	sdelay $0x4  }
0x1e6: {  	v62 =	vshll.u32 v3, $0x1  }
0x1e7: {  	v3 =	vand.u32 $0x7, v3;
	v4 =	vand.u32 $0xFFFFFFF0, v62  }
0x1e8: {  	v3 =	vor.u32 v3, v4  }
0x1e9: {  	v4 =	vperm.xlane v3, v0;
	_ =	sdelay $0x1  }
0x1ea: {  	v3 =	vperm.xlane v3, v2;
	v4 =	vadd.s32 v1, v4;
	_ =	sdelay $0x1  }
0x1eb: {  	v3 =	vadd.s32 v1, v3;
	_ =	sdelay $0x1  }
0x1ec: {  	s21 =	simm.s32 $0x6200  }
0x1ed: {  	[tilespmem:s21], [sflag:$0x2] =	stream.indirect_vreg.gather [hbm4b:s12+s3], $0x80, v4, vm0, $0xb8;
	[tilespmem:$0x10200] =	vst v63  }
0x1ee: {  	_ = 	snop  }
0x1ef: {  	[tilespmem:s5], [sflag:$0x2] =	stream.indirect_vreg.gather [hbm4b:s12+s3], $0x80, v3, vm0, $0xb8;
	[tilespmem:$0x10200] =	vst v63  }
0x1f0: {  	v3 =	vld [tilespmem:$0x70];
	_ =	sdelay $0x4  }
0x1f1: {  	v63 =	vshll.u32 v3, $0x1  }
0x1f2: {  	v3 =	vand.u32 $0x7, v3;
	v4 =	vand.u32 $0xFFFFFFF0, v63  }
0x1f3: {  	v3 =	vor.u32 v3, v4  }
0x1f4: {  	v4 =	vperm.xlane v3, v0;
	_ =	sdelay $0x1  }
0x1f5: {  	v3 =	vperm.xlane v3, v2;
	v4 =	vadd.s32 v1, v4;
	_ =	sdelay $0x1  }
0x1f6: {  	v3 =	vadd.s32 v1, v3;
	_ =	sdelay $0x1  }
0x1f7: {  	s16 =	simm.s32 $0x7200  }
0x1f8: {  	[tilespmem:s16], [sflag:$0x2] =	stream.indirect_vreg.gather [hbm4b:s12+s3], $0x80, v4, vm0, $0xb8;
	[tilespmem:$0x10200] =	vst v63  }
0x1f9: {  	s26 =	simm.s32 $0x7A00  }
0x1fa: {  	[tilespmem:s26], [sflag:$0x2] =	stream.indirect_vreg.gather [hbm4b:s12+s3], $0x80, v3, vm0, $0xb8;
	[tilespmem:$0x10200] =	vst v63  }
0x1fb: {  	_ =	swait.ge [sflag:s1], $0x4000  }
0x1fc: {  	[sflag:s1] =	ssyncset.done $0x0  }
0x1fd: {  	s5 =	simm.s32 $0x8200;
	s15 =	rddreg [dreg:$0xb];
	[sflag:s1] =	ssyncadd.s32 $0xFFFFC000  }
0x1fe: {  	[hbm4b:s15+s3] =	stream.linear.scatter [tilespmem:s5], [sflag:$0x7], $0x4000, $0x38;
	[tilespmem:$0x10200] =	vst v63  }
0x1ff: {  	_ =	swait.ge [sflag:s17], $0x4000  }
0x200: {  	[sflag:s17] =	ssyncset.done $0x0  }
0x201: {  	[sflag:s17] =	ssyncadd.s32 $0xFFFFC000  }
0x202: {  	v3 =	vld [tilespmem:$0x80];
	_ =	sdelay $0x4  }
0x203: {  	v8 =	vshll.u32 v3, $0x1  }
0x204: {  	v3 =	vand.u32 $0x7, v3;
	v4 =	vand.u32 $0xFFFFFFF0, v8  }
0x205: {  	v3 =	vor.u32 v3, v4  }
0x206: {  	v4 =	vperm.xlane v3, v0;
	_ =	sdelay $0x1  }
0x207: {  	v3 =	vperm.xlane v3, v2;
	v4 =	vadd.s32 v1, v4;
	_ =	sdelay $0x1  }
0x208: {  	v3 =	vadd.s32 v1, v3;
	_ =	sdelay $0x2  }
0x209: {  	[tilespmem:s5], [sflag:$0x3] =	stream.indirect_vreg.gather [hbm4b:s12+s3], $0x80, v4, vm0, $0xb8;
	[tilespmem:$0x10200] =	vst v63  }
0x20a: {  	s8 =	simm.s32 $0x8A00  }
0x20b: {  	[tilespmem:s8], [sflag:$0x3] =	stream.indirect_vreg.gather [hbm4b:s12+s3], $0x80, v3, vm0, $0xb8;
	[tilespmem:$0x10200] =	vst v63  }
0x20c: {  	v3 =	vld [tilespmem:$0x90];
	_ =	sdelay $0x4  }
0x20d: {  	v9 =	vshll.u32 v3, $0x1  }
0x20e: {  	v3 =	vand.u32 $0x7, v3;
	v4 =	vand.u32 $0xFFFFFFF0, v9  }
0x20f: {  	v3 =	vor.u32 v3, v4  }
0x210: {  	v4 =	vperm.xlane v3, v0;
	_ =	sdelay $0x1  }
0x211: {  	v3 =	vperm.xlane v3, v2;
	v4 =	vadd.s32 v1, v4;
	_ =	sdelay $0x1  }
0x212: {  	v3 =	vadd.s32 v1, v3;
	_ =	sdelay $0x1  }
0x213: {  	s13 =	simm.s32 $0x9200  }
0x214: {  	[tilespmem:s13], [sflag:$0x3] =	stream.indirect_vreg.gather [hbm4b:s12+s3], $0x80, v4, vm0, $0xb8;
	[tilespmem:$0x10200] =	vst v63  }
0x215: {  	_ = 	snop  }
0x216: {  	[tilespmem:s24], [sflag:$0x3] =	stream.indirect_vreg.gather [hbm4b:s12+s3], $0x80, v3, vm0, $0xb8;
	[tilespmem:$0x10200] =	vst v63  }
0x217: {  	v3 =	vld [tilespmem:$0xA0];
	_ =	sdelay $0x4  }
0x218: {  	v10 =	vshll.u32 v3, $0x1  }
0x219: {  	v3 =	vand.u32 $0x7, v3;
	v4 =	vand.u32 $0xFFFFFFF0, v10  }
0x21a: {  	v3 =	vor.u32 v3, v4  }
0x21b: {  	v4 =	vperm.xlane v3, v0;
	_ =	sdelay $0x1  }
0x21c: {  	v3 =	vperm.xlane v3, v2;
	v4 =	vadd.s32 v1, v4;
	_ =	sdelay $0x1  }
0x21d: {  	v3 =	vadd.s32 v1, v3;
	_ =	sdelay $0x2  }
0x21e: {  	[tilespmem:s23], [sflag:$0x3] =	stream.indirect_vreg.gather [hbm4b:s12+s3], $0x80, v4, vm0, $0xb8;
	[tilespmem:$0x10200] =	vst v63  }
0x21f: {  	_ = 	snop  }
0x220: {  	[tilespmem:s25], [sflag:$0x3] =	stream.indirect_vreg.gather [hbm4b:s12+s3], $0x80, v3, vm0, $0xb8;
	[tilespmem:$0x10200] =	vst v63  }
0x221: {  	v3 =	vld [tilespmem:$0xB0];
	_ =	sdelay $0x4  }
0x222: {  	v11 =	vshll.u32 v3, $0x1  }
0x223: {  	v3 =	vand.u32 $0x7, v3;
	v4 =	vand.u32 $0xFFFFFFF0, v11  }
0x224: {  	v3 =	vor.u32 v3, v4  }
0x225: {  	v4 =	vperm.xlane v3, v0;
	_ =	sdelay $0x1  }
0x226: {  	v3 =	vperm.xlane v3, v2;
	v4 =	vadd.s32 v1, v4;
	_ =	sdelay $0x1  }
0x227: {  	v3 =	vadd.s32 v1, v3;
	_ =	sdelay $0x2  }
0x228: {  	[tilespmem:s18], [sflag:$0x3] =	stream.indirect_vreg.gather [hbm4b:s12+s3], $0x80, v4, vm0, $0xb8;
	[tilespmem:$0x10200] =	vst v63  }
0x229: {  	_ = 	snop  }
0x22a: {  	[tilespmem:s28], [sflag:$0x3] =	stream.indirect_vreg.gather [hbm4b:s12+s3], $0x80, v3, vm0, $0xb8;
	[tilespmem:$0x10200] =	vst v63  }
0x22b: {  	_ =	swait.ge [sflag:s6], $0x4000  }
0x22c: {  	[sflag:s6] =	ssyncset.done $0x0  }
0x22d: {  	s18 =	simm.s32 $0xC200;
	s15 =	rddreg [dreg:$0xc];
	[sflag:s6] =	ssyncadd.s32 $0xFFFFC000  }
0x22e: {  	[hbm4b:s15+s3] =	stream.linear.scatter [tilespmem:s18], [sflag:$0x8], $0x4000, $0x38;
	[tilespmem:$0x10200] =	vst v63  }
0x22f: {  	_ =	swait.ge [sflag:s7], $0x4000  }
0x230: {  	[sflag:s7] =	ssyncset.done $0x0  }
0x231: {  	[sflag:s7] =	ssyncadd.s32 $0xFFFFC000  }
0x232: {  	v3 =	vld [tilespmem:$0xC0];
	_ =	sdelay $0x4  }
0x233: {  	v12 =	vshll.u32 v3, $0x1  }
0x234: {  	v3 =	vand.u32 $0x7, v3;
	v4 =	vand.u32 $0xFFFFFFF0, v12  }
0x235: {  	v3 =	vor.u32 v3, v4  }
0x236: {  	v4 =	vperm.xlane v3, v0;
	_ =	sdelay $0x1  }
0x237: {  	v3 =	vperm.xlane v3, v2;
	v4 =	vadd.s32 v1, v4;
	_ =	sdelay $0x1  }
0x238: {  	v3 =	vadd.s32 v1, v3;
	_ =	sdelay $0x2  }
0x239: {  	[tilespmem:s18], [sflag:$0x4] =	stream.indirect_vreg.gather [hbm4b:s12+s3], $0x80, v4, vm0, $0xb8;
	[tilespmem:$0x10200] =	vst v63  }
0x23a: {  	s23 =	simm.s32 $0xCA00  }
0x23b: {  	[tilespmem:s23], [sflag:$0x4] =	stream.indirect_vreg.gather [hbm4b:s12+s3], $0x80, v3, vm0, $0xb8;
	[tilespmem:$0x10200] =	vst v63  }
0x23c: {  	v3 =	vld [tilespmem:$0xD0];
	_ =	sdelay $0x4  }
0x23d: {  	v13 =	vshll.u32 v3, $0x1  }
0x23e: {  	v3 =	vand.u32 $0x7, v3;
	v4 =	vand.u32 $0xFFFFFFF0, v13  }
0x23f: {  	v3 =	vor.u32 v3, v4  }
0x240: {  	v4 =	vperm.xlane v3, v0;
	_ =	sdelay $0x1  }
0x241: {  	v3 =	vperm.xlane v3, v2;
	v4 =	vadd.s32 v1, v4;
	_ =	sdelay $0x1  }
0x242: {  	v3 =	vadd.s32 v1, v3;
	_ =	sdelay $0x2  }
0x243: {  	[tilespmem:s4], [sflag:$0x4] =	stream.indirect_vreg.gather [hbm4b:s12+s3], $0x80, v4, vm0, $0xb8;
	[tilespmem:$0x10200] =	vst v63  }
0x244: {  	s8 =	simm.s32 $0xDA00  }
0x245: {  	[tilespmem:s8], [sflag:$0x4] =	stream.indirect_vreg.gather [hbm4b:s12+s3], $0x80, v3, vm0, $0xb8;
	[tilespmem:$0x10200] =	vst v63  }
0x246: {  	v3 =	vld [tilespmem:$0xE0];
	_ =	sdelay $0x4  }
0x247: {  	v14 =	vshll.u32 v3, $0x1  }
0x248: {  	v3 =	vand.u32 $0x7, v3;
	v4 =	vand.u32 $0xFFFFFFF0, v14  }
0x249: {  	v3 =	vor.u32 v3, v4  }
0x24a: {  	v4 =	vperm.xlane v3, v0;
	_ =	sdelay $0x1  }
0x24b: {  	v3 =	vperm.xlane v3, v2;
	v4 =	vadd.s32 v1, v4;
	_ =	sdelay $0x1  }
0x24c: {  	v3 =	vadd.s32 v1, v3;
	_ =	sdelay $0x1  }
0x24d: {  	s9 =	simm.s32 $0xE200  }
0x24e: {  	[tilespmem:s9], [sflag:$0x4] =	stream.indirect_vreg.gather [hbm4b:s12+s3], $0x80, v4, vm0, $0xb8;
	[tilespmem:$0x10200] =	vst v63  }
0x24f: {  	s9 =	simm.s32 $0xEA00  }
0x250: {  	[tilespmem:s9], [sflag:$0x4] =	stream.indirect_vreg.gather [hbm4b:s12+s3], $0x80, v3, vm0, $0xb8;
	[tilespmem:$0x10200] =	vst v63  }
0x251: {  	v3 =	vld [tilespmem:$0xF0];
	_ =	sdelay $0x4  }
0x252: {  	v15 =	vshll.u32 v3, $0x1  }
0x253: {  	v3 =	vand.u32 $0x7, v3;
	v4 =	vand.u32 $0xFFFFFFF0, v15  }
0x254: {  	v3 =	vor.u32 v3, v4  }
0x255: {  	v4 =	vperm.xlane v3, v0;
	_ =	sdelay $0x1  }
0x256: {  	v3 =	vperm.xlane v3, v2;
	v4 =	vadd.s32 v1, v4;
	_ =	sdelay $0x1  }
0x257: {  	v3 =	vadd.s32 v1, v3;
	_ =	sdelay $0x1  }
0x258: {  	s13 =	simm.s32 $0xF200  }
0x259: {  	[tilespmem:s13], [sflag:$0x4] =	stream.indirect_vreg.gather [hbm4b:s12+s3], $0x80, v4, vm0, $0xb8;
	[tilespmem:$0x10200] =	vst v63  }
0x25a: {  	s15 =	simm.s32 $0xFA00  }
0x25b: {  	[tilespmem:s15], [sflag:$0x4] =	stream.indirect_vreg.gather [hbm4b:s12+s3], $0x80, v3, vm0, $0xb8;
	[tilespmem:$0x10200] =	vst v63  }
0x25c: {  	_ =	swait.ge [sflag:s29], $0x4000  }
0x25d: {  	s9 =	rddreg [dreg:$0xd]  }
0x25e: {  	[sflag:s29] =	ssyncset.done $0x0;
	s15 =	rddreg [dreg:$0x16]  }
0x25f: {  	s5 =	simm.s32 $0x200;
	[sflag:s29] =	ssyncadd.s32 $0xFFFFC000;
	s4 =	sadd.s32 s9, s15  }
0x260: {  	[hbm4b:s4+s3] =	stream.linear.scatter [tilespmem:s5], [sflag:$0x5], $0x4000, $0x38;
	[tilespmem:$0x10200] =	vst v63  }
0x261: {  	_ =	swait.ge [sflag:s30], $0x4000  }
0x262: {  	[sflag:s30] =	ssyncset.done $0x0  }
0x263: {  	[sflag:s30] =	ssyncadd.s32 $0xFFFFC000  }
0x264: {  	v3 =	vld [tilespmem:$0x100];
	_ =	sdelay $0x4  }
0x265: {  	v16 =	vshll.u32 v3, $0x1  }
0x266: {  	v3 =	vand.u32 $0x7, v3;
	v4 =	vand.u32 $0xFFFFFFF0, v16  }
0x267: {  	v3 =	vor.u32 v3, v4  }
0x268: {  	v4 =	vperm.xlane v3, v0;
	_ =	sdelay $0x1  }
0x269: {  	v3 =	vperm.xlane v3, v2;
	v4 =	vadd.s32 v1, v4;
	_ =	sdelay $0x1  }
0x26a: {  	v3 =	vadd.s32 v1, v3;
	_ =	sdelay $0x2  }
0x26b: {  	[tilespmem:s5], [sflag:$0x1] =	stream.indirect_vreg.gather [hbm4b:s12+s3], $0x80, v4, vm0, $0xb8;
	[tilespmem:$0x10200] =	vst v63  }
0x26c: {  	_ = 	snop  }
0x26d: {  	[tilespmem:s10], [sflag:$0x1] =	stream.indirect_vreg.gather [hbm4b:s12+s3], $0x80, v3, vm0, $0xb8;
	[tilespmem:$0x10200] =	vst v63  }
0x26e: {  	v3 =	vld [tilespmem:$0x110];
	_ =	sdelay $0x4  }
0x26f: {  	v17 =	vshll.u32 v3, $0x1  }
0x270: {  	v3 =	vand.u32 $0x7, v3;
	v4 =	vand.u32 $0xFFFFFFF0, v17  }
0x271: {  	v3 =	vor.u32 v3, v4  }
0x272: {  	v4 =	vperm.xlane v3, v0;
	_ =	sdelay $0x1  }
0x273: {  	v3 =	vperm.xlane v3, v2;
	v4 =	vadd.s32 v1, v4;
	_ =	sdelay $0x1  }
0x274: {  	v3 =	vadd.s32 v1, v3;
	_ =	sdelay $0x1  }
0x275: {  	s8 =	simm.s32 $0x1200  }
0x276: {  	[tilespmem:s8], [sflag:$0x1] =	stream.indirect_vreg.gather [hbm4b:s12+s3], $0x80, v4, vm0, $0xb8;
	[tilespmem:$0x10200] =	vst v63  }
0x277: {  	_ = 	snop  }
0x278: {  	[tilespmem:s11], [sflag:$0x1] =	stream.indirect_vreg.gather [hbm4b:s12+s3], $0x80, v3, vm0, $0xb8;
	[tilespmem:$0x10200] =	vst v63  }
0x279: {  	v3 =	vld [tilespmem:$0x120];
	_ =	sdelay $0x4  }
0x27a: {  	v18 =	vshll.u32 v3, $0x1  }
0x27b: {  	v3 =	vand.u32 $0x7, v3;
	v4 =	vand.u32 $0xFFFFFFF0, v18  }
0x27c: {  	v3 =	vor.u32 v3, v4  }
0x27d: {  	v4 =	vperm.xlane v3, v0;
	_ =	sdelay $0x1  }
0x27e: {  	v3 =	vperm.xlane v3, v2;
	v4 =	vadd.s32 v1, v4;
	_ =	sdelay $0x1  }
0x27f: {  	v3 =	vadd.s32 v1, v3;
	_ =	sdelay $0x1  }
0x280: {  	s10 =	simm.s32 $0x2200  }
0x281: {  	[tilespmem:s10], [sflag:$0x1] =	stream.indirect_vreg.gather [hbm4b:s12+s3], $0x80, v4, vm0, $0xb8;
	[tilespmem:$0x10200] =	vst v63  }
0x282: {  	_ = 	snop  }
0x283: {  	[tilespmem:s20], [sflag:$0x1] =	stream.indirect_vreg.gather [hbm4b:s12+s3], $0x80, v3, vm0, $0xb8;
	[tilespmem:$0x10200] =	vst v63  }
0x284: {  	v3 =	vld [tilespmem:$0x130];
	_ =	sdelay $0x4  }
0x285: {  	v19 =	vshll.u32 v3, $0x1  }
0x286: {  	v3 =	vand.u32 $0x7, v3;
	v4 =	vand.u32 $0xFFFFFFF0, v19  }
0x287: {  	v3 =	vor.u32 v3, v4  }
0x288: {  	v4 =	vperm.xlane v3, v0;
	_ =	sdelay $0x1  }
0x289: {  	v3 =	vperm.xlane v3, v2;
	v4 =	vadd.s32 v1, v4;
	_ =	sdelay $0x1  }
0x28a: {  	v3 =	vadd.s32 v1, v3;
	_ =	sdelay $0x1  }
0x28b: {  	s11 =	simm.s32 $0x3200  }
0x28c: {  	[tilespmem:s11], [sflag:$0x1] =	stream.indirect_vreg.gather [hbm4b:s12+s3], $0x80, v4, vm0, $0xb8;
	[tilespmem:$0x10200] =	vst v63  }
0x28d: {  	_ = 	snop  }
0x28e: {  	[tilespmem:s22], [sflag:$0x1] =	stream.indirect_vreg.gather [hbm4b:s12+s3], $0x80, v3, vm0, $0xb8;
	[tilespmem:$0x10200] =	vst v63  }
0x28f: {  	_ =	swait.ge [sflag:s31], $0x4000  }
0x290: {  	[sflag:s31] =	ssyncset.done $0x0;
	s10 =	rddreg [dreg:$0xe]  }
0x291: {  	s20 =	simm.s32 $0x4200;
	[sflag:s31] =	ssyncadd.s32 $0xFFFFC000;
	s13 =	sadd.s32 s10, s15  }
0x292: {  	[hbm4b:s13+s3] =	stream.linear.scatter [tilespmem:s20], [sflag:$0x6], $0x4000, $0x38;
	[tilespmem:$0x10200] =	vst v63  }
0x293: {  	_ =	swait.ge [sflag:s0], $0x4000  }
0x294: {  	[sflag:s0] =	ssyncset.done $0x0  }
0x295: {  	[sflag:s0] =	ssyncadd.s32 $0xFFFFC000  }
0x296: {  	v3 =	vld [tilespmem:$0x140];
	_ =	sdelay $0x4  }
0x297: {  	v20 =	vshll.u32 v3, $0x1  }
0x298: {  	v3 =	vand.u32 $0x7, v3;
	v4 =	vand.u32 $0xFFFFFFF0, v20  }
0x299: {  	v3 =	vor.u32 v3, v4  }
0x29a: {  	v4 =	vperm.xlane v3, v0;
	_ =	sdelay $0x1  }
0x29b: {  	v3 =	vperm.xlane v3, v2;
	v4 =	vadd.s32 v1, v4;
	_ =	sdelay $0x1  }
0x29c: {  	v3 =	vadd.s32 v1, v3;
	_ =	sdelay $0x2  }
0x29d: {  	[tilespmem:s20], [sflag:$0x2] =	stream.indirect_vreg.gather [hbm4b:s12+s3], $0x80, v4, vm0, $0xb8;
	[tilespmem:$0x10200] =	vst v63  }
0x29e: {  	s11 =	simm.s32 $0x4A00  }
0x29f: {  	[tilespmem:s11], [sflag:$0x2] =	stream.indirect_vreg.gather [hbm4b:s12+s3], $0x80, v3, vm0, $0xb8;
	[tilespmem:$0x10200] =	vst v63  }
0x2a0: {  	v3 =	vld [tilespmem:$0x150];
	_ =	sdelay $0x4  }
0x2a1: {  	v21 =	vshll.u32 v3, $0x1  }
0x2a2: {  	v3 =	vand.u32 $0x7, v3;
	v4 =	vand.u32 $0xFFFFFFF0, v21  }
0x2a3: {  	v3 =	vor.u32 v3, v4  }
0x2a4: {  	v4 =	vperm.xlane v3, v0;
	_ =	sdelay $0x1  }
0x2a5: {  	v3 =	vperm.xlane v3, v2;
	v4 =	vadd.s32 v1, v4;
	_ =	sdelay $0x1  }
0x2a6: {  	v3 =	vadd.s32 v1, v3;
	_ =	sdelay $0x2  }
0x2a7: {  	[tilespmem:s19], [sflag:$0x2] =	stream.indirect_vreg.gather [hbm4b:s12+s3], $0x80, v4, vm0, $0xb8;
	[tilespmem:$0x10200] =	vst v63  }
0x2a8: {  	s19 =	simm.s32 $0x5A00  }
0x2a9: {  	[tilespmem:s19], [sflag:$0x2] =	stream.indirect_vreg.gather [hbm4b:s12+s3], $0x80, v3, vm0, $0xb8;
	[tilespmem:$0x10200] =	vst v63  }
0x2aa: {  	v3 =	vld [tilespmem:$0x160];
	_ =	sdelay $0x4  }
0x2ab: {  	v22 =	vshll.u32 v3, $0x1  }
0x2ac: {  	v3 =	vand.u32 $0x7, v3;
	v4 =	vand.u32 $0xFFFFFFF0, v22  }
0x2ad: {  	v3 =	vor.u32 v3, v4  }
0x2ae: {  	v4 =	vperm.xlane v3, v0;
	_ =	sdelay $0x1  }
0x2af: {  	v3 =	vperm.xlane v3, v2;
	v4 =	vadd.s32 v1, v4;
	_ =	sdelay $0x1  }
0x2b0: {  	v3 =	vadd.s32 v1, v3;
	_ =	sdelay $0x2  }
0x2b1: {  	[tilespmem:s21], [sflag:$0x2] =	stream.indirect_vreg.gather [hbm4b:s12+s3], $0x80, v4, vm0, $0xb8;
	[tilespmem:$0x10200] =	vst v63  }
0x2b2: {  	s20 =	simm.s32 $0x6A00  }
0x2b3: {  	[tilespmem:s20], [sflag:$0x2] =	stream.indirect_vreg.gather [hbm4b:s12+s3], $0x80, v3, vm0, $0xb8;
	[tilespmem:$0x10200] =	vst v63  }
0x2b4: {  	v3 =	vld [tilespmem:$0x170];
	_ =	sdelay $0x4  }
0x2b5: {  	v23 =	vshll.u32 v3, $0x1  }
0x2b6: {  	v3 =	vand.u32 $0x7, v3;
	v4 =	vand.u32 $0xFFFFFFF0, v23  }
0x2b7: {  	v3 =	vor.u32 v3, v4  }
0x2b8: {  	v4 =	vperm.xlane v3, v0;
	_ =	sdelay $0x1  }
0x2b9: {  	v3 =	vperm.xlane v3, v2;
	v4 =	vadd.s32 v1, v4;
	_ =	sdelay $0x1  }
0x2ba: {  	v3 =	vadd.s32 v1, v3;
	_ =	sdelay $0x2  }
0x2bb: {  	[tilespmem:s16], [sflag:$0x2] =	stream.indirect_vreg.gather [hbm4b:s12+s3], $0x80, v4, vm0, $0xb8;
	[tilespmem:$0x10200] =	vst v63  }
0x2bc: {  	_ = 	snop  }
0x2bd: {  	[tilespmem:s26], [sflag:$0x2] =	stream.indirect_vreg.gather [hbm4b:s12+s3], $0x80, v3, vm0, $0xb8;
	[tilespmem:$0x10200] =	vst v63  }
0x2be: {  	_ =	swait.ge [sflag:s1], $0x4000  }
0x2bf: {  	[sflag:s1] =	ssyncset.done $0x0;
	s11 =	rddreg [dreg:$0xf]  }
0x2c0: {  	s26 =	simm.s32 $0x8200;
	[sflag:s1] =	ssyncadd.s32 $0xFFFFC000;
	s21 =	sadd.s32 s11, s15  }
0x2c1: {  	[hbm4b:s21+s3] =	stream.linear.scatter [tilespmem:s26], [sflag:$0x7], $0x4000, $0x38;
	[tilespmem:$0x10200] =	vst v63  }
0x2c2: {  	_ =	swait.ge [sflag:s17], $0x4000  }
0x2c3: {  	[sflag:s17] =	ssyncset.done $0x0  }
0x2c4: {  	[sflag:s17] =	ssyncadd.s32 $0xFFFFC000  }
0x2c5: {  	v3 =	vld [tilespmem:$0x180];
	_ =	sdelay $0x4  }
0x2c6: {  	v24 =	vshll.u32 v3, $0x1  }
0x2c7: {  	v3 =	vand.u32 $0x7, v3;
	v4 =	vand.u32 $0xFFFFFFF0, v24  }
0x2c8: {  	v3 =	vor.u32 v3, v4  }
0x2c9: {  	v4 =	vperm.xlane v3, v0;
	_ =	sdelay $0x1  }
0x2ca: {  	v3 =	vperm.xlane v3, v2;
	v4 =	vadd.s32 v1, v4;
	_ =	sdelay $0x1  }
0x2cb: {  	v3 =	vadd.s32 v1, v3;
	_ =	sdelay $0x2  }
0x2cc: {  	[tilespmem:s26], [sflag:$0x3] =	stream.indirect_vreg.gather [hbm4b:s12+s3], $0x80, v4, vm0, $0xb8;
	[tilespmem:$0x10200] =	vst v63  }
0x2cd: {  	s8 =	simm.s32 $0x8A00  }
0x2ce: {  	[tilespmem:s8], [sflag:$0x3] =	stream.indirect_vreg.gather [hbm4b:s12+s3], $0x80, v3, vm0, $0xb8;
	[tilespmem:$0x10200] =	vst v63  }
0x2cf: {  	v3 =	vld [tilespmem:$0x190];
	_ =	sdelay $0x4  }
0x2d0: {  	v25 =	vshll.u32 v3, $0x1  }
0x2d1: {  	v3 =	vand.u32 $0x7, v3;
	v4 =	vand.u32 $0xFFFFFFF0, v25  }
0x2d2: {  	v3 =	vor.u32 v3, v4  }
0x2d3: {  	v4 =	vperm.xlane v3, v0;
	_ =	sdelay $0x1  }
0x2d4: {  	v3 =	vperm.xlane v3, v2;
	v4 =	vadd.s32 v1, v4;
	_ =	sdelay $0x1  }
0x2d5: {  	v3 =	vadd.s32 v1, v3;
	_ =	sdelay $0x1  }
0x2d6: {  	s19 =	simm.s32 $0x9200  }
0x2d7: {  	[tilespmem:s19], [sflag:$0x3] =	stream.indirect_vreg.gather [hbm4b:s12+s3], $0x80, v4, vm0, $0xb8;
	[tilespmem:$0x10200] =	vst v63  }
0x2d8: {  	s20 =	simm.s32 $0x9A00  }
0x2d9: {  	[tilespmem:s20], [sflag:$0x3] =	stream.indirect_vreg.gather [hbm4b:s12+s3], $0x80, v3, vm0, $0xb8;
	[tilespmem:$0x10200] =	vst v63  }
0x2da: {  	v3 =	vld [tilespmem:$0x1A0];
	_ =	sdelay $0x4  }
0x2db: {  	v26 =	vshll.u32 v3, $0x1  }
0x2dc: {  	v3 =	vand.u32 $0x7, v3;
	v4 =	vand.u32 $0xFFFFFFF0, v26  }
0x2dd: {  	v3 =	vor.u32 v3, v4  }
0x2de: {  	v4 =	vperm.xlane v3, v0;
	_ =	sdelay $0x1  }
0x2df: {  	v3 =	vperm.xlane v3, v2;
	v4 =	vadd.s32 v1, v4;
	_ =	sdelay $0x1  }
0x2e0: {  	v3 =	vadd.s32 v1, v3;
	_ =	sdelay $0x1  }
0x2e1: {  	s24 =	simm.s32 $0xA200  }
0x2e2: {  	[tilespmem:s24], [sflag:$0x3] =	stream.indirect_vreg.gather [hbm4b:s12+s3], $0x80, v4, vm0, $0xb8;
	[tilespmem:$0x10200] =	vst v63  }
0x2e3: {  	s25 =	simm.s32 $0xAA00  }
0x2e4: {  	[tilespmem:s25], [sflag:$0x3] =	stream.indirect_vreg.gather [hbm4b:s12+s3], $0x80, v3, vm0, $0xb8;
	[tilespmem:$0x10200] =	vst v63  }
0x2e5: {  	v3 =	vld [tilespmem:$0x1B0];
	_ =	sdelay $0x4  }
0x2e6: {  	v27 =	vshll.u32 v3, $0x1  }
0x2e7: {  	v3 =	vand.u32 $0x7, v3;
	v4 =	vand.u32 $0xFFFFFFF0, v27  }
0x2e8: {  	v3 =	vor.u32 v3, v4  }
0x2e9: {  	v4 =	vperm.xlane v3, v0;
	_ =	sdelay $0x1  }
0x2ea: {  	v3 =	vperm.xlane v3, v2;
	v4 =	vadd.s32 v1, v4;
	_ =	sdelay $0x1  }
0x2eb: {  	v3 =	vadd.s32 v1, v3;
	_ =	sdelay $0x1  }
0x2ec: {  	s21 =	simm.s32 $0xB200  }
0x2ed: {  	[tilespmem:s21], [sflag:$0x3] =	stream.indirect_vreg.gather [hbm4b:s12+s3], $0x80, v4, vm0, $0xb8;
	[tilespmem:$0x10200] =	vst v63  }
0x2ee: {  	s28 =	simm.s32 $0xBA00  }
0x2ef: {  	[tilespmem:s28], [sflag:$0x3] =	stream.indirect_vreg.gather [hbm4b:s12+s3], $0x80, v3, vm0, $0xb8;
	[tilespmem:$0x10200] =	vst v63  }
0x2f0: {  	_ =	swait.ge [sflag:s6], $0x4000  }
0x2f1: {  	[sflag:s6] =	ssyncset.done $0x0;
	s4 =	rddreg [dreg:$0x10]  }
0x2f2: {  	s18 =	simm.s32 $0xC200;
	[sflag:s6] =	ssyncadd.s32 $0xFFFFC000;
	s24 =	sadd.s32 s4, s15  }
0x2f3: {  	[hbm4b:s24+s3] =	stream.linear.scatter [tilespmem:s18], [sflag:$0x8], $0x4000, $0x38;
	[tilespmem:$0x10200] =	vst v63  }
0x2f4: {  	_ =	swait.ge [sflag:s7], $0x4000  }
0x2f5: {  	[sflag:s7] =	ssyncset.done $0x0  }
0x2f6: {  	[sflag:s7] =	ssyncadd.s32 $0xFFFFC000  }
0x2f7: {  	v3 =	vld [tilespmem:$0x1C0];
	_ =	sdelay $0x4  }
0x2f8: {  	v28 =	vshll.u32 v3, $0x1  }
0x2f9: {  	v3 =	vand.u32 $0x7, v3;
	v4 =	vand.u32 $0xFFFFFFF0, v28  }
0x2fa: {  	v3 =	vor.u32 v3, v4  }
0x2fb: {  	v4 =	vperm.xlane v3, v0;
	_ =	sdelay $0x1  }
0x2fc: {  	v3 =	vperm.xlane v3, v2;
	v4 =	vadd.s32 v1, v4;
	_ =	sdelay $0x1  }
0x2fd: {  	v3 =	vadd.s32 v1, v3;
	_ =	sdelay $0x2  }
0x2fe: {  	[tilespmem:s18], [sflag:$0x4] =	stream.indirect_vreg.gather [hbm4b:s12+s3], $0x80, v4, vm0, $0xb8;
	[tilespmem:$0x10200] =	vst v63  }
0x2ff: {  	s25 =	simm.s32 $0xCA00  }
0x300: {  	[tilespmem:s25], [sflag:$0x4] =	stream.indirect_vreg.gather [hbm4b:s12+s3], $0x80, v3, vm0, $0xb8;
	[tilespmem:$0x10200] =	vst v63  }
0x301: {  	v3 =	vld [tilespmem:$0x1D0];
	_ =	sdelay $0x4  }
0x302: {  	v29 =	vshll.u32 v3, $0x1  }
0x303: {  	v3 =	vand.u32 $0x7, v3;
	v4 =	vand.u32 $0xFFFFFFF0, v29  }
0x304: {  	v3 =	vor.u32 v3, v4  }
0x305: {  	v4 =	vperm.xlane v3, v0;
	_ =	sdelay $0x1  }
0x306: {  	v3 =	vperm.xlane v3, v2;
	v4 =	vadd.s32 v1, v4;
	_ =	sdelay $0x1  }
0x307: {  	v3 =	vadd.s32 v1, v3;
	_ =	sdelay $0x1  }
0x308: {  	s23 =	simm.s32 $0xD200  }
0x309: {  	[tilespmem:s23], [sflag:$0x4] =	stream.indirect_vreg.gather [hbm4b:s12+s3], $0x80, v4, vm0, $0xb8;
	[tilespmem:$0x10200] =	vst v63  }
0x30a: {  	s26 =	simm.s32 $0xDA00  }
0x30b: {  	[tilespmem:s26], [sflag:$0x4] =	stream.indirect_vreg.gather [hbm4b:s12+s3], $0x80, v3, vm0, $0xb8;
	[tilespmem:$0x10200] =	vst v63  }
0x30c: {  	v3 =	vld [tilespmem:$0x1E0];
	_ =	sdelay $0x4  }
0x30d: {  	v30 =	vshll.u32 v3, $0x1  }
0x30e: {  	v3 =	vand.u32 $0x7, v3;
	v4 =	vand.u32 $0xFFFFFFF0, v30  }
0x30f: {  	v3 =	vor.u32 v3, v4  }
0x310: {  	v4 =	vperm.xlane v3, v0;
	_ =	sdelay $0x1  }
0x311: {  	v3 =	vperm.xlane v3, v2;
	v4 =	vadd.s32 v1, v4;
	_ =	sdelay $0x1  }
0x312: {  	v3 =	vadd.s32 v1, v3;
	_ =	sdelay $0x1  }
0x313: {  	s28 =	simm.s32 $0xE200  }
0x314: {  	[tilespmem:s28], [sflag:$0x4] =	stream.indirect_vreg.gather [hbm4b:s12+s3], $0x80, v4, vm0, $0xb8;
	[tilespmem:$0x10200] =	vst v63  }
0x315: {  	s19 =	simm.s32 $0xEA00  }
0x316: {  	[tilespmem:s19], [sflag:$0x4] =	stream.indirect_vreg.gather [hbm4b:s12+s3], $0x80, v3, vm0, $0xb8;
	[tilespmem:$0x10200] =	vst v63  }
0x317: {  	v3 =	vld [tilespmem:$0x1F0];
	_ =	sdelay $0x4  }
0x318: {  	v31 =	vshll.u32 v3, $0x1  }
0x319: {  	v3 =	vand.u32 $0x7, v3;
	v4 =	vand.u32 $0xFFFFFFF0, v31  }
0x31a: {  	v3 =	vor.u32 v3, v4  }
0x31b: {  	v4 =	vperm.xlane v3, v0;
	_ =	sdelay $0x1  }
0x31c: {  	v3 =	vperm.xlane v3, v2;
	v4 =	vadd.s32 v1, v4;
	_ =	sdelay $0x1  }
0x31d: {  	v3 =	vadd.s32 v1, v3;
	_ =	sdelay $0x1  }
0x31e: {  	s20 =	simm.s32 $0xF200  }
0x31f: {  	[tilespmem:s20], [sflag:$0x4] =	stream.indirect_vreg.gather [hbm4b:s12+s3], $0x80, v4, vm0, $0xb8;
	[tilespmem:$0x10200] =	vst v63  }
0x320: {  	s21 =	simm.s32 $0xFA00  }
0x321: {  	[tilespmem:s21], [sflag:$0x4] =	stream.indirect_vreg.gather [hbm4b:s12+s3], $0x80, v3, vm0, $0xb8;
	[tilespmem:$0x10200] =	vst v63  }
0x322: {  	_ =	swait.ge [sflag:s29], $0x4000  }
0x323: {  	[sflag:s29] =	ssyncset.done $0x0;
	s20 =	rddreg [dreg:$0x11]  }
0x324: {  	s5 =	simm.s32 $0x200;
	[sflag:s29] =	ssyncadd.s32 $0xFFFFC000;
	s23 =	sadd.s32 s20, s15  }
0x325: {  	[hbm4b:s23+s3] =	stream.linear.scatter [tilespmem:s5], [sflag:$0x5], $0x4000, $0x38;
	[tilespmem:$0x10200] =	vst v63  }
0x326: {  	_ =	swait.ge [sflag:s30], $0x4000  }
0x327: {  	[sflag:s30] =	ssyncset.done $0x0  }
0x328: {  	[sflag:s30] =	ssyncadd.s32 $0xFFFFC000  }
0x329: {  	v3 =	vld [tilespmem:$0x0];
	_ =	sdelay $0x4  }
0x32a: {  	v32 =	vshll.u32 v3, $0x1  }
0x32b: {  	v3 =	vand.u32 $0x7, v3;
	v4 =	vand.u32 $0xFFFFFFF0, v32  }
0x32c: {  	v3 =	vor.u32 v3, v4  }
0x32d: {  	v4 =	vperm.xlane v3, v0;
	_ =	sdelay $0x1  }
0x32e: {  	v3 =	vperm.xlane v3, v2;
	v4 =	vadd.s32 v1, v4;
	_ =	sdelay $0x1  }
0x32f: {  	v3 =	vadd.s32 v1, v3;
	_ =	sdelay $0x2  }
0x330: {  	[tilespmem:s5], [sflag:$0x1] =	stream.indirect_vreg.gather [hbm4b:s14+s3], $0x80, v4, vm0, $0xb8;
	[tilespmem:$0x10200] =	vst v63  }
0x331: {  	s24 =	simm.s32 $0xA00  }
0x332: {  	[tilespmem:s24], [sflag:$0x1] =	stream.indirect_vreg.gather [hbm4b:s14+s3], $0x80, v3, vm0, $0xb8;
	[tilespmem:$0x10200] =	vst v63  }
0x333: {  	v3 =	vld [tilespmem:$0x10];
	_ =	sdelay $0x4  }
0x334: {  	v33 =	vshll.u32 v3, $0x1  }
0x335: {  	v3 =	vand.u32 $0x7, v3;
	v4 =	vand.u32 $0xFFFFFFF0, v33  }
0x336: {  	v3 =	vor.u32 v3, v4  }
0x337: {  	v4 =	vperm.xlane v3, v0;
	_ =	sdelay $0x1  }
0x338: {  	v3 =	vperm.xlane v3, v2;
	v4 =	vadd.s32 v1, v4;
	_ =	sdelay $0x1  }
0x339: {  	v3 =	vadd.s32 v1, v3;
	_ =	sdelay $0x1  }
0x33a: {  	s25 =	simm.s32 $0x1200  }
0x33b: {  	[tilespmem:s25], [sflag:$0x1] =	stream.indirect_vreg.gather [hbm4b:s14+s3], $0x80, v4, vm0, $0xb8;
	[tilespmem:$0x10200] =	vst v63  }
0x33c: {  	s26 =	simm.s32 $0x1A00  }
0x33d: {  	[tilespmem:s26], [sflag:$0x1] =	stream.indirect_vreg.gather [hbm4b:s14+s3], $0x80, v3, vm0, $0xb8;
	[tilespmem:$0x10200] =	vst v63  }
0x33e: {  	v3 =	vld [tilespmem:$0x20];
	_ =	sdelay $0x4  }
0x33f: {  	v34 =	vshll.u32 v3, $0x1  }
0x340: {  	v3 =	vand.u32 $0x7, v3;
	v4 =	vand.u32 $0xFFFFFFF0, v34  }
0x341: {  	v3 =	vor.u32 v3, v4  }
0x342: {  	v4 =	vperm.xlane v3, v0;
	_ =	sdelay $0x1  }
0x343: {  	v3 =	vperm.xlane v3, v2;
	v4 =	vadd.s32 v1, v4;
	_ =	sdelay $0x1  }
0x344: {  	v3 =	vadd.s32 v1, v3;
	_ =	sdelay $0x1  }
0x345: {  	s28 =	simm.s32 $0x2200  }
0x346: {  	[tilespmem:s28], [sflag:$0x1] =	stream.indirect_vreg.gather [hbm4b:s14+s3], $0x80, v4, vm0, $0xb8;
	[tilespmem:$0x10200] =	vst v63  }
0x347: {  	s19 =	simm.s32 $0x2A00  }
0x348: {  	[tilespmem:s19], [sflag:$0x1] =	stream.indirect_vreg.gather [hbm4b:s14+s3], $0x80, v3, vm0, $0xb8;
	[tilespmem:$0x10200] =	vst v63  }
0x349: {  	v3 =	vld [tilespmem:$0x30];
	_ =	sdelay $0x4  }
0x34a: {  	v35 =	vshll.u32 v3, $0x1  }
0x34b: {  	v3 =	vand.u32 $0x7, v3;
	v4 =	vand.u32 $0xFFFFFFF0, v35  }
0x34c: {  	v3 =	vor.u32 v3, v4  }
0x34d: {  	v4 =	vperm.xlane v3, v0;
	_ =	sdelay $0x1  }
0x34e: {  	v3 =	vperm.xlane v3, v2;
	v4 =	vadd.s32 v1, v4;
	_ =	sdelay $0x1  }
0x34f: {  	v3 =	vadd.s32 v1, v3;
	_ =	sdelay $0x1  }
0x350: {  	s21 =	simm.s32 $0x3200  }
0x351: {  	[tilespmem:s21], [sflag:$0x1] =	stream.indirect_vreg.gather [hbm4b:s14+s3], $0x80, v4, vm0, $0xb8;
	[tilespmem:$0x10200] =	vst v63  }
0x352: {  	s22 =	simm.s32 $0x3A00  }
0x353: {  	[tilespmem:s22], [sflag:$0x1] =	stream.indirect_vreg.gather [hbm4b:s14+s3], $0x80, v3, vm0, $0xb8;
	[tilespmem:$0x10200] =	vst v63  }
0x354: {  	_ =	swait.ge [sflag:s31], $0x4000  }
0x355: {  	[sflag:s31] =	ssyncset.done $0x0;
	s21 =	rddreg [dreg:$0x12]  }
0x356: {  	s13 =	simm.s32 $0x4200;
	[sflag:s31] =	ssyncadd.s32 $0xFFFFC000;
	s23 =	sadd.s32 s21, s15  }
0x357: {  	[hbm4b:s23+s3] =	stream.linear.scatter [tilespmem:s13], [sflag:$0x6], $0x4000, $0x38;
	[tilespmem:$0x10200] =	vst v63  }
0x358: {  	_ =	swait.ge [sflag:s0], $0x4000  }
0x359: {  	[sflag:s0] =	ssyncset.done $0x0  }
0x35a: {  	[sflag:s0] =	ssyncadd.s32 $0xFFFFC000  }
0x35b: {  	v3 =	vld [tilespmem:$0x40];
	_ =	sdelay $0x4  }
0x35c: {  	v36 =	vshll.u32 v3, $0x1  }
0x35d: {  	v3 =	vand.u32 $0x7, v3;
	v4 =	vand.u32 $0xFFFFFFF0, v36  }
0x35e: {  	v3 =	vor.u32 v3, v4  }
0x35f: {  	v4 =	vperm.xlane v3, v0;
	_ =	sdelay $0x1  }
0x360: {  	v3 =	vperm.xlane v3, v2;
	v4 =	vadd.s32 v1, v4;
	_ =	sdelay $0x1  }
0x361: {  	v3 =	vadd.s32 v1, v3;
	_ =	sdelay $0x2  }
0x362: {  	[tilespmem:s13], [sflag:$0x2] =	stream.indirect_vreg.gather [hbm4b:s14+s3], $0x80, v4, vm0, $0xb8;
	[tilespmem:$0x10200] =	vst v63  }
0x363: {  	s25 =	simm.s32 $0x4A00  }
0x364: {  	[tilespmem:s25], [sflag:$0x2] =	stream.indirect_vreg.gather [hbm4b:s14+s3], $0x80, v3, vm0, $0xb8;
	[tilespmem:$0x10200] =	vst v63  }
0x365: {  	v3 =	vld [tilespmem:$0x50];
	_ =	sdelay $0x4  }
0x366: {  	v37 =	vshll.u32 v3, $0x1  }
0x367: {  	v3 =	vand.u32 $0x7, v3;
	v4 =	vand.u32 $0xFFFFFFF0, v37  }
0x368: {  	v3 =	vor.u32 v3, v4  }
0x369: {  	v4 =	vperm.xlane v3, v0;
	_ =	sdelay $0x1  }
0x36a: {  	v3 =	vperm.xlane v3, v2;
	v4 =	vadd.s32 v1, v4;
	_ =	sdelay $0x1  }
0x36b: {  	v3 =	vadd.s32 v1, v3;
	_ =	sdelay $0x1  }
0x36c: {  	s28 =	simm.s32 $0x5200  }
0x36d: {  	[tilespmem:s28], [sflag:$0x2] =	stream.indirect_vreg.gather [hbm4b:s14+s3], $0x80, v4, vm0, $0xb8;
	[tilespmem:$0x10200] =	vst v63  }
0x36e: {  	s13 =	simm.s32 $0x5A00  }
0x36f: {  	[tilespmem:s13], [sflag:$0x2] =	stream.indirect_vreg.gather [hbm4b:s14+s3], $0x80, v3, vm0, $0xb8;
	[tilespmem:$0x10200] =	vst v63  }
0x370: {  	v3 =	vld [tilespmem:$0x60];
	_ =	sdelay $0x4  }
0x371: {  	v38 =	vshll.u32 v3, $0x1  }
0x372: {  	v3 =	vand.u32 $0x7, v3;
	v4 =	vand.u32 $0xFFFFFFF0, v38  }
0x373: {  	v3 =	vor.u32 v3, v4  }
0x374: {  	v4 =	vperm.xlane v3, v0;
	_ =	sdelay $0x1  }
0x375: {  	v3 =	vperm.xlane v3, v2;
	v4 =	vadd.s32 v1, v4;
	_ =	sdelay $0x1  }
0x376: {  	v3 =	vadd.s32 v1, v3;
	_ =	sdelay $0x1  }
0x377: {  	s22 =	simm.s32 $0x6200  }
0x378: {  	[tilespmem:s22], [sflag:$0x2] =	stream.indirect_vreg.gather [hbm4b:s14+s3], $0x80, v4, vm0, $0xb8;
	[tilespmem:$0x10200] =	vst v63  }
0x379: {  	s23 =	simm.s32 $0x6A00  }
0x37a: {  	[tilespmem:s23], [sflag:$0x2] =	stream.indirect_vreg.gather [hbm4b:s14+s3], $0x80, v3, vm0, $0xb8;
	[tilespmem:$0x10200] =	vst v63  }
0x37b: {  	v3 =	vld [tilespmem:$0x70];
	_ =	sdelay $0x4  }
0x37c: {  	v39 =	vshll.u32 v3, $0x1  }
0x37d: {  	v3 =	vand.u32 $0x7, v3;
	v4 =	vand.u32 $0xFFFFFFF0, v39  }
0x37e: {  	v3 =	vor.u32 v3, v4  }
0x37f: {  	v4 =	vperm.xlane v3, v0;
	_ =	sdelay $0x1  }
0x380: {  	v3 =	vperm.xlane v3, v2;
	v4 =	vadd.s32 v1, v4;
	_ =	sdelay $0x1  }
0x381: {  	v3 =	vadd.s32 v1, v3;
	_ =	sdelay $0x1  }
0x382: {  	s13 =	simm.s32 $0x7200  }
0x383: {  	[tilespmem:s13], [sflag:$0x2] =	stream.indirect_vreg.gather [hbm4b:s14+s3], $0x80, v4, vm0, $0xb8;
	[tilespmem:$0x10200] =	vst v63  }
0x384: {  	s22 =	simm.s32 $0x7A00  }
0x385: {  	[tilespmem:s22], [sflag:$0x2] =	stream.indirect_vreg.gather [hbm4b:s14+s3], $0x80, v3, vm0, $0xb8;
	[tilespmem:$0x10200] =	vst v63  }
0x386: {  	_ =	swait.ge [sflag:s1], $0x4000  }
0x387: {  	[sflag:s1] =	ssyncset.done $0x0;
	s22 =	rddreg [dreg:$0x13]  }
0x388: {  	s16 =	simm.s32 $0x8200;
	[sflag:s1] =	ssyncadd.s32 $0xFFFFC000;
	s23 =	sadd.s32 s22, s15  }
0x389: {  	[hbm4b:s23+s3] =	stream.linear.scatter [tilespmem:s16], [sflag:$0x7], $0x4000, $0x38;
	[tilespmem:$0x10200] =	vst v63  }
0x38a: {  	_ =	swait.ge [sflag:s17], $0x4000  }
0x38b: {  	[sflag:s17] =	ssyncset.done $0x0  }
0x38c: {  	[sflag:s17] =	ssyncadd.s32 $0xFFFFC000  }
0x38d: {  	v3 =	vld [tilespmem:$0x80];
	_ =	sdelay $0x4  }
0x38e: {  	v40 =	vshll.u32 v3, $0x1  }
0x38f: {  	v3 =	vand.u32 $0x7, v3;
	v4 =	vand.u32 $0xFFFFFFF0, v40  }
0x390: {  	v3 =	vor.u32 v3, v4  }
0x391: {  	v4 =	vperm.xlane v3, v0;
	_ =	sdelay $0x1  }
0x392: {  	v3 =	vperm.xlane v3, v2;
	v4 =	vadd.s32 v1, v4;
	_ =	sdelay $0x1  }
0x393: {  	v3 =	vadd.s32 v1, v3;
	_ =	sdelay $0x2  }
0x394: {  	[tilespmem:s16], [sflag:$0x3] =	stream.indirect_vreg.gather [hbm4b:s14+s3], $0x80, v4, vm0, $0xb8;
	[tilespmem:$0x10200] =	vst v63  }
0x395: {  	s23 =	simm.s32 $0x8A00  }
0x396: {  	[tilespmem:s23], [sflag:$0x3] =	stream.indirect_vreg.gather [hbm4b:s14+s3], $0x80, v3, vm0, $0xb8;
	[tilespmem:$0x10200] =	vst v63  }
0x397: {  	v3 =	vld [tilespmem:$0x90];
	_ =	sdelay $0x4  }
0x398: {  	v41 =	vshll.u32 v3, $0x1  }
0x399: {  	v3 =	vand.u32 $0x7, v3;
	v4 =	vand.u32 $0xFFFFFFF0, v41  }
0x39a: {  	v3 =	vor.u32 v3, v4  }
0x39b: {  	v4 =	vperm.xlane v3, v0;
	_ =	sdelay $0x1  }
0x39c: {  	v3 =	vperm.xlane v3, v2;
	v4 =	vadd.s32 v1, v4;
	_ =	sdelay $0x1  }
0x39d: {  	v3 =	vadd.s32 v1, v3;
	_ =	sdelay $0x1  }
0x39e: {  	s16 =	simm.s32 $0x9200  }
0x39f: {  	[tilespmem:s16], [sflag:$0x3] =	stream.indirect_vreg.gather [hbm4b:s14+s3], $0x80, v4, vm0, $0xb8;
	[tilespmem:$0x10200] =	vst v63  }
0x3a0: {  	s23 =	simm.s32 $0x9A00  }
0x3a1: {  	[tilespmem:s23], [sflag:$0x3] =	stream.indirect_vreg.gather [hbm4b:s14+s3], $0x80, v3, vm0, $0xb8;
	[tilespmem:$0x10200] =	vst v63  }
0x3a2: {  	v3 =	vld [tilespmem:$0xA0];
	_ =	sdelay $0x4  }
0x3a3: {  	v42 =	vshll.u32 v3, $0x1  }
0x3a4: {  	v3 =	vand.u32 $0x7, v3;
	v4 =	vand.u32 $0xFFFFFFF0, v42  }
0x3a5: {  	v3 =	vor.u32 v3, v4  }
0x3a6: {  	v4 =	vperm.xlane v3, v0;
	_ =	sdelay $0x1  }
0x3a7: {  	v3 =	vperm.xlane v3, v2;
	v4 =	vadd.s32 v1, v4;
	_ =	sdelay $0x1  }
0x3a8: {  	v3 =	vadd.s32 v1, v3;
	_ =	sdelay $0x1  }
0x3a9: {  	s16 =	simm.s32 $0xA200  }
0x3aa: {  	[tilespmem:s16], [sflag:$0x3] =	stream.indirect_vreg.gather [hbm4b:s14+s3], $0x80, v4, vm0, $0xb8;
	[tilespmem:$0x10200] =	vst v63  }
0x3ab: {  	s23 =	simm.s32 $0xAA00  }
0x3ac: {  	[tilespmem:s23], [sflag:$0x3] =	stream.indirect_vreg.gather [hbm4b:s14+s3], $0x80, v3, vm0, $0xb8;
	[tilespmem:$0x10200] =	vst v63  }
0x3ad: {  	v3 =	vld [tilespmem:$0xB0];
	_ =	sdelay $0x4  }
0x3ae: {  	v43 =	vshll.u32 v3, $0x1  }
0x3af: {  	v3 =	vand.u32 $0x7, v3;
	v4 =	vand.u32 $0xFFFFFFF0, v43  }
0x3b0: {  	v3 =	vor.u32 v3, v4  }
0x3b1: {  	v4 =	vperm.xlane v3, v0;
	_ =	sdelay $0x1  }
0x3b2: {  	v3 =	vperm.xlane v3, v2;
	v4 =	vadd.s32 v1, v4;
	_ =	sdelay $0x1  }
0x3b3: {  	v3 =	vadd.s32 v1, v3;
	_ =	sdelay $0x1  }
0x3b4: {  	s16 =	simm.s32 $0xB200  }
0x3b5: {  	[tilespmem:s16], [sflag:$0x3] =	stream.indirect_vreg.gather [hbm4b:s14+s3], $0x80, v4, vm0, $0xb8;
	[tilespmem:$0x10200] =	vst v63  }
0x3b6: {  	s23 =	simm.s32 $0xBA00  }
0x3b7: {  	[tilespmem:s23], [sflag:$0x3] =	stream.indirect_vreg.gather [hbm4b:s14+s3], $0x80, v3, vm0, $0xb8;
	[tilespmem:$0x10200] =	vst v63  }
0x3b8: {  	_ =	swait.ge [sflag:s6], $0x4000  }
0x3b9: {  	[sflag:s6] =	ssyncset.done $0x0;
	s23 =	rddreg [dreg:$0x14]  }
0x3ba: {  	[sflag:s6] =	ssyncadd.s32 $0xFFFFC000;
	s15 =	sadd.s32 s23, s15  }
0x3bb: {  	[hbm4b:s15+s3] =	stream.linear.scatter [tilespmem:s18], [sflag:$0x8], $0x4000, $0x38;
	[tilespmem:$0x10200] =	vst v63  }
0x3bc: {  	_ =	swait.ge [sflag:s7], $0x4000  }
0x3bd: {  	[sflag:s7] =	ssyncset.done $0x0  }
0x3be: {  	[sflag:s7] =	ssyncadd.s32 $0xFFFFC000  }
0x3bf: {  	v3 =	vld [tilespmem:$0xC0];
	_ =	sdelay $0x4  }
0x3c0: {  	v44 =	vshll.u32 v3, $0x1  }
0x3c1: {  	v3 =	vand.u32 $0x7, v3;
	v4 =	vand.u32 $0xFFFFFFF0, v44  }
0x3c2: {  	v3 =	vor.u32 v3, v4  }
0x3c3: {  	v4 =	vperm.xlane v3, v0;
	_ =	sdelay $0x1  }
0x3c4: {  	v3 =	vperm.xlane v3, v2;
	v4 =	vadd.s32 v1, v4;
	_ =	sdelay $0x1  }
0x3c5: {  	v3 =	vadd.s32 v1, v3;
	_ =	sdelay $0x2  }
0x3c6: {  	[tilespmem:s18], [sflag:$0x4] =	stream.indirect_vreg.gather [hbm4b:s14+s3], $0x80, v4, vm0, $0xb8;
	[tilespmem:$0x10200] =	vst v63  }
0x3c7: {  	s16 =	simm.s32 $0xCA00  }
0x3c8: {  	[tilespmem:s16], [sflag:$0x4] =	stream.indirect_vreg.gather [hbm4b:s14+s3], $0x80, v3, vm0, $0xb8;
	[tilespmem:$0x10200] =	vst v63  }
0x3c9: {  	v3 =	vld [tilespmem:$0xD0];
	_ =	sdelay $0x4  }
0x3ca: {  	v45 =	vshll.u32 v3, $0x1  }
0x3cb: {  	v3 =	vand.u32 $0x7, v3;
	v4 =	vand.u32 $0xFFFFFFF0, v45  }
0x3cc: {  	v3 =	vor.u32 v3, v4  }
0x3cd: {  	v4 =	vperm.xlane v3, v0;
	_ =	sdelay $0x1  }
0x3ce: {  	v3 =	vperm.xlane v3, v2;
	v4 =	vadd.s32 v1, v4;
	_ =	sdelay $0x1  }
0x3cf: {  	v3 =	vadd.s32 v1, v3;
	_ =	sdelay $0x1  }
0x3d0: {  	s18 =	simm.s32 $0xD200  }
0x3d1: {  	[tilespmem:s18], [sflag:$0x4] =	stream.indirect_vreg.gather [hbm4b:s14+s3], $0x80, v4, vm0, $0xb8;
	[tilespmem:$0x10200] =	vst v63  }
0x3d2: {  	s15 =	simm.s32 $0xDA00  }
0x3d3: {  	[tilespmem:s15], [sflag:$0x4] =	stream.indirect_vreg.gather [hbm4b:s14+s3], $0x80, v3, vm0, $0xb8;
	[tilespmem:$0x10200] =	vst v63  }
0x3d4: {  	v3 =	vld [tilespmem:$0xE0];
	_ =	sdelay $0x4  }
0x3d5: {  	v46 =	vshll.u32 v3, $0x1  }
0x3d6: {  	v3 =	vand.u32 $0x7, v3;
	v4 =	vand.u32 $0xFFFFFFF0, v46  }
0x3d7: {  	v3 =	vor.u32 v3, v4  }
0x3d8: {  	v4 =	vperm.xlane v3, v0;
	_ =	sdelay $0x1  }
0x3d9: {  	v3 =	vperm.xlane v3, v2;
	v4 =	vadd.s32 v1, v4;
	_ =	sdelay $0x1  }
0x3da: {  	v3 =	vadd.s32 v1, v3;
	_ =	sdelay $0x1  }
0x3db: {  	s16 =	simm.s32 $0xE200  }
0x3dc: {  	[tilespmem:s16], [sflag:$0x4] =	stream.indirect_vreg.gather [hbm4b:s14+s3], $0x80, v4, vm0, $0xb8;
	[tilespmem:$0x10200] =	vst v63  }
0x3dd: {  	s15 =	simm.s32 $0xEA00  }
0x3de: {  	[tilespmem:s15], [sflag:$0x4] =	stream.indirect_vreg.gather [hbm4b:s14+s3], $0x80, v3, vm0, $0xb8;
	[tilespmem:$0x10200] =	vst v63  }
0x3df: {  	v3 =	vld [tilespmem:$0xF0];
	_ =	sdelay $0x4  }
0x3e0: {  	v47 =	vshll.u32 v3, $0x1  }
0x3e1: {  	v3 =	vand.u32 $0x7, v3;
	v4 =	vand.u32 $0xFFFFFFF0, v47  }
0x3e2: {  	v3 =	vor.u32 v3, v4  }
0x3e3: {  	v4 =	vperm.xlane v3, v0;
	_ =	sdelay $0x1  }
0x3e4: {  	v3 =	vperm.xlane v3, v2;
	v4 =	vadd.s32 v1, v4;
	_ =	sdelay $0x1  }
0x3e5: {  	v3 =	vadd.s32 v1, v3;
	_ =	sdelay $0x1  }
0x3e6: {  	s15 =	simm.s32 $0xF200  }
0x3e7: {  	[tilespmem:s15], [sflag:$0x4] =	stream.indirect_vreg.gather [hbm4b:s14+s3], $0x80, v4, vm0, $0xb8;
	[tilespmem:$0x10200] =	vst v63  }
0x3e8: {  	s15 =	simm.s32 $0xFA00  }
0x3e9: {  	[tilespmem:s15], [sflag:$0x4] =	stream.indirect_vreg.gather [hbm4b:s14+s3], $0x80, v3, vm0, $0xb8;
	[tilespmem:$0x10200] =	vst v63  }
0x3ea: {  	_ =	swait.ge [sflag:s29], $0x4000  }
0x3eb: {  	[sflag:s29] =	ssyncset.done $0x0;
	s15 =	rddreg [dreg:$0x17]  }
0x3ec: {  	[sflag:s29] =	ssyncadd.s32 $0xFFFFC000;
	s8 =	sadd.s32 s9, s15;
	s9 =	simm.s32 $0x200  }
0x3ed: {  	[hbm4b:s8+s3] =	stream.linear.scatter [tilespmem:s9], [sflag:$0x5], $0x4000, $0x38;
	[tilespmem:$0x10200] =	vst v63  }
0x3ee: {  	_ =	swait.ge [sflag:s30], $0x4000  }
0x3ef: {  	[sflag:s30] =	ssyncset.done $0x0  }
0x3f0: {  	[sflag:s30] =	ssyncadd.s32 $0xFFFFC000  }
0x3f1: {  	v3 =	vld [tilespmem:$0x100];
	_ =	sdelay $0x4  }
0x3f2: {  	v48 =	vshll.u32 v3, $0x1  }
0x3f3: {  	v3 =	vand.u32 $0x7, v3;
	v4 =	vand.u32 $0xFFFFFFF0, v48  }
0x3f4: {  	v3 =	vor.u32 v3, v4  }
0x3f5: {  	v4 =	vperm.xlane v3, v0;
	_ =	sdelay $0x1  }
0x3f6: {  	v3 =	vperm.xlane v3, v2;
	v4 =	vadd.s32 v1, v4;
	_ =	sdelay $0x1  }
0x3f7: {  	v3 =	vadd.s32 v1, v3;
	_ =	sdelay $0x2  }
0x3f8: {  	[tilespmem:s9], [sflag:$0x1] =	stream.indirect_vreg.gather [hbm4b:s14+s3], $0x80, v4, vm0, $0xb8;
	[tilespmem:$0x10200] =	vst v63  }
0x3f9: {  	s5 =	simm.s32 $0xA00  }
0x3fa: {  	[tilespmem:s5], [sflag:$0x1] =	stream.indirect_vreg.gather [hbm4b:s14+s3], $0x80, v3, vm0, $0xb8;
	[tilespmem:$0x10200] =	vst v63  }
0x3fb: {  	v3 =	vld [tilespmem:$0x110];
	_ =	sdelay $0x4  }
0x3fc: {  	v49 =	vshll.u32 v3, $0x1  }
0x3fd: {  	v3 =	vand.u32 $0x7, v3;
	v4 =	vand.u32 $0xFFFFFFF0, v49  }
0x3fe: {  	v3 =	vor.u32 v3, v4  }
0x3ff: {  	v4 =	vperm.xlane v3, v0;
	_ =	sdelay $0x1  }
0x400: {  	v3 =	vperm.xlane v3, v2;
	v4 =	vadd.s32 v1, v4;
	_ =	sdelay $0x1  }
0x401: {  	v3 =	vadd.s32 v1, v3;
	_ =	sdelay $0x1  }
0x402: {  	s8 =	simm.s32 $0x1200  }
0x403: {  	[tilespmem:s8], [sflag:$0x1] =	stream.indirect_vreg.gather [hbm4b:s14+s3], $0x80, v4, vm0, $0xb8;
	[tilespmem:$0x10200] =	vst v63  }
0x404: {  	s8 =	simm.s32 $0x1A00  }
0x405: {  	[tilespmem:s8], [sflag:$0x1] =	stream.indirect_vreg.gather [hbm4b:s14+s3], $0x80, v3, vm0, $0xb8;
	[tilespmem:$0x10200] =	vst v63  }
0x406: {  	v3 =	vld [tilespmem:$0x120];
	_ =	sdelay $0x4  }
0x407: {  	v50 =	vshll.u32 v3, $0x1  }
0x408: {  	v3 =	vand.u32 $0x7, v3;
	v4 =	vand.u32 $0xFFFFFFF0, v50  }
0x409: {  	v3 =	vor.u32 v3, v4  }
0x40a: {  	v4 =	vperm.xlane v3, v0;
	_ =	sdelay $0x1  }
0x40b: {  	v3 =	vperm.xlane v3, v2;
	v4 =	vadd.s32 v1, v4;
	_ =	sdelay $0x1  }
0x40c: {  	v3 =	vadd.s32 v1, v3;
	_ =	sdelay $0x1  }
0x40d: {  	s8 =	simm.s32 $0x2200  }
0x40e: {  	[tilespmem:s8], [sflag:$0x1] =	stream.indirect_vreg.gather [hbm4b:s14+s3], $0x80, v4, vm0, $0xb8;
	[tilespmem:$0x10200] =	vst v63  }
0x40f: {  	s19 =	simm.s32 $0x2A00  }
0x410: {  	[tilespmem:s19], [sflag:$0x1] =	stream.indirect_vreg.gather [hbm4b:s14+s3], $0x80, v3, vm0, $0xb8;
	[tilespmem:$0x10200] =	vst v63  }
0x411: {  	v3 =	vld [tilespmem:$0x130];
	_ =	sdelay $0x4  }
0x412: {  	v51 =	vshll.u32 v3, $0x1  }
0x413: {  	v3 =	vand.u32 $0x7, v3;
	v4 =	vand.u32 $0xFFFFFFF0, v51  }
0x414: {  	v3 =	vor.u32 v3, v4  }
0x415: {  	v4 =	vperm.xlane v3, v0;
	_ =	sdelay $0x1  }
0x416: {  	v3 =	vperm.xlane v3, v2;
	v4 =	vadd.s32 v1, v4;
	_ =	sdelay $0x1  }
0x417: {  	v3 =	vadd.s32 v1, v3;
	_ =	sdelay $0x1  }
0x418: {  	s26 =	simm.s32 $0x3200  }
0x419: {  	[tilespmem:s26], [sflag:$0x1] =	stream.indirect_vreg.gather [hbm4b:s14+s3], $0x80, v4, vm0, $0xb8;
	[tilespmem:$0x10200] =	vst v63  }
0x41a: {  	s24 =	simm.s32 $0x3A00  }
0x41b: {  	[tilespmem:s24], [sflag:$0x1] =	stream.indirect_vreg.gather [hbm4b:s14+s3], $0x80, v3, vm0, $0xb8;
	[tilespmem:$0x10200] =	vst v63  }
0x41c: {  	_ =	swait.ge [sflag:s31], $0x4000  }
0x41d: {  	[sflag:s31] =	ssyncset.done $0x0  }
0x41e: {  	s10 =	sadd.s32 s10, s15;
	s19 =	simm.s32 $0x4200;
	[sflag:s31] =	ssyncadd.s32 $0xFFFFC000  }
0x41f: {  	[hbm4b:s10+s3] =	stream.linear.scatter [tilespmem:s19], [sflag:$0x6], $0x4000, $0x38;
	[tilespmem:$0x10200] =	vst v63  }
0x420: {  	_ =	swait.ge [sflag:s0], $0x4000  }
0x421: {  	[sflag:s0] =	ssyncset.done $0x0  }
0x422: {  	[sflag:s0] =	ssyncadd.s32 $0xFFFFC000  }
0x423: {  	v3 =	vld [tilespmem:$0x140];
	_ =	sdelay $0x4  }
0x424: {  	v52 =	vshll.u32 v3, $0x1  }
0x425: {  	v3 =	vand.u32 $0x7, v3;
	v4 =	vand.u32 $0xFFFFFFF0, v52  }
0x426: {  	v3 =	vor.u32 v3, v4  }
0x427: {  	v4 =	vperm.xlane v3, v0;
	_ =	sdelay $0x1  }
0x428: {  	v3 =	vperm.xlane v3, v2;
	v4 =	vadd.s32 v1, v4;
	_ =	sdelay $0x1  }
0x429: {  	v3 =	vadd.s32 v1, v3;
	_ =	sdelay $0x2  }
0x42a: {  	[tilespmem:s19], [sflag:$0x2] =	stream.indirect_vreg.gather [hbm4b:s14+s3], $0x80, v4, vm0, $0xb8;
	[tilespmem:$0x10200] =	vst v63  }
0x42b: {  	s24 =	simm.s32 $0x4A00  }
0x42c: {  	[tilespmem:s24], [sflag:$0x2] =	stream.indirect_vreg.gather [hbm4b:s14+s3], $0x80, v3, vm0, $0xb8;
	[tilespmem:$0x10200] =	vst v63  }
0x42d: {  	v3 =	vld [tilespmem:$0x150];
	_ =	sdelay $0x4  }
0x42e: {  	v53 =	vshll.u32 v3, $0x1  }
0x42f: {  	v3 =	vand.u32 $0x7, v3;
	v4 =	vand.u32 $0xFFFFFFF0, v53  }
0x430: {  	v3 =	vor.u32 v3, v4  }
0x431: {  	v4 =	vperm.xlane v3, v0;
	_ =	sdelay $0x1  }
0x432: {  	v3 =	vperm.xlane v3, v2;
	v4 =	vadd.s32 v1, v4;
	_ =	sdelay $0x1  }
0x433: {  	v3 =	vadd.s32 v1, v3;
	_ =	sdelay $0x1  }
0x434: {  	s25 =	simm.s32 $0x5200  }
0x435: {  	[tilespmem:s25], [sflag:$0x2] =	stream.indirect_vreg.gather [hbm4b:s14+s3], $0x80, v4, vm0, $0xb8;
	[tilespmem:$0x10200] =	vst v63  }
0x436: {  	s26 =	simm.s32 $0x5A00  }
0x437: {  	[tilespmem:s26], [sflag:$0x2] =	stream.indirect_vreg.gather [hbm4b:s14+s3], $0x80, v3, vm0, $0xb8;
	[tilespmem:$0x10200] =	vst v63  }
0x438: {  	v3 =	vld [tilespmem:$0x160];
	_ =	sdelay $0x4  }
0x439: {  	v54 =	vshll.u32 v3, $0x1  }
0x43a: {  	v3 =	vand.u32 $0x7, v3;
	v4 =	vand.u32 $0xFFFFFFF0, v54  }
0x43b: {  	v3 =	vor.u32 v3, v4  }
0x43c: {  	v4 =	vperm.xlane v3, v0;
	_ =	sdelay $0x1  }
0x43d: {  	v3 =	vperm.xlane v3, v2;
	v4 =	vadd.s32 v1, v4;
	_ =	sdelay $0x1  }
0x43e: {  	v3 =	vadd.s32 v1, v3;
	_ =	sdelay $0x1  }
0x43f: {  	s28 =	simm.s32 $0x6200  }
0x440: {  	[tilespmem:s28], [sflag:$0x2] =	stream.indirect_vreg.gather [hbm4b:s14+s3], $0x80, v4, vm0, $0xb8;
	[tilespmem:$0x10200] =	vst v63  }
0x441: {  	s28 =	simm.s32 $0x6A00  }
0x442: {  	[tilespmem:s28], [sflag:$0x2] =	stream.indirect_vreg.gather [hbm4b:s14+s3], $0x80, v3, vm0, $0xb8;
	[tilespmem:$0x10200] =	vst v63  }
0x443: {  	v3 =	vld [tilespmem:$0x170];
	_ =	sdelay $0x4  }
0x444: {  	v55 =	vshll.u32 v3, $0x1  }
0x445: {  	v3 =	vand.u32 $0x7, v3;
	v4 =	vand.u32 $0xFFFFFFF0, v55  }
0x446: {  	v3 =	vor.u32 v3, v4  }
0x447: {  	v4 =	vperm.xlane v3, v0;
	_ =	sdelay $0x1  }
0x448: {  	v3 =	vperm.xlane v3, v2;
	v4 =	vadd.s32 v1, v4;
	_ =	sdelay $0x1  }
0x449: {  	v3 =	vadd.s32 v1, v3;
	_ =	sdelay $0x1  }
0x44a: {  	s8 =	simm.s32 $0x7200  }
0x44b: {  	[tilespmem:s8], [sflag:$0x2] =	stream.indirect_vreg.gather [hbm4b:s14+s3], $0x80, v4, vm0, $0xb8;
	[tilespmem:$0x10200] =	vst v63  }
0x44c: {  	s13 =	simm.s32 $0x7A00  }
0x44d: {  	[tilespmem:s13], [sflag:$0x2] =	stream.indirect_vreg.gather [hbm4b:s14+s3], $0x80, v3, vm0, $0xb8;
	[tilespmem:$0x10200] =	vst v63  }
0x44e: {  	_ =	swait.ge [sflag:s1], $0x4000  }
0x44f: {  	[sflag:s1] =	ssyncset.done $0x0  }
0x450: {  	s19 =	sadd.s32 s11, s15;
	s24 =	simm.s32 $0x8200;
	[sflag:s1] =	ssyncadd.s32 $0xFFFFC000  }
0x451: {  	[hbm4b:s19+s3] =	stream.linear.scatter [tilespmem:s24], [sflag:$0x7], $0x4000, $0x38;
	[tilespmem:$0x10200] =	vst v63  }
0x452: {  	_ =	swait.ge [sflag:s17], $0x4000  }
0x453: {  	[sflag:s17] =	ssyncset.done $0x0  }
0x454: {  	[sflag:s17] =	ssyncadd.s32 $0xFFFFC000  }
0x455: {  	v3 =	vld [tilespmem:$0x180];
	_ =	sdelay $0x4  }
0x456: {  	v56 =	vshll.u32 v3, $0x1  }
0x457: {  	v3 =	vand.u32 $0x7, v3;
	v4 =	vand.u32 $0xFFFFFFF0, v56  }
0x458: {  	v3 =	vor.u32 v3, v4  }
0x459: {  	v4 =	vperm.xlane v3, v0;
	_ =	sdelay $0x1  }
0x45a: {  	v3 =	vperm.xlane v3, v2;
	v4 =	vadd.s32 v1, v4;
	_ =	sdelay $0x1  }
0x45b: {  	v3 =	vadd.s32 v1, v3;
	_ =	sdelay $0x2  }
0x45c: {  	[tilespmem:s24], [sflag:$0x3] =	stream.indirect_vreg.gather [hbm4b:s14+s3], $0x80, v4, vm0, $0xb8;
	[tilespmem:$0x10200] =	vst v63  }
0x45d: {  	s25 =	simm.s32 $0x8A00  }
0x45e: {  	[tilespmem:s25], [sflag:$0x3] =	stream.indirect_vreg.gather [hbm4b:s14+s3], $0x80, v3, vm0, $0xb8;
	[tilespmem:$0x10200] =	vst v63  }
0x45f: {  	v3 =	vld [tilespmem:$0x190];
	_ =	sdelay $0x4  }
0x460: {  	v57 =	vshll.u32 v3, $0x1  }
0x461: {  	v3 =	vand.u32 $0x7, v3;
	v4 =	vand.u32 $0xFFFFFFF0, v57  }
0x462: {  	v3 =	vor.u32 v3, v4  }
0x463: {  	v4 =	vperm.xlane v3, v0;
	_ =	sdelay $0x1  }
0x464: {  	v3 =	vperm.xlane v3, v2;
	v4 =	vadd.s32 v1, v4;
	_ =	sdelay $0x1  }
0x465: {  	v3 =	vadd.s32 v1, v3;
	_ =	sdelay $0x1  }
0x466: {  	s26 =	simm.s32 $0x9200  }
0x467: {  	[tilespmem:s26], [sflag:$0x3] =	stream.indirect_vreg.gather [hbm4b:s14+s3], $0x80, v4, vm0, $0xb8;
	[tilespmem:$0x10200] =	vst v63  }
0x468: {  	s28 =	simm.s32 $0x9A00  }
0x469: {  	[tilespmem:s28], [sflag:$0x3] =	stream.indirect_vreg.gather [hbm4b:s14+s3], $0x80, v3, vm0, $0xb8;
	[tilespmem:$0x10200] =	vst v63  }
0x46a: {  	v3 =	vld [tilespmem:$0x1A0];
	_ =	sdelay $0x4  }
0x46b: {  	v58 =	vshll.u32 v3, $0x1  }
0x46c: {  	v3 =	vand.u32 $0x7, v3;
	v4 =	vand.u32 $0xFFFFFFF0, v58  }
0x46d: {  	v3 =	vor.u32 v3, v4  }
0x46e: {  	v4 =	vperm.xlane v3, v0;
	_ =	sdelay $0x1  }
0x46f: {  	v3 =	vperm.xlane v3, v2;
	v4 =	vadd.s32 v1, v4;
	_ =	sdelay $0x1  }
0x470: {  	v3 =	vadd.s32 v1, v3;
	_ =	sdelay $0x1  }
0x471: {  	s11 =	simm.s32 $0xA200  }
0x472: {  	[tilespmem:s11], [sflag:$0x3] =	stream.indirect_vreg.gather [hbm4b:s14+s3], $0x80, v4, vm0, $0xb8;
	[tilespmem:$0x10200] =	vst v63  }
0x473: {  	s13 =	simm.s32 $0xAA00  }
0x474: {  	[tilespmem:s13], [sflag:$0x3] =	stream.indirect_vreg.gather [hbm4b:s14+s3], $0x80, v3, vm0, $0xb8;
	[tilespmem:$0x10200] =	vst v63  }
0x475: {  	v3 =	vld [tilespmem:$0x1B0];
	_ =	sdelay $0x4  }
0x476: {  	v59 =	vshll.u32 v3, $0x1  }
0x477: {  	v3 =	vand.u32 $0x7, v3;
	v4 =	vand.u32 $0xFFFFFFF0, v59  }
0x478: {  	v3 =	vor.u32 v3, v4  }
0x479: {  	v4 =	vperm.xlane v3, v0;
	_ =	sdelay $0x1  }
0x47a: {  	v3 =	vperm.xlane v3, v2;
	v4 =	vadd.s32 v1, v4;
	_ =	sdelay $0x1  }
0x47b: {  	v3 =	vadd.s32 v1, v3;
	_ =	sdelay $0x1  }
0x47c: {  	s19 =	simm.s32 $0xB200  }
0x47d: {  	[tilespmem:s19], [sflag:$0x3] =	stream.indirect_vreg.gather [hbm4b:s14+s3], $0x80, v4, vm0, $0xb8;
	[tilespmem:$0x10200] =	vst v63  }
0x47e: {  	s24 =	simm.s32 $0xBA00  }
0x47f: {  	[tilespmem:s24], [sflag:$0x3] =	stream.indirect_vreg.gather [hbm4b:s14+s3], $0x80, v3, vm0, $0xb8;
	[tilespmem:$0x10200] =	vst v63  }
0x480: {  	_ =	swait.ge [sflag:s6], $0x4000  }
0x481: {  	[sflag:s6] =	ssyncset.done $0x0  }
0x482: {  	s25 =	sadd.s32 s4, s15;
	s26 =	simm.s32 $0xC200;
	[sflag:s6] =	ssyncadd.s32 $0xFFFFC000  }
0x483: {  	[hbm4b:s25+s3] =	stream.linear.scatter [tilespmem:s26], [sflag:$0x8], $0x4000, $0x38;
	[tilespmem:$0x10200] =	vst v63  }
0x484: {  	s4 =	rddreg [dreg:$0x15];
	_ =	swait.ge [sflag:s7], $0x4000  }
0x485: {  	[sflag:s7] =	ssyncset.done $0x0  }
0x486: {  	[sflag:s7] =	ssyncadd.s32 $0xFFFFC000  }
0x487: {  	v3 =	vld [tilespmem:$0x1C0];
	_ =	sdelay $0x4  }
0x488: {  	v60 =	vshll.u32 v3, $0x1  }
0x489: {  	v3 =	vand.u32 $0x7, v3;
	v4 =	vand.u32 $0xFFFFFFF0, v60  }
0x48a: {  	v3 =	vor.u32 v3, v4  }
0x48b: {  	v4 =	vperm.xlane v3, v0;
	_ =	sdelay $0x1  }
0x48c: {  	v3 =	vperm.xlane v3, v2;
	v4 =	vadd.s32 v1, v4;
	_ =	sdelay $0x1  }
0x48d: {  	v3 =	vadd.s32 v1, v3;
	_ =	sdelay $0x2  }
0x48e: {  	[tilespmem:s26], [sflag:$0x4] =	stream.indirect_vreg.gather [hbm4b:s14+s3], $0x80, v4, vm0, $0xb8;
	[tilespmem:$0x10200] =	vst v63  }
0x48f: {  	s28 =	simm.s32 $0xCA00  }
0x490: {  	[tilespmem:s28], [sflag:$0x4] =	stream.indirect_vreg.gather [hbm4b:s14+s3], $0x80, v3, vm0, $0xb8;
	[tilespmem:$0x10200] =	vst v63  }
0x491: {  	v3 =	vld [tilespmem:$0x1D0];
	_ =	sdelay $0x4  }
0x492: {  	v61 =	vshll.u32 v3, $0x1  }
0x493: {  	v3 =	vand.u32 $0x7, v3;
	v4 =	vand.u32 $0xFFFFFFF0, v61  }
0x494: {  	v3 =	vor.u32 v3, v4  }
0x495: {  	v4 =	vperm.xlane v3, v0;
	_ =	sdelay $0x1  }
0x496: {  	v3 =	vperm.xlane v3, v2;
	v4 =	vadd.s32 v1, v4;
	_ =	sdelay $0x1  }
0x497: {  	v3 =	vadd.s32 v1, v3;
	_ =	sdelay $0x1  }
0x498: {  	s18 =	simm.s32 $0xD200  }
0x499: {  	[tilespmem:s18], [sflag:$0x4] =	stream.indirect_vreg.gather [hbm4b:s14+s3], $0x80, v4, vm0, $0xb8;
	[tilespmem:$0x10200] =	vst v63  }
0x49a: {  	s13 =	simm.s32 $0xDA00  }
0x49b: {  	[tilespmem:s13], [sflag:$0x4] =	stream.indirect_vreg.gather [hbm4b:s14+s3], $0x80, v3, vm0, $0xb8;
	[tilespmem:$0x10200] =	vst v63  }
0x49c: {  	v3 =	vld [tilespmem:$0x1E0];
	_ =	sdelay $0x4  }
0x49d: {  	v62 =	vshll.u32 v3, $0x1  }
0x49e: {  	v3 =	vand.u32 $0x7, v3;
	v4 =	vand.u32 $0xFFFFFFF0, v62  }
0x49f: {  	v3 =	vor.u32 v3, v4  }
0x4a0: {  	v4 =	vperm.xlane v3, v0;
	_ =	sdelay $0x1  }
0x4a1: {  	v3 =	vperm.xlane v3, v2;
	v4 =	vadd.s32 v1, v4;
	_ =	sdelay $0x1  }
0x4a2: {  	v3 =	vadd.s32 v1, v3;
	_ =	sdelay $0x1  }
0x4a3: {  	s16 =	simm.s32 $0xE200  }
0x4a4: {  	[tilespmem:s16], [sflag:$0x4] =	stream.indirect_vreg.gather [hbm4b:s14+s3], $0x80, v4, vm0, $0xb8;
	[tilespmem:$0x10200] =	vst v63  }
0x4a5: {  	s16 =	simm.s32 $0xEA00  }
0x4a6: {  	[tilespmem:s16], [sflag:$0x4] =	stream.indirect_vreg.gather [hbm4b:s14+s3], $0x80, v3, vm0, $0xb8;
	[tilespmem:$0x10200] =	vst v63  }
0x4a7: {  	v3 =	vld [tilespmem:$0x1F0];
	_ =	sdelay $0x4  }
0x4a8: {  	v63 =	vshll.u32 v3, $0x1  }
0x4a9: {  	v3 =	vand.u32 $0x7, v3;
	v4 =	vand.u32 $0xFFFFFFF0, v63  }
0x4aa: {  	v3 =	vor.u32 v3, v4  }
0x4ab: {  	v4 =	vperm.xlane v3, v0;
	_ =	sdelay $0x1  }
0x4ac: {  	v3 =	vperm.xlane v3, v2;
	v4 =	vadd.s32 v1, v4;
	_ =	sdelay $0x1  }
0x4ad: {  	v3 =	vadd.s32 v1, v3;
	_ =	sdelay $0x1  }
0x4ae: {  	s18 =	simm.s32 $0xF200  }
0x4af: {  	[tilespmem:s18], [sflag:$0x4] =	stream.indirect_vreg.gather [hbm4b:s14+s3], $0x80, v4, vm0, $0xb8;
	[tilespmem:$0x10200] =	vst v63  }
0x4b0: {  	s19 =	simm.s32 $0xFA00  }
0x4b1: {  	[tilespmem:s19], [sflag:$0x4] =	stream.indirect_vreg.gather [hbm4b:s14+s3], $0x80, v3, vm0, $0xb8;
	[tilespmem:$0x10200] =	vst v63  }
0x4b2: {  	_ =	swait.ge [sflag:s29], $0x4000  }
0x4b3: {  	[sflag:s29] =	ssyncset.done $0x0  }
0x4b4: {  	s9 =	simm.s32 $0x200;
	s24 =	sadd.s32 s20, s15;
	[sflag:s29] =	ssyncadd.s32 $0xFFFFC000  }
0x4b5: {  	[hbm4b:s24+s3] =	stream.linear.scatter [tilespmem:s9], [sflag:$0x5], $0x4000, $0x38;
	[tilespmem:$0x10200] =	vst v63  }
0x4b6: {  	_ =	swait.ge [sflag:s31], $0x4000  }
0x4b7: {  	[sflag:s31] =	ssyncset.done $0x0  }
0x4b8: {  	s10 =	simm.s32 $0x4200;
	s25 =	sadd.s32 s21, s15;
	[sflag:s31] =	ssyncadd.s32 $0xFFFFC000  }
0x4b9: {  	[hbm4b:s25+s3] =	stream.linear.scatter [tilespmem:s10], [sflag:$0x6], $0x4000, $0x38;
	[tilespmem:$0x10200] =	vst v63  }
0x4ba: {  	_ =	swait.ge [sflag:s1], $0x4000  }
0x4bb: {  	[sflag:s1] =	ssyncset.done $0x0  }
0x4bc: {  	s5 =	simm.s32 $0x8200;
	s26 =	sadd.s32 s22, s15;
	[sflag:s1] =	ssyncadd.s32 $0xFFFFC000  }
0x4bd: {  	[hbm4b:s26+s3] =	stream.linear.scatter [tilespmem:s5], [sflag:$0x7], $0x4000, $0x38;
	[tilespmem:$0x10200] =	vst v63  }
0x4be: {  	_ =	swait.ge [sflag:s6], $0x4000  }
0x4bf: {  	[sflag:s6] =	ssyncset.done $0x0  }
0x4c0: {  	s11 =	simm.s32 $0xC200;
	s28 =	sadd.s32 s23, s15;
	[sflag:s6] =	ssyncadd.s32 $0xFFFFC000  }
0x4c1: {  	[hbm4b:s28+s3] =	stream.linear.scatter [tilespmem:s11], [sflag:$0x8], $0x4000, $0x38;
	[tilespmem:$0x10200] =	vst v63  }
0x4c2: {  	_ =	swait.ge [sflag:s30], $0x4000  }
0x4c3: {  	[sflag:s30] =	ssyncset.done $0x0  }
0x4c4: {  	[sflag:s30] =	ssyncadd.s32 $0xFFFFC000  }
0x4c5: {  	_ =	swait.ge [sflag:s0], $0x4000  }
0x4c6: {  	[sflag:s0] =	ssyncset.done $0x0  }
0x4c7: {  	[sflag:s0] =	ssyncadd.s32 $0xFFFFC000  }
0x4c8: {  	p0 =	sne.s32 s4, $0x1;
	_ =	swait.ge [sflag:s17], $0x4000  }
.Ltmp0:
0x4c9: {  	[sflag:s17] =	ssyncset.done $0x0;
	(pc) =	sbr.rel @p0 .LBB2_1-.Ltmp0, $4  }
0x4ca: {  	[sflag:s17] =	ssyncadd.s32 $0xFFFFC000  }
0x4cb: {  	_ =	swait.ge [sflag:s7], $0x4000  }
0x4cc: {  	[sflag:s7] =	ssyncset.done $0x0  }
0x4cd: {  	s4 =	sadd.s32 $0xFFFFFFFF, s4;
	[sflag:s7] =	ssyncadd.s32 $0xFFFFC000  }
0x4ce: {  	_ =	sfence.sel $0x180000  }
0x4cf: {  	[bflag:$0x0] =	sbarrier.arrive $0xFFFF  }
0x4d0: {  	_ =	strace $0x90000047  }
0x4d1: {  	s0 =	stileid.u32;
	[bflag:$0x2] =	sbarrier.arrive $0xFFFF  }
0x4d2: {  	p0 =	sne.s32 s0, $0x0;
	s0 =	rddreg [dreg:$0x3]  }
0x4d3: {  	s0 =	sadd.s32 @!p0 $0x100000, s0  }
0x4d4: {  	[sflag:s0] =	ssyncadd.tile.s32 @!p0 $0x1;
	_ =	shalt  }
.Lfunc_end2:
_tile_overlayer_lowered:
.L_overlay_start_2:
0x4d5: {  	(tag) =	ssettag $0x2  }
0x4d6: {  	s0 =	rddreg [dreg:$0x0];
	s2 =	stileid.u32  }
0x4d7: {  	s1 =	rddreg [dreg:$0x1];
	p0 =	sne.s32 s2, $0x0  }
0x4d8: {  	s3 =	rddreg [dreg:$0x2];
	[bflag:$0x3] =	sbarrier.arrive $0xFFFF;
	s2 =	simm.s32 @!p0 $0x1C09  }
0x4d9: {  	[timem:s3], [sflag:s2] =	dma.local @!p0 [hbm:s0], s1  }
0x4da: {  	s0 =	simm.s32 @!p0 $0x9  }
0x4db: {  	_ =	swait.ge @!p0 [sflag:s0], s1  }
0x4dc: {  	s1 =	ssub.s32 @!p0 $0x0, s1;
	[sflag:s0] =	ssyncset.done @!p0 $0x0  }
0x4dd: {  	[sflag:s0] =	ssyncadd.s32 @!p0 s1  }
0x4de: {  	[bflag:$0x3] =	sbarrier.arrive $0xFFFF  }
0x4df: {  	_ =	shalt  }

</sc_bundles>
